<compile_context>
chip_gen: v7x
topology: tpu7x:2x2x1
jax: 0.10.2.dev20260603
libtpu: 0.0.44.dev20260713+nightly
codegen_flags: <defaults>
</compile_context>

<pallas_src>
import functools

import jax
import jax.numpy as jnp
from jax import lax
from jax.experimental import pallas as pl
from jax.experimental.pallas import tpu as pltpu
from jax.experimental.pallas import tpu_sc as plsc

_VOCAB = 1000000
_EMB = 32
_B = 16384
_L = 50
_N = _B * _L

_NC = 2
_NS = 16
_NW = _NC * _NS
_PW = _N // _NW
_C = 512
_NCHUNK = _PW // _C
_BPL = _B // _C

_LANES = 16

_mesh = plsc.VectorSubcoreMesh(core_axis_name="c", subcore_axis_name="s")


@functools.partial(
    pl.kernel,
    out_type=jax.ShapeDtypeStruct((_L, _EMB, _B), jnp.float32),
    mesh=_mesh,
    scratch_types=[
        pltpu.VMEM((_PW,), jnp.int32),
        pltpu.VMEM((_C, _EMB), jnp.float32),
        pltpu.VMEM((_C, _EMB), jnp.float32),
        pltpu.VMEM((_EMB, _C), jnp.float32),
        pltpu.VMEM((_EMB, _C), jnp.float32),
        pltpu.SemaphoreType.DMA,
        pltpu.SemaphoreType.DMA,
        pltpu.SemaphoreType.DMA,
        pltpu.SemaphoreType.DMA,
    ],
    compiler_params=pltpu.CompilerParams(
        use_tc_tiling_on_sc=False, needs_layout_passes=False
    ),
)
def _gather(idx_hbm, table_hbm, out_t, idx_v, rows0, rows1, trows0, trows1,
            gsem0, gsem1, osem0, osem1):
    wid = lax.axis_index("s") * _NC + lax.axis_index("c")
    base = wid * _PW
    t0 = wid * _NCHUNK
    rows = (rows0, rows1)
    trows = (trows0, trows1)
    gsems = (gsem0, gsem1)
    osems = (osem0, osem1)

    pltpu.sync_copy(idx_hbm.at[pl.ds(base, _PW)], idx_v)

    def _gat(c, b):
        return pltpu.make_async_copy(
            table_hbm.at[idx_v.at[pl.ds(c * _C, _C)]], rows[b], gsems[b]
        )

    def _out(c, b):
        t = t0 + c
        l = t // _BPL
        b0 = (t % _BPL) * _C
        return pltpu.make_async_copy(
            trows[b], out_t.at[l, :, pl.ds(b0, _C)], osems[b]
        )

    def _transpose(b):
        lane = lax.iota(jnp.int32, _LANES)
        cids = [(lane + d) & (_EMB - 1) for d in range(_EMB)]

        @pl.loop(0, _C // _LANES, unroll=2)
        def _blk(j):
            ridx = j * _LANES + lane
            for d in range(_EMB):
                v = plsc.load_gather(rows[b], [ridx, cids[d]])
                plsc.store_scatter(trows[b], [cids[d], ridx], v)

    _gat(0, 0).start()

    @pl.loop(0, _NCHUNK, step=2)
    def _grp(g):
        for b in range(2):
            c = g + b

            @pl.when(c >= 2)
            def _():
                _out(c - 2, b).wait()

            @pl.when(c + 1 < _NCHUNK)
            def _():
                _gat(c + 1, 1 - b).start()

            _gat(c, b).wait()
            _transpose(b)
            plsc.subcore_barrier()
            _out(c, b).start()

    _out(_NCHUNK - 2, 0).wait()
    _out(_NCHUNK - 1, 1).wait()


def kernel(x, input_emb):
    res = _gather(x.T.reshape(_N), input_emb)
    return jnp.transpose(res, (2, 0, 1))

# --- scband reference (transcript-rebuilt; emitter-appended) ---
"""Pipeline reference for scband-embedder-11836929868025 (READ-ONLY COPY).

The authoritative reference and input builder live on the scoring server;
editing this copy changes nothing except your own understanding.
"""

import jax, jax.numpy as jnp
import numpy as np

VOCAB = 1000000
EMB = 32
B = 16384
L = 50


def setup_inputs(seed: int = 0) -> dict:
    key = jax.random.key(seed)
    k_idx, k_emb = jax.random.split(key)
    x = jax.random.randint(k_idx, (B, L), 0, VOCAB, dtype=jnp.int32)
    # learned parameter: embedding table, normal init (stddev=0.01 like nnx.initializers.normal())
    input_emb = jax.random.normal(k_emb, (VOCAB, EMB), dtype=jnp.float32) * 0.01
    return {"x": x, "input_emb": input_emb}


def reference(x, input_emb):
    # Embedder.encode: input_emb[x] gather (sharding annotation dropped on CPU)
    return jnp.take(input_emb, x, axis=0)

if __name__ == "__main__":
    import jax
    _d = setup_inputs()
    print(jax.jit(kernel)(*tuple(_d.values())))

</pallas_src>

<mosaic_0001>
#map = affine_map<(d0, d1) -> (0)>
#map1 = affine_map<(d0, d1) -> (0, 0)>
#map2 = affine_map<(d0, d1) -> (0, 0, 0)>
module attributes {stable_mosaic.version = 14 : i64} {
  func.func @_gather(%arg0: i32, %arg1: i32, %arg2: memref<819200xi32, #tpu.memory_space<hbm>>, %arg3: memref<1000000x32xf32, #tpu.memory_space<hbm>>, %arg4: memref<50x32x16384xf32, #tpu.memory_space<hbm>>, %arg5: memref<25600xi32, #tpu.memory_space<vmem>>, %arg6: memref<512x32xf32, #tpu.memory_space<vmem>>, %arg7: memref<512x32xf32, #tpu.memory_space<vmem>>, %arg8: memref<32x512xf32, #tpu.memory_space<vmem>>, %arg9: memref<32x512xf32, #tpu.memory_space<vmem>>, %arg10: memref<!tpu.dma_semaphore, #tpu.memory_space<semaphore_mem>>, %arg11: memref<!tpu.dma_semaphore, #tpu.memory_space<semaphore_mem>>, %arg12: memref<!tpu.dma_semaphore, #tpu.memory_space<semaphore_mem>>, %arg13: memref<!tpu.dma_semaphore, #tpu.memory_space<semaphore_mem>>) attributes {dimension_semantics = [#tpu.dimension_semantics<core_parallel>, #tpu.dimension_semantics<subcore_parallel>], iteration_bounds = array<i64: 2, 16>, scalar_prefetch = 0 : i64, scratch_operands = 9 : i64, tpu.core_type = #tpu.core_type<sc_vector_subcore>, window_params = [{transform_indices = #map}, {transform_indices = #map1}, {transform_indices = #map2}]} {
    %mul3A = arith.constant 2 : i32
    %mul3A_0 = arith.muli %arg1, %mul3A : i32
    %add3A = arith.addi %mul3A_0, %arg0 : i32
    %mul3A_1 = arith.constant 25600 : i32
    %mul3A_2 = arith.muli %add3A, %mul3A_1 : i32
    %mul3A_3 = arith.constant 50 : i32
    %mul3A_4 = arith.muli %add3A, %mul3A_3 : i32
    "tpu.region"() ({
      %run_scoped3A = tpu.sem_alloc : memref<!tpu.dma_semaphore, #tpu.memory_space<semaphore_mem>>
      %dma_start3A_102 = tpu.memref_slice %arg2[%mul3A_2] : memref<819200xi32, #tpu.memory_space<hbm>> -> memref<25600xi32, #tpu.memory_space<hbm>>
      %dma_start3A_103 = tpu.memref_slice %arg2[%mul3A_2] : memref<819200xi32, #tpu.memory_space<hbm>> -> memref<25600xi32, #tpu.memory_space<hbm>>
      tpu.enqueue_dma source(%dma_start3A_103 : memref<25600xi32, #tpu.memory_space<hbm>>) target(%arg5 : memref<25600xi32, #tpu.memory_space<vmem>>) target_semaphore(%run_scoped3A : memref<!tpu.dma_semaphore, #tpu.memory_space<semaphore_mem>>)
      %dma_wait3A_104 = tpu.memref_slice %arg2[%mul3A_2] : memref<819200xi32, #tpu.memory_space<hbm>> -> memref<25600xi32, #tpu.memory_space<hbm>>
      %dma_wait3A_105 = tpu.memref_slice %arg2[%mul3A_2] : memref<819200xi32, #tpu.memory_space<hbm>> -> memref<25600xi32, #tpu.memory_space<hbm>>
      tpu.wait_dma2 semaphore(%run_scoped3A : memref<!tpu.dma_semaphore, #tpu.memory_space<semaphore_mem>>) src(%dma_wait3A_105 : memref<25600xi32, #tpu.memory_space<hbm>>) dst(%arg5 : memref<25600xi32, #tpu.memory_space<vmem>>)
      tpu.yield
    }) : () -> ()
    %dma_start3A = arith.constant 0 : i32
    %dma_start3A_5 = tpu.memref_slice %arg5[%dma_start3A] : memref<25600xi32, #tpu.memory_space<vmem>> -> memref<512xi32, #tpu.memory_space<vmem>>
    %dma_start3A_6 = arith.constant 0 : i32
    %dma_start3A_7 = arith.constant 0 : i32
    %dma_start3A_8 = tpu.memref_slice %arg3[%dma_start3A_6, %dma_start3A_7] : memref<1000000x32xf32, #tpu.memory_space<hbm>> -> memref<1000000x32xf32, #tpu.memory_space<hbm>>
    tpu.enqueue_indirect_dma source(%dma_start3A_8 : memref<1000000x32xf32, #tpu.memory_space<hbm>>) target(%arg6 : memref<512x32xf32, #tpu.memory_space<vmem>>) offsets(%dma_start3A_5 : memref<512xi32, #tpu.memory_space<vmem>>) semaphore(%arg10 : memref<!tpu.dma_semaphore, #tpu.memory_space<semaphore_mem>>)
    %scan3A = arith.constant 0 : i32
    %scan3A_9 = arith.constant 25 : i32
    %scan3A_10 = arith.addi %scan3A, %scan3A_9 : i32
    %scan3A_11 = arith.constant 1 : i32
    scf.for %scan3A_102 = %scan3A to %scan3A_10 step %scan3A_11  : i32 {
      %mul3A_103 = arith.constant 2 : i32
      %mul3A_104 = arith.muli %scan3A_102, %mul3A_103 : i32
      %add3A_105 = arith.constant 0 : i32
      %add3A_106 = arith.addi %add3A_105, %mul3A_104 : i32
      %add3A_107 = arith.constant 0 : i32
      %add3A_108 = arith.addi %add3A_106, %add3A_107 : i32
      %ge3A = arith.constant 2 : i32
      %ge3A_109 = arith.cmpi sge, %add3A_108, %ge3A : i32
      %convert_element_type3A = arith.extui %ge3A_109 : i1 to i32
      %cond3A = arith.constant 0 : i32
      %cond3A_110 = arith.cmpi ne, %convert_element_type3A, %cond3A : i32
      scf.if %cond3A_110 {
        %sub3A_638 = arith.constant 2 : i32
        %sub3A_639 = arith.subi %add3A_108, %sub3A_638 : i32
        %add3A_640 = arith.addi %mul3A_4, %sub3A_639 : i32
        %jit3A_641 = arith.constant 32 : i32
        %div3A_642 = arith.divsi %add3A_640, %jit3A_641 : i32
        %sign3A_643 = arith.constant 0 : i32
        %sign3A_644 = arith.cmpi sgt, %add3A_640, %sign3A_643 : i32
        %sign3A_645 = arith.extui %sign3A_644 : i1 to i32
        %sign3A_646 = arith.constant 0 : i32
        %sign3A_647 = arith.cmpi slt, %add3A_640, %sign3A_646 : i32
        %sign3A_648 = arith.extui %sign3A_647 : i1 to i32
        %sign3A_649 = arith.subi %sign3A_645, %sign3A_648 : i32
        %sign3A_650 = arith.constant 0 : i32
        %sign3A_651 = arith.cmpi sgt, %jit3A_641, %sign3A_650 : i32
        %sign3A_652 = arith.extui %sign3A_651 : i1 to i32
        %sign3A_653 = arith.constant 0 : i32
        %sign3A_654 = arith.cmpi slt, %jit3A_641, %sign3A_653 : i32
        %sign3A_655 = arith.extui %sign3A_654 : i1 to i32
        %sign3A_656 = arith.subi %sign3A_652, %sign3A_655 : i32
        %ne3A_657 = arith.cmpi ne, %sign3A_649, %sign3A_656 : i32
        %rem3A_658 = arith.remsi %add3A_640, %jit3A_641 : i32
        %ne3A_659 = arith.constant 0 : i32
        %ne3A_660 = arith.cmpi ne, %rem3A_658, %ne3A_659 : i32
        %and3A_661 = arith.andi %ne3A_657, %ne3A_660 : i1
        %sub3A_662 = arith.constant 1 : i32
        %sub3A_663 = arith.subi %div3A_642, %sub3A_662 : i32
        %select_n3A_664 = arith.select %and3A_661, %sub3A_663, %div3A_642 : i32
        %jit3A_665 = arith.constant 32 : i32
        %eq3A_666 = arith.constant 0 : i32
        %eq3A_667 = arith.cmpi eq, %jit3A_665, %eq3A_666 : i32
        %jit3A_668 = arith.constant 1 : i32
        %select_n3A_669 = arith.select %eq3A_667, %jit3A_668, %jit3A_665 : i32
        %rem3A_670 = arith.remsi %add3A_640, %select_n3A_669 : i32
        %ne3A_671 = arith.constant 0 : i32
        %ne3A_672 = arith.cmpi ne, %rem3A_670, %ne3A_671 : i32
        %lt3A_673 = arith.constant 0 : i32
        %lt3A_674 = arith.cmpi slt, %rem3A_670, %lt3A_673 : i32
        %lt3A_675 = arith.constant 0 : i32
        %lt3A_676 = arith.cmpi slt, %select_n3A_669, %lt3A_675 : i32
        %ne3A_677 = arith.xori %lt3A_674, %lt3A_676 : i1
        %and3A_678 = arith.andi %ne3A_677, %ne3A_672 : i1
        %add3A_679 = arith.addi %rem3A_670, %select_n3A_669 : i32
        %select_n3A_680 = arith.select %and3A_678, %add3A_679, %rem3A_670 : i32
        %mul3A_681 = arith.constant 512 : i32
        %mul3A_682 = arith.muli %select_n3A_680, %mul3A_681 : i32
        %dma_wait3A_683 = arith.constant 0 : i32
        %dma_wait3A_684 = tpu.memref_slice %arg4[%select_n3A_664, %dma_wait3A_683, %mul3A_682] : memref<50x32x16384xf32, #tpu.memory_space<hbm>> -> memref<1x32x512xf32, #tpu.memory_space<hbm>>
        %dma_wait3A_685 = tpu.memref_squeeze %dma_wait3A_684 : memref<1x32x512xf32, #tpu.memory_space<hbm>> -> memref<32x512xf32, #tpu.memory_space<hbm>>
        %dma_wait3A_686 = arith.constant 0 : i32
        %dma_wait3A_687 = tpu.memref_slice %arg4[%select_n3A_664, %dma_wait3A_686, %mul3A_682] : memref<50x32x16384xf32, #tpu.memory_space<hbm>> -> memref<1x32x512xf32, #tpu.memory_space<hbm>>
        %dma_wait3A_688 = tpu.memref_squeeze %dma_wait3A_687 : memref<1x32x512xf32, #tpu.memory_space<hbm>> -> memref<32x512xf32, #tpu.memory_space<hbm>>
        tpu.wait_dma2 semaphore(%arg12 : memref<!tpu.dma_semaphore, #tpu.memory_space<semaphore_mem>>) src(%arg8 : memref<32x512xf32, #tpu.memory_space<vmem>>) dst(%dma_wait3A_688 : memref<32x512xf32, #tpu.memory_space<hbm>>)
      } else {
      }
      %add3A_111 = arith.constant 1 : i32
      %add3A_112 = arith.addi %add3A_108, %add3A_111 : i32
      %lt3A_113 = arith.constant 50 : i32
      %lt3A_114 = arith.cmpi slt, %add3A_112, %lt3A_113 : i32
      %convert_element_type3A_115 = arith.extui %lt3A_114 : i1 to i32
      %cond3A_116 = arith.constant 0 : i32
      %cond3A_117 = arith.cmpi ne, %convert_element_type3A_115, %cond3A_116 : i32
      scf.if %cond3A_117 {
        %add3A_638 = arith.constant 1 : i32
        %add3A_639 = arith.addi %add3A_108, %add3A_638 : i32
        %mul3A_640 = arith.constant 512 : i32
        %mul3A_641 = arith.muli %add3A_639, %mul3A_640 : i32
        %dma_start3A_642 = tpu.memref_slice %arg5[%mul3A_641] : memref<25600xi32, #tpu.memory_space<vmem>> -> memref<512xi32, #tpu.memory_space<vmem>>
        %dma_start3A_643 = arith.constant 0 : i32
        %dma_start3A_644 = arith.constant 0 : i32
        %dma_start3A_645 = tpu.memref_slice %arg3[%dma_start3A_643, %dma_start3A_644] : memref<1000000x32xf32, #tpu.memory_space<hbm>> -> memref<1000000x32xf32, #tpu.memory_space<hbm>>
        tpu.enqueue_indirect_dma source(%dma_start3A_645 : memref<1000000x32xf32, #tpu.memory_space<hbm>>) target(%arg7 : memref<512x32xf32, #tpu.memory_space<vmem>>) offsets(%dma_start3A_642 : memref<512xi32, #tpu.memory_space<vmem>>) semaphore(%arg11 : memref<!tpu.dma_semaphore, #tpu.memory_space<semaphore_mem>>)
      } else {
      }
      %mul3A_118 = arith.constant 512 : i32
      %mul3A_119 = arith.muli %add3A_108, %mul3A_118 : i32
      %dma_wait3A_120 = tpu.memref_slice %arg5[%mul3A_119] : memref<25600xi32, #tpu.memory_space<vmem>> -> memref<512xi32, #tpu.memory_space<vmem>>
      %dma_wait3A_121 = arith.constant 0 : i32
      %dma_wait3A_122 = arith.constant 0 : i32
      %dma_wait3A_123 = tpu.memref_slice %arg3[%dma_wait3A_121, %dma_wait3A_122] : memref<1000000x32xf32, #tpu.memory_space<hbm>> -> memref<1000000x32xf32, #tpu.memory_space<hbm>>
      tpu.wait_indirect_dma semaphore(%arg10 : memref<!tpu.dma_semaphore, #tpu.memory_space<semaphore_mem>>) src(%dma_wait3A_123 : memref<1000000x32xf32, #tpu.memory_space<hbm>>) dst(%arg6 : memref<512x32xf32, #tpu.memory_space<vmem>>)
      %iota3A = tpu.iota {dimensions = array<i32: 0>} : vector<16xi32>
      %add3A_124 = arith.constant 0 : i32
      %add3A_125 = vector.broadcast %add3A_124 : i32 to vector<16xi32>
      %add3A_126 = arith.addi %iota3A, %add3A_125 : vector<16xi32>
      %and3A_127 = arith.constant 31 : i32
      %and3A_128 = vector.broadcast %and3A_127 : i32 to vector<16xi32>
      %and3A_129 = arith.andi %add3A_126, %and3A_128 : vector<16xi32>
      %add3A_130 = arith.constant 1 : i32
      %add3A_131 = vector.broadcast %add3A_130 : i32 to vector<16xi32>
      %add3A_132 = arith.addi %iota3A, %add3A_131 : vector<16xi32>
      %and3A_133 = arith.constant 31 : i32
      %and3A_134 = vector.broadcast %and3A_133 : i32 to vector<16xi32>
      %and3A_135 = arith.andi %add3A_132, %and3A_134 : vector<16xi32>
      %add3A_136 = arith.constant 2 : i32
      %add3A_137 = vector.broadcast %add3A_136 : i32 to vector<16xi32>
      %add3A_138 = arith.addi %iota3A, %add3A_137 : vector<16xi32>
      %and3A_139 = arith.constant 31 : i32
      %and3A_140 = vector.broadcast %and3A_139 : i32 to vector<16xi32>
      %and3A_141 = arith.andi %add3A_138, %and3A_140 : vector<16xi32>
      %add3A_142 = arith.constant 3 : i32
      %add3A_143 = vector.broadcast %add3A_142 : i32 to vector<16xi32>
      %add3A_144 = arith.addi %iota3A, %add3A_143 : vector<16xi32>
      %and3A_145 = arith.constant 31 : i32
      %and3A_146 = vector.broadcast %and3A_145 : i32 to vector<16xi32>
      %and3A_147 = arith.andi %add3A_144, %and3A_146 : vector<16xi32>
      %add3A_148 = arith.constant 4 : i32
      %add3A_149 = vector.broadcast %add3A_148 : i32 to vector<16xi32>
      %add3A_150 = arith.addi %iota3A, %add3A_149 : vector<16xi32>
      %and3A_151 = arith.constant 31 : i32
      %and3A_152 = vector.broadcast %and3A_151 : i32 to vector<16xi32>
      %and3A_153 = arith.andi %add3A_150, %and3A_152 : vector<16xi32>
      %add3A_154 = arith.constant 5 : i32
      %add3A_155 = vector.broadcast %add3A_154 : i32 to vector<16xi32>
      %add3A_156 = arith.addi %iota3A, %add3A_155 : vector<16xi32>
      %and3A_157 = arith.constant 31 : i32
      %and3A_158 = vector.broadcast %and3A_157 : i32 to vector<16xi32>
      %and3A_159 = arith.andi %add3A_156, %and3A_158 : vector<16xi32>
      %add3A_160 = arith.constant 6 : i32
      %add3A_161 = vector.broadcast %add3A_160 : i32 to vector<16xi32>
      %add3A_162 = arith.addi %iota3A, %add3A_161 : vector<16xi32>
      %and3A_163 = arith.constant 31 : i32
      %and3A_164 = vector.broadcast %and3A_163 : i32 to vector<16xi32>
      %and3A_165 = arith.andi %add3A_162, %and3A_164 : vector<16xi32>
      %add3A_166 = arith.constant 7 : i32
      %add3A_167 = vector.broadcast %add3A_166 : i32 to vector<16xi32>
      %add3A_168 = arith.addi %iota3A, %add3A_167 : vector<16xi32>
      %and3A_169 = arith.constant 31 : i32
      %and3A_170 = vector.broadcast %and3A_169 : i32 to vector<16xi32>
      %and3A_171 = arith.andi %add3A_168, %and3A_170 : vector<16xi32>
      %add3A_172 = arith.constant 8 : i32
      %add3A_173 = vector.broadcast %add3A_172 : i32 to vector<16xi32>
      %add3A_174 = arith.addi %iota3A, %add3A_173 : vector<16xi32>
      %and3A_175 = arith.constant 31 : i32
      %and3A_176 = vector.broadcast %and3A_175 : i32 to vector<16xi32>
      %and3A_177 = arith.andi %add3A_174, %and3A_176 : vector<16xi32>
      %add3A_178 = arith.constant 9 : i32
      %add3A_179 = vector.broadcast %add3A_178 : i32 to vector<16xi32>
      %add3A_180 = arith.addi %iota3A, %add3A_179 : vector<16xi32>
      %and3A_181 = arith.constant 31 : i32
      %and3A_182 = vector.broadcast %and3A_181 : i32 to vector<16xi32>
      %and3A_183 = arith.andi %add3A_180, %and3A_182 : vector<16xi32>
      %add3A_184 = arith.constant 10 : i32
      %add3A_185 = vector.broadcast %add3A_184 : i32 to vector<16xi32>
      %add3A_186 = arith.addi %iota3A, %add3A_185 : vector<16xi32>
      %and3A_187 = arith.constant 31 : i32
      %and3A_188 = vector.broadcast %and3A_187 : i32 to vector<16xi32>
      %and3A_189 = arith.andi %add3A_186, %and3A_188 : vector<16xi32>
      %add3A_190 = arith.constant 11 : i32
      %add3A_191 = vector.broadcast %add3A_190 : i32 to vector<16xi32>
      %add3A_192 = arith.addi %iota3A, %add3A_191 : vector<16xi32>
      %and3A_193 = arith.constant 31 : i32
      %and3A_194 = vector.broadcast %and3A_193 : i32 to vector<16xi32>
      %and3A_195 = arith.andi %add3A_192, %and3A_194 : vector<16xi32>
      %add3A_196 = arith.constant 12 : i32
      %add3A_197 = vector.broadcast %add3A_196 : i32 to vector<16xi32>
      %add3A_198 = arith.addi %iota3A, %add3A_197 : vector<16xi32>
      %and3A_199 = arith.constant 31 : i32
      %and3A_200 = vector.broadcast %and3A_199 : i32 to vector<16xi32>
      %and3A_201 = arith.andi %add3A_198, %and3A_200 : vector<16xi32>
      %add3A_202 = arith.constant 13 : i32
      %add3A_203 = vector.broadcast %add3A_202 : i32 to vector<16xi32>
      %add3A_204 = arith.addi %iota3A, %add3A_203 : vector<16xi32>
      %and3A_205 = arith.constant 31 : i32
      %and3A_206 = vector.broadcast %and3A_205 : i32 to vector<16xi32>
      %and3A_207 = arith.andi %add3A_204, %and3A_206 : vector<16xi32>
      %add3A_208 = arith.constant 14 : i32
      %add3A_209 = vector.broadcast %add3A_208 : i32 to vector<16xi32>
      %add3A_210 = arith.addi %iota3A, %add3A_209 : vector<16xi32>
      %and3A_211 = arith.constant 31 : i32
      %and3A_212 = vector.broadcast %and3A_211 : i32 to vector<16xi32>
      %and3A_213 = arith.andi %add3A_210, %and3A_212 : vector<16xi32>
      %add3A_214 = arith.constant 15 : i32
      %add3A_215 = vector.broadcast %add3A_214 : i32 to vector<16xi32>
      %add3A_216 = arith.addi %iota3A, %add3A_215 : vector<16xi32>
      %and3A_217 = arith.constant 31 : i32
      %and3A_218 = vector.broadcast %and3A_217 : i32 to vector<16xi32>
      %and3A_219 = arith.andi %add3A_216, %and3A_218 : vector<16xi32>
      %add3A_220 = arith.constant 16 : i32
      %add3A_221 = vector.broadcast %add3A_220 : i32 to vector<16xi32>
      %add3A_222 = arith.addi %iota3A, %add3A_221 : vector<16xi32>
      %and3A_223 = arith.constant 31 : i32
      %and3A_224 = vector.broadcast %and3A_223 : i32 to vector<16xi32>
      %and3A_225 = arith.andi %add3A_222, %and3A_224 : vector<16xi32>
      %add3A_226 = arith.constant 17 : i32
      %add3A_227 = vector.broadcast %add3A_226 : i32 to vector<16xi32>
      %add3A_228 = arith.addi %iota3A, %add3A_227 : vector<16xi32>
      %and3A_229 = arith.constant 31 : i32
      %and3A_230 = vector.broadcast %and3A_229 : i32 to vector<16xi32>
      %and3A_231 = arith.andi %add3A_228, %and3A_230 : vector<16xi32>
      %add3A_232 = arith.constant 18 : i32
      %add3A_233 = vector.broadcast %add3A_232 : i32 to vector<16xi32>
      %add3A_234 = arith.addi %iota3A, %add3A_233 : vector<16xi32>
      %and3A_235 = arith.constant 31 : i32
      %and3A_236 = vector.broadcast %and3A_235 : i32 to vector<16xi32>
      %and3A_237 = arith.andi %add3A_234, %and3A_236 : vector<16xi32>
      %add3A_238 = arith.constant 19 : i32
      %add3A_239 = vector.broadcast %add3A_238 : i32 to vector<16xi32>
      %add3A_240 = arith.addi %iota3A, %add3A_239 : vector<16xi32>
      %and3A_241 = arith.constant 31 : i32
      %and3A_242 = vector.broadcast %and3A_241 : i32 to vector<16xi32>
      %and3A_243 = arith.andi %add3A_240, %and3A_242 : vector<16xi32>
      %add3A_244 = arith.constant 20 : i32
      %add3A_245 = vector.broadcast %add3A_244 : i32 to vector<16xi32>
      %add3A_246 = arith.addi %iota3A, %add3A_245 : vector<16xi32>
      %and3A_247 = arith.constant 31 : i32
      %and3A_248 = vector.broadcast %and3A_247 : i32 to vector<16xi32>
      %and3A_249 = arith.andi %add3A_246, %and3A_248 : vector<16xi32>
      %add3A_250 = arith.constant 21 : i32
      %add3A_251 = vector.broadcast %add3A_250 : i32 to vector<16xi32>
      %add3A_252 = arith.addi %iota3A, %add3A_251 : vector<16xi32>
      %and3A_253 = arith.constant 31 : i32
      %and3A_254 = vector.broadcast %and3A_253 : i32 to vector<16xi32>
      %and3A_255 = arith.andi %add3A_252, %and3A_254 : vector<16xi32>
      %add3A_256 = arith.constant 22 : i32
      %add3A_257 = vector.broadcast %add3A_256 : i32 to vector<16xi32>
      %add3A_258 = arith.addi %iota3A, %add3A_257 : vector<16xi32>
      %and3A_259 = arith.constant 31 : i32
      %and3A_260 = vector.broadcast %and3A_259 : i32 to vector<16xi32>
      %and3A_261 = arith.andi %add3A_258, %and3A_260 : vector<16xi32>
      %add3A_262 = arith.constant 23 : i32
      %add3A_263 = vector.broadcast %add3A_262 : i32 to vector<16xi32>
      %add3A_264 = arith.addi %iota3A, %add3A_263 : vector<16xi32>
      %and3A_265 = arith.constant 31 : i32
      %and3A_266 = vector.broadcast %and3A_265 : i32 to vector<16xi32>
      %and3A_267 = arith.andi %add3A_264, %and3A_266 : vector<16xi32>
      %add3A_268 = arith.constant 24 : i32
      %add3A_269 = vector.broadcast %add3A_268 : i32 to vector<16xi32>
      %add3A_270 = arith.addi %iota3A, %add3A_269 : vector<16xi32>
      %and3A_271 = arith.constant 31 : i32
      %and3A_272 = vector.broadcast %and3A_271 : i32 to vector<16xi32>
      %and3A_273 = arith.andi %add3A_270, %and3A_272 : vector<16xi32>
      %add3A_274 = arith.constant 25 : i32
      %add3A_275 = vector.broadcast %add3A_274 : i32 to vector<16xi32>
      %add3A_276 = arith.addi %iota3A, %add3A_275 : vector<16xi32>
      %and3A_277 = arith.constant 31 : i32
      %and3A_278 = vector.broadcast %and3A_277 : i32 to vector<16xi32>
      %and3A_279 = arith.andi %add3A_276, %and3A_278 : vector<16xi32>
      %add3A_280 = arith.constant 26 : i32
      %add3A_281 = vector.broadcast %add3A_280 : i32 to vector<16xi32>
      %add3A_282 = arith.addi %iota3A, %add3A_281 : vector<16xi32>
      %and3A_283 = arith.constant 31 : i32
      %and3A_284 = vector.broadcast %and3A_283 : i32 to vector<16xi32>
      %and3A_285 = arith.andi %add3A_282, %and3A_284 : vector<16xi32>
      %add3A_286 = arith.constant 27 : i32
      %add3A_287 = vector.broadcast %add3A_286 : i32 to vector<16xi32>
      %add3A_288 = arith.addi %iota3A, %add3A_287 : vector<16xi32>
      %and3A_289 = arith.constant 31 : i32
      %and3A_290 = vector.broadcast %and3A_289 : i32 to vector<16xi32>
      %and3A_291 = arith.andi %add3A_288, %and3A_290 : vector<16xi32>
      %add3A_292 = arith.constant 28 : i32
      %add3A_293 = vector.broadcast %add3A_292 : i32 to vector<16xi32>
      %add3A_294 = arith.addi %iota3A, %add3A_293 : vector<16xi32>
      %and3A_295 = arith.constant 31 : i32
      %and3A_296 = vector.broadcast %and3A_295 : i32 to vector<16xi32>
      %and3A_297 = arith.andi %add3A_294, %and3A_296 : vector<16xi32>
      %add3A_298 = arith.constant 29 : i32
      %add3A_299 = vector.broadcast %add3A_298 : i32 to vector<16xi32>
      %add3A_300 = arith.addi %iota3A, %add3A_299 : vector<16xi32>
      %and3A_301 = arith.constant 31 : i32
      %and3A_302 = vector.broadcast %and3A_301 : i32 to vector<16xi32>
      %and3A_303 = arith.andi %add3A_300, %and3A_302 : vector<16xi32>
      %add3A_304 = arith.constant 30 : i32
      %add3A_305 = vector.broadcast %add3A_304 : i32 to vector<16xi32>
      %add3A_306 = arith.addi %iota3A, %add3A_305 : vector<16xi32>
      %and3A_307 = arith.constant 31 : i32
      %and3A_308 = vector.broadcast %and3A_307 : i32 to vector<16xi32>
      %and3A_309 = arith.andi %add3A_306, %and3A_308 : vector<16xi32>
      %add3A_310 = arith.constant 31 : i32
      %add3A_311 = vector.broadcast %add3A_310 : i32 to vector<16xi32>
      %add3A_312 = arith.addi %iota3A, %add3A_311 : vector<16xi32>
      %and3A_313 = arith.constant 31 : i32
      %and3A_314 = vector.broadcast %and3A_313 : i32 to vector<16xi32>
      %and3A_315 = arith.andi %add3A_312, %and3A_314 : vector<16xi32>
      %scan3A_316 = arith.constant 0 : i32
      %scan3A_317 = arith.constant 32 : i32
      %scan3A_318 = arith.addi %scan3A_316, %scan3A_317 : i32
      %scan3A_319 = arith.constant 2 : i32
      scf.for %scan3A_638 = %scan3A_316 to %scan3A_318 step %scan3A_319  : i32 {
        %mul3A_639 = arith.constant 1 : i32
        %mul3A_640 = arith.muli %scan3A_638, %mul3A_639 : i32
        %add3A_641 = arith.constant 0 : i32
        %add3A_642 = arith.addi %add3A_641, %mul3A_640 : i32
        %mul3A_643 = arith.constant 16 : i32
        %mul3A_644 = arith.muli %add3A_642, %mul3A_643 : i32
        %add3A_645 = vector.broadcast %mul3A_644 : i32 to vector<16xi32>
        %add3A_646 = arith.addi %add3A_645, %iota3A : vector<16xi32>
        %gather3A = tpu.vector_load_idx %arg6[%add3A_646, %and3A_129] : memref<512x32xf32, #tpu.memory_space<vmem>>[vector<16xi32>, vector<16xi32>], vector<16xf32>,
        tpu.vector_store_idx %arg8[%and3A_129, %add3A_646], %gather3A : memref<32x512xf32, #tpu.memory_space<vmem>>[vector<16xi32>, vector<16xi32>], vector<16xf32>,
        %gather3A_647 = tpu.vector_load_idx %arg6[%add3A_646, %and3A_135] : memref<512x32xf32, #tpu.memory_space<vmem>>[vector<16xi32>, vector<16xi32>], vector<16xf32>,
        tpu.vector_store_idx %arg8[%and3A_135, %add3A_646], %gather3A_647 : memref<32x512xf32, #tpu.memory_space<vmem>>[vector<16xi32>, vector<16xi32>], vector<16xf32>,
        %gather3A_648 = tpu.vector_load_idx %arg6[%add3A_646, %and3A_141] : memref<512x32xf32, #tpu.memory_space<vmem>>[vector<16xi32>, vector<16xi32>], vector<16xf32>,
        tpu.vector_store_idx %arg8[%and3A_141, %add3A_646], %gather3A_648 : memref<32x512xf32, #tpu.memory_space<vmem>>[vector<16xi32>, vector<16xi32>], vector<16xf32>,
        %gather3A_649 = tpu.vector_load_idx %arg6[%add3A_646, %and3A_147] : memref<512x32xf32, #tpu.memory_space<vmem>>[vector<16xi32>, vector<16xi32>], vector<16xf32>,
        tpu.vector_store_idx %arg8[%and3A_147, %add3A_646], %gather3A_649 : memref<32x512xf32, #tpu.memory_space<vmem>>[vector<16xi32>, vector<16xi32>], vector<16xf32>,
        %gather3A_650 = tpu.vector_load_idx %arg6[%add3A_646, %and3A_153] : memref<512x32xf32, #tpu.memory_space<vmem>>[vector<16xi32>, vector<16xi32>], vector<16xf32>,
        tpu.vector_store_idx %arg8[%and3A_153, %add3A_646], %gather3A_650 : memref<32x512xf32, #tpu.memory_space<vmem>>[vector<16xi32>, vector<16xi32>], vector<16xf32>,
        %gather3A_651 = tpu.vector_load_idx %arg6[%add3A_646, %and3A_159] : memref<512x32xf32, #tpu.memory_space<vmem>>[vector<16xi32>, vector<16xi32>], vector<16xf32>,
        tpu.vector_store_idx %arg8[%and3A_159, %add3A_646], %gather3A_651 : memref<32x512xf32, #tpu.memory_space<vmem>>[vector<16xi32>, vector<16xi32>], vector<16xf32>,
        %gather3A_652 = tpu.vector_load_idx %arg6[%add3A_646, %and3A_165] : memref<512x32xf32, #tpu.memory_space<vmem>>[vector<16xi32>, vector<16xi32>], vector<16xf32>,
        tpu.vector_store_idx %arg8[%and3A_165, %add3A_646], %gather3A_652 : memref<32x512xf32, #tpu.memory_space<vmem>>[vector<16xi32>, vector<16xi32>], vector<16xf32>,
        %gather3A_653 = tpu.vector_load_idx %arg6[%add3A_646, %and3A_171] : memref<512x32xf32, #tpu.memory_space<vmem>>[vector<16xi32>, vector<16xi32>], vector<16xf32>,
        tpu.vector_store_idx %arg8[%and3A_171, %add3A_646], %gather3A_653 : memref<32x512xf32, #tpu.memory_space<vmem>>[vector<16xi32>, vector<16xi32>], vector<16xf32>,
        %gather3A_654 = tpu.vector_load_idx %arg6[%add3A_646, %and3A_177] : memref<512x32xf32, #tpu.memory_space<vmem>>[vector<16xi32>, vector<16xi32>], vector<16xf32>,
        tpu.vector_store_idx %arg8[%and3A_177, %add3A_646], %gather3A_654 : memref<32x512xf32, #tpu.memory_space<vmem>>[vector<16xi32>, vector<16xi32>], vector<16xf32>,
        %gather3A_655 = tpu.vector_load_idx %arg6[%add3A_646, %and3A_183] : memref<512x32xf32, #tpu.memory_space<vmem>>[vector<16xi32>, vector<16xi32>], vector<16xf32>,
        tpu.vector_store_idx %arg8[%and3A_183, %add3A_646], %gather3A_655 : memref<32x512xf32, #tpu.memory_space<vmem>>[vector<16xi32>, vector<16xi32>], vector<16xf32>,
        %gather3A_656 = tpu.vector_load_idx %arg6[%add3A_646, %and3A_189] : memref<512x32xf32, #tpu.memory_space<vmem>>[vector<16xi32>, vector<16xi32>], vector<16xf32>,
        tpu.vector_store_idx %arg8[%and3A_189, %add3A_646], %gather3A_656 : memref<32x512xf32, #tpu.memory_space<vmem>>[vector<16xi32>, vector<16xi32>], vector<16xf32>,
        %gather3A_657 = tpu.vector_load_idx %arg6[%add3A_646, %and3A_195] : memref<512x32xf32, #tpu.memory_space<vmem>>[vector<16xi32>, vector<16xi32>], vector<16xf32>,
        tpu.vector_store_idx %arg8[%and3A_195, %add3A_646], %gather3A_657 : memref<32x512xf32, #tpu.memory_space<vmem>>[vector<16xi32>, vector<16xi32>], vector<16xf32>,
        %gather3A_658 = tpu.vector_load_idx %arg6[%add3A_646, %and3A_201] : memref<512x32xf32, #tpu.memory_space<vmem>>[vector<16xi32>, vector<16xi32>], vector<16xf32>,
        tpu.vector_store_idx %arg8[%and3A_201, %add3A_646], %gather3A_658 : memref<32x512xf32, #tpu.memory_space<vmem>>[vector<16xi32>, vector<16xi32>], vector<16xf32>,
        %gather3A_659 = tpu.vector_load_idx %arg6[%add3A_646, %and3A_207] : memref<512x32xf32, #tpu.memory_space<vmem>>[vector<16xi32>, vector<16xi32>], vector<16xf32>,
        tpu.vector_store_idx %arg8[%and3A_207, %add3A_646], %gather3A_659 : memref<32x512xf32, #tpu.memory_space<vmem>>[vector<16xi32>, vector<16xi32>], vector<16xf32>,
        %gather3A_660 = tpu.vector_load_idx %arg6[%add3A_646, %and3A_213] : memref<512x32xf32, #tpu.memory_space<vmem>>[vector<16xi32>, vector<16xi32>], vector<16xf32>,
        tpu.vector_store_idx %arg8[%and3A_213, %add3A_646], %gather3A_660 : memref<32x512xf32, #tpu.memory_space<vmem>>[vector<16xi32>, vector<16xi32>], vector<16xf32>,
        %gather3A_661 = tpu.vector_load_idx %arg6[%add3A_646, %and3A_219] : memref<512x32xf32, #tpu.memory_space<vmem>>[vector<16xi32>, vector<16xi32>], vector<16xf32>,
        tpu.vector_store_idx %arg8[%and3A_219, %add3A_646], %gather3A_661 : memref<32x512xf32, #tpu.memory_space<vmem>>[vector<16xi32>, vector<16xi32>], vector<16xf32>,
        %gather3A_662 = tpu.vector_load_idx %arg6[%add3A_646, %and3A_225] : memref<512x32xf32, #tpu.memory_space<vmem>>[vector<16xi32>, vector<16xi32>], vector<16xf32>,
        tpu.vector_store_idx %arg8[%and3A_225, %add3A_646], %gather3A_662 : memref<32x512xf32, #tpu.memory_space<vmem>>[vector<16xi32>, vector<16xi32>], vector<16xf32>,
        %gather3A_663 = tpu.vector_load_idx %arg6[%add3A_646, %and3A_231] : memref<512x32xf32, #tpu.memory_space<vmem>>[vector<16xi32>, vector<16xi32>], vector<16xf32>,
        tpu.vector_store_idx %arg8[%and3A_231, %add3A_646], %gather3A_663 : memref<32x512xf32, #tpu.memory_space<vmem>>[vector<16xi32>, vector<16xi32>], vector<16xf32>,
        %gather3A_664 = tpu.vector_load_idx %arg6[%add3A_646, %and3A_237] : memref<512x32xf32, #tpu.memory_space<vmem>>[vector<16xi32>, vector<16xi32>], vector<16xf32>,
        tpu.vector_store_idx %arg8[%and3A_237, %add3A_646], %gather3A_664 : memref<32x512xf32, #tpu.memory_space<vmem>>[vector<16xi32>, vector<16xi32>], vector<16xf32>,
        %gather3A_665 = tpu.vector_load_idx %arg6[%add3A_646, %and3A_243] : memref<512x32xf32, #tpu.memory_space<vmem>>[vector<16xi32>, vector<16xi32>], vector<16xf32>,
        tpu.vector_store_idx %arg8[%and3A_243, %add3A_646], %gather3A_665 : memref<32x512xf32, #tpu.memory_space<vmem>>[vector<16xi32>, vector<16xi32>], vector<16xf32>,
        %gather3A_666 = tpu.vector_load_idx %arg6[%add3A_646, %and3A_249] : memref<512x32xf32, #tpu.memory_space<vmem>>[vector<16xi32>, vector<16xi32>], vector<16xf32>,
        tpu.vector_store_idx %arg8[%and3A_249, %add3A_646], %gather3A_666 : memref<32x512xf32, #tpu.memory_space<vmem>>[vector<16xi32>, vector<16xi32>], vector<16xf32>,
        %gather3A_667 = tpu.vector_load_idx %arg6[%add3A_646, %and3A_255] : memref<512x32xf32, #tpu.memory_space<vmem>>[vector<16xi32>, vector<16xi32>], vector<16xf32>,
        tpu.vector_store_idx %arg8[%and3A_255, %add3A_646], %gather3A_667 : memref<32x512xf32, #tpu.memory_space<vmem>>[vector<16xi32>, vector<16xi32>], vector<16xf32>,
        %gather3A_668 = tpu.vector_load_idx %arg6[%add3A_646, %and3A_261] : memref<512x32xf32, #tpu.memory_space<vmem>>[vector<16xi32>, vector<16xi32>], vector<16xf32>,
        tpu.vector_store_idx %arg8[%and3A_261, %add3A_646], %gather3A_668 : memref<32x512xf32, #tpu.memory_space<vmem>>[vector<16xi32>, vector<16xi32>], vector<16xf32>,
        %gather3A_669 = tpu.vector_load_idx %arg6[%add3A_646, %and3A_267] : memref<512x32xf32, #tpu.memory_space<vmem>>[vector<16xi32>, vector<16xi32>], vector<16xf32>,
        tpu.vector_store_idx %arg8[%and3A_267, %add3A_646], %gather3A_669 : memref<32x512xf32, #tpu.memory_space<vmem>>[vector<16xi32>, vector<16xi32>], vector<16xf32>,
        %gather3A_670 = tpu.vector_load_idx %arg6[%add3A_646, %and3A_273] : memref<512x32xf32, #tpu.memory_space<vmem>>[vector<16xi32>, vector<16xi32>], vector<16xf32>,
        tpu.vector_store_idx %arg8[%and3A_273, %add3A_646], %gather3A_670 : memref<32x512xf32, #tpu.memory_space<vmem>>[vector<16xi32>, vector<16xi32>], vector<16xf32>,
        %gather3A_671 = tpu.vector_load_idx %arg6[%add3A_646, %and3A_279] : memref<512x32xf32, #tpu.memory_space<vmem>>[vector<16xi32>, vector<16xi32>], vector<16xf32>,
        tpu.vector_store_idx %arg8[%and3A_279, %add3A_646], %gather3A_671 : memref<32x512xf32, #tpu.memory_space<vmem>>[vector<16xi32>, vector<16xi32>], vector<16xf32>,
        %gather3A_672 = tpu.vector_load_idx %arg6[%add3A_646, %and3A_285] : memref<512x32xf32, #tpu.memory_space<vmem>>[vector<16xi32>, vector<16xi32>], vector<16xf32>,
        tpu.vector_store_idx %arg8[%and3A_285, %add3A_646], %gather3A_672 : memref<32x512xf32, #tpu.memory_space<vmem>>[vector<16xi32>, vector<16xi32>], vector<16xf32>,
        %gather3A_673 = tpu.vector_load_idx %arg6[%add3A_646, %and3A_291] : memref<512x32xf32, #tpu.memory_space<vmem>>[vector<16xi32>, vector<16xi32>], vector<16xf32>,
        tpu.vector_store_idx %arg8[%and3A_291, %add3A_646], %gather3A_673 : memref<32x512xf32, #tpu.memory_space<vmem>>[vector<16xi32>, vector<16xi32>], vector<16xf32>,
        %gather3A_674 = tpu.vector_load_idx %arg6[%add3A_646, %and3A_297] : memref<512x32xf32, #tpu.memory_space<vmem>>[vector<16xi32>, vector<16xi32>], vector<16xf32>,
        tpu.vector_store_idx %arg8[%and3A_297, %add3A_646], %gather3A_674 : memref<32x512xf32, #tpu.memory_space<vmem>>[vector<16xi32>, vector<16xi32>], vector<16xf32>,
        %gather3A_675 = tpu.vector_load_idx %arg6[%add3A_646, %and3A_303] : memref<512x32xf32, #tpu.memory_space<vmem>>[vector<16xi32>, vector<16xi32>], vector<16xf32>,
        tpu.vector_store_idx %arg8[%and3A_303, %add3A_646], %gather3A_675 : memref<32x512xf32, #tpu.memory_space<vmem>>[vector<16xi32>, vector<16xi32>], vector<16xf32>,
        %gather3A_676 = tpu.vector_load_idx %arg6[%add3A_646, %and3A_309] : memref<512x32xf32, #tpu.memory_space<vmem>>[vector<16xi32>, vector<16xi32>], vector<16xf32>,
        tpu.vector_store_idx %arg8[%and3A_309, %add3A_646], %gather3A_676 : memref<32x512xf32, #tpu.memory_space<vmem>>[vector<16xi32>, vector<16xi32>], vector<16xf32>,
        %gather3A_677 = tpu.vector_load_idx %arg6[%add3A_646, %and3A_315] : memref<512x32xf32, #tpu.memory_space<vmem>>[vector<16xi32>, vector<16xi32>], vector<16xf32>,
        tpu.vector_store_idx %arg8[%and3A_315, %add3A_646], %gather3A_677 : memref<32x512xf32, #tpu.memory_space<vmem>>[vector<16xi32>, vector<16xi32>], vector<16xf32>,
        %scan3A_678 = arith.constant 1 : i32
        %scan3A_679 = arith.addi %scan3A_638, %scan3A_678 : i32
        %mul3A_680 = arith.constant 1 : i32
        %mul3A_681 = arith.muli %scan3A_679, %mul3A_680 : i32
        %add3A_682 = arith.constant 0 : i32
        %add3A_683 = arith.addi %add3A_682, %mul3A_681 : i32
        %mul3A_684 = arith.constant 16 : i32
        %mul3A_685 = arith.muli %add3A_683, %mul3A_684 : i32
        %add3A_686 = vector.broadcast %mul3A_685 : i32 to vector<16xi32>
        %add3A_687 = arith.addi %add3A_686, %iota3A : vector<16xi32>
        %gather3A_688 = tpu.vector_load_idx %arg6[%add3A_687, %and3A_129] : memref<512x32xf32, #tpu.memory_space<vmem>>[vector<16xi32>, vector<16xi32>], vector<16xf32>,
        tpu.vector_store_idx %arg8[%and3A_129, %add3A_687], %gather3A_688 : memref<32x512xf32, #tpu.memory_space<vmem>>[vector<16xi32>, vector<16xi32>], vector<16xf32>,
        %gather3A_689 = tpu.vector_load_idx %arg6[%add3A_687, %and3A_135] : memref<512x32xf32, #tpu.memory_space<vmem>>[vector<16xi32>, vector<16xi32>], vector<16xf32>,
        tpu.vector_store_idx %arg8[%and3A_135, %add3A_687], %gather3A_689 : memref<32x512xf32, #tpu.memory_space<vmem>>[vector<16xi32>, vector<16xi32>], vector<16xf32>,
        %gather3A_690 = tpu.vector_load_idx %arg6[%add3A_687, %and3A_141] : memref<512x32xf32, #tpu.memory_space<vmem>>[vector<16xi32>, vector<16xi32>], vector<16xf32>,
        tpu.vector_store_idx %arg8[%and3A_141, %add3A_687], %gather3A_690 : memref<32x512xf32, #tpu.memory_space<vmem>>[vector<16xi32>, vector<16xi32>], vector<16xf32>,
        %gather3A_691 = tpu.vector_load_idx %arg6[%add3A_687, %and3A_147] : memref<512x32xf32, #tpu.memory_space<vmem>>[vector<16xi32>, vector<16xi32>], vector<16xf32>,
        tpu.vector_store_idx %arg8[%and3A_147, %add3A_687], %gather3A_691 : memref<32x512xf32, #tpu.memory_space<vmem>>[vector<16xi32>, vector<16xi32>], vector<16xf32>,
        %gather3A_692 = tpu.vector_load_idx %arg6[%add3A_687, %and3A_153] : memref<512x32xf32, #tpu.memory_space<vmem>>[vector<16xi32>, vector<16xi32>], vector<16xf32>,
        tpu.vector_store_idx %arg8[%and3A_153, %add3A_687], %gather3A_692 : memref<32x512xf32, #tpu.memory_space<vmem>>[vector<16xi32>, vector<16xi32>], vector<16xf32>,
        %gather3A_693 = tpu.vector_load_idx %arg6[%add3A_687, %and3A_159] : memref<512x32xf32, #tpu.memory_space<vmem>>[vector<16xi32>, vector<16xi32>], vector<16xf32>,
        tpu.vector_store_idx %arg8[%and3A_159, %add3A_687], %gather3A_693 : memref<32x512xf32, #tpu.memory_space<vmem>>[vector<16xi32>, vector<16xi32>], vector<16xf32>,
        %gather3A_694 = tpu.vector_load_idx %arg6[%add3A_687, %and3A_165] : memref<512x32xf32, #tpu.memory_space<vmem>>[vector<16xi32>, vector<16xi32>], vector<16xf32>,
        tpu.vector_store_idx %arg8[%and3A_165, %add3A_687], %gather3A_694 : memref<32x512xf32, #tpu.memory_space<vmem>>[vector<16xi32>, vector<16xi32>], vector<16xf32>,
        %gather3A_695 = tpu.vector_load_idx %arg6[%add3A_687, %and3A_171] : memref<512x32xf32, #tpu.memory_space<vmem>>[vector<16xi32>, vector<16xi32>], vector<16xf32>,
        tpu.vector_store_idx %arg8[%and3A_171, %add3A_687], %gather3A_695 : memref<32x512xf32, #tpu.memory_space<vmem>>[vector<16xi32>, vector<16xi32>], vector<16xf32>,
        %gather3A_696 = tpu.vector_load_idx %arg6[%add3A_687, %and3A_177] : memref<512x32xf32, #tpu.memory_space<vmem>>[vector<16xi32>, vector<16xi32>], vector<16xf32>,
        tpu.vector_store_idx %arg8[%and3A_177, %add3A_687], %gather3A_696 : memref<32x512xf32, #tpu.memory_space<vmem>>[vector<16xi32>, vector<16xi32>], vector<16xf32>,
        %gather3A_697 = tpu.vector_load_idx %arg6[%add3A_687, %and3A_183] : memref<512x32xf32, #tpu.memory_space<vmem>>[vector<16xi32>, vector<16xi32>], vector<16xf32>,
        tpu.vector_store_idx %arg8[%and3A_183, %add3A_687], %gather3A_697 : memref<32x512xf32, #tpu.memory_space<vmem>>[vector<16xi32>, vector<16xi32>], vector<16xf32>,
        %gather3A_698 = tpu.vector_load_idx %arg6[%add3A_687, %and3A_189] : memref<512x32xf32, #tpu.memory_space<vmem>>[vector<16xi32>, vector<16xi32>], vector<16xf32>,
        tpu.vector_store_idx %arg8[%and3A_189, %add3A_687], %gather3A_698 : memref<32x512xf32, #tpu.memory_space<vmem>>[vector<16xi32>, vector<16xi32>], vector<16xf32>,
        %gather3A_699 = tpu.vector_load_idx %arg6[%add3A_687, %and3A_195] : memref<512x32xf32, #tpu.memory_space<vmem>>[vector<16xi32>, vector<16xi32>], vector<16xf32>,
        tpu.vector_store_idx %arg8[%and3A_195, %add3A_687], %gather3A_699 : memref<32x512xf32, #tpu.memory_space<vmem>>[vector<16xi32>, vector<16xi32>], vector<16xf32>,
        %gather3A_700 = tpu.vector_load_idx %arg6[%add3A_687, %and3A_201] : memref<512x32xf32, #tpu.memory_space<vmem>>[vector<16xi32>, vector<16xi32>], vector<16xf32>,
        tpu.vector_store_idx %arg8[%and3A_201, %add3A_687], %gather3A_700 : memref<32x512xf32, #tpu.memory_space<vmem>>[vector<16xi32>, vector<16xi32>], vector<16xf32>,
        %gather3A_701 = tpu.vector_load_idx %arg6[%add3A_687, %and3A_207] : memref<512x32xf32, #tpu.memory_space<vmem>>[vector<16xi32>, vector<16xi32>], vector<16xf32>,
        tpu.vector_store_idx %arg8[%and3A_207, %add3A_687], %gather3A_701 : memref<32x512xf32, #tpu.memory_space<vmem>>[vector<16xi32>, vector<16xi32>], vector<16xf32>,
        %gather3A_702 = tpu.vector_load_idx %arg6[%add3A_687, %and3A_213] : memref<512x32xf32, #tpu.memory_space<vmem>>[vector<16xi32>, vector<16xi32>], vector<16xf32>,
        tpu.vector_store_idx %arg8[%and3A_213, %add3A_687], %gather3A_702 : memref<32x512xf32, #tpu.memory_space<vmem>>[vector<16xi32>, vector<16xi32>], vector<16xf32>,
        %gather3A_703 = tpu.vector_load_idx %arg6[%add3A_687, %and3A_219] : memref<512x32xf32, #tpu.memory_space<vmem>>[vector<16xi32>, vector<16xi32>], vector<16xf32>,
        tpu.vector_store_idx %arg8[%and3A_219, %add3A_687], %gather3A_703 : memref<32x512xf32, #tpu.memory_space<vmem>>[vector<16xi32>, vector<16xi32>], vector<16xf32>,
        %gather3A_704 = tpu.vector_load_idx %arg6[%add3A_687, %and3A_225] : memref<512x32xf32, #tpu.memory_space<vmem>>[vector<16xi32>, vector<16xi32>], vector<16xf32>,
        tpu.vector_store_idx %arg8[%and3A_225, %add3A_687], %gather3A_704 : memref<32x512xf32, #tpu.memory_space<vmem>>[vector<16xi32>, vector<16xi32>], vector<16xf32>,
        %gather3A_705 = tpu.vector_load_idx %arg6[%add3A_687, %and3A_231] : memref<512x32xf32, #tpu.memory_space<vmem>>[vector<16xi32>, vector<16xi32>], vector<16xf32>,
        tpu.vector_store_idx %arg8[%and3A_231, %add3A_687], %gather3A_705 : memref<32x512xf32, #tpu.memory_space<vmem>>[vector<16xi32>, vector<16xi32>], vector<16xf32>,
        %gather3A_706 = tpu.vector_load_idx %arg6[%add3A_687, %and3A_237] : memref<512x32xf32, #tpu.memory_space<vmem>>[vector<16xi32>, vector<16xi32>], vector<16xf32>,
        tpu.vector_store_idx %arg8[%and3A_237, %add3A_687], %gather3A_706 : memref<32x512xf32, #tpu.memory_space<vmem>>[vector<16xi32>, vector<16xi32>], vector<16xf32>,
        %gather3A_707 = tpu.vector_load_idx %arg6[%add3A_687, %and3A_243] : memref<512x32xf32, #tpu.memory_space<vmem>>[vector<16xi32>, vector<16xi32>], vector<16xf32>,
        tpu.vector_store_idx %arg8[%and3A_243, %add3A_687], %gather3A_707 : memref<32x512xf32, #tpu.memory_space<vmem>>[vector<16xi32>, vector<16xi32>], vector<16xf32>,
        %gather3A_708 = tpu.vector_load_idx %arg6[%add3A_687, %and3A_249] : memref<512x32xf32, #tpu.memory_space<vmem>>[vector<16xi32>, vector<16xi32>], vector<16xf32>,
        tpu.vector_store_idx %arg8[%and3A_249, %add3A_687], %gather3A_708 : memref<32x512xf32, #tpu.memory_space<vmem>>[vector<16xi32>, vector<16xi32>], vector<16xf32>,
        %gather3A_709 = tpu.vector_load_idx %arg6[%add3A_687, %and3A_255] : memref<512x32xf32, #tpu.memory_space<vmem>>[vector<16xi32>, vector<16xi32>], vector<16xf32>,
        tpu.vector_store_idx %arg8[%and3A_255, %add3A_687], %gather3A_709 : memref<32x512xf32, #tpu.memory_space<vmem>>[vector<16xi32>, vector<16xi32>], vector<16xf32>,
        %gather3A_710 = tpu.vector_load_idx %arg6[%add3A_687, %and3A_261] : memref<512x32xf32, #tpu.memory_space<vmem>>[vector<16xi32>, vector<16xi32>], vector<16xf32>,
        tpu.vector_store_idx %arg8[%and3A_261, %add3A_687], %gather3A_710 : memref<32x512xf32, #tpu.memory_space<vmem>>[vector<16xi32>, vector<16xi32>], vector<16xf32>,
        %gather3A_711 = tpu.vector_load_idx %arg6[%add3A_687, %and3A_267] : memref<512x32xf32, #tpu.memory_space<vmem>>[vector<16xi32>, vector<16xi32>], vector<16xf32>,
        tpu.vector_store_idx %arg8[%and3A_267, %add3A_687], %gather3A_711 : memref<32x512xf32, #tpu.memory_space<vmem>>[vector<16xi32>, vector<16xi32>], vector<16xf32>,
        %gather3A_712 = tpu.vector_load_idx %arg6[%add3A_687, %and3A_273] : memref<512x32xf32, #tpu.memory_space<vmem>>[vector<16xi32>, vector<16xi32>], vector<16xf32>,
        tpu.vector_store_idx %arg8[%and3A_273, %add3A_687], %gather3A_712 : memref<32x512xf32, #tpu.memory_space<vmem>>[vector<16xi32>, vector<16xi32>], vector<16xf32>,
        %gather3A_713 = tpu.vector_load_idx %arg6[%add3A_687, %and3A_279] : memref<512x32xf32, #tpu.memory_space<vmem>>[vector<16xi32>, vector<16xi32>], vector<16xf32>,
        tpu.vector_store_idx %arg8[%and3A_279, %add3A_687], %gather3A_713 : memref<32x512xf32, #tpu.memory_space<vmem>>[vector<16xi32>, vector<16xi32>], vector<16xf32>,
        %gather3A_714 = tpu.vector_load_idx %arg6[%add3A_687, %and3A_285] : memref<512x32xf32, #tpu.memory_space<vmem>>[vector<16xi32>, vector<16xi32>], vector<16xf32>,
        tpu.vector_store_idx %arg8[%and3A_285, %add3A_687], %gather3A_714 : memref<32x512xf32, #tpu.memory_space<vmem>>[vector<16xi32>, vector<16xi32>], vector<16xf32>,
        %gather3A_715 = tpu.vector_load_idx %arg6[%add3A_687, %and3A_291] : memref<512x32xf32, #tpu.memory_space<vmem>>[vector<16xi32>, vector<16xi32>], vector<16xf32>,
        tpu.vector_store_idx %arg8[%and3A_291, %add3A_687], %gather3A_715 : memref<32x512xf32, #tpu.memory_space<vmem>>[vector<16xi32>, vector<16xi32>], vector<16xf32>,
        %gather3A_716 = tpu.vector_load_idx %arg6[%add3A_687, %and3A_297] : memref<512x32xf32, #tpu.memory_space<vmem>>[vector<16xi32>, vector<16xi32>], vector<16xf32>,
        tpu.vector_store_idx %arg8[%and3A_297, %add3A_687], %gather3A_716 : memref<32x512xf32, #tpu.memory_space<vmem>>[vector<16xi32>, vector<16xi32>], vector<16xf32>,
        %gather3A_717 = tpu.vector_load_idx %arg6[%add3A_687, %and3A_303] : memref<512x32xf32, #tpu.memory_space<vmem>>[vector<16xi32>, vector<16xi32>], vector<16xf32>,
        tpu.vector_store_idx %arg8[%and3A_303, %add3A_687], %gather3A_717 : memref<32x512xf32, #tpu.memory_space<vmem>>[vector<16xi32>, vector<16xi32>], vector<16xf32>,
        %gather3A_718 = tpu.vector_load_idx %arg6[%add3A_687, %and3A_309] : memref<512x32xf32, #tpu.memory_space<vmem>>[vector<16xi32>, vector<16xi32>], vector<16xf32>,
        tpu.vector_store_idx %arg8[%and3A_309, %add3A_687], %gather3A_718 : memref<32x512xf32, #tpu.memory_space<vmem>>[vector<16xi32>, vector<16xi32>], vector<16xf32>,
        %gather3A_719 = tpu.vector_load_idx %arg6[%add3A_687, %and3A_315] : memref<512x32xf32, #tpu.memory_space<vmem>>[vector<16xi32>, vector<16xi32>], vector<16xf32>,
        tpu.vector_store_idx %arg8[%and3A_315, %add3A_687], %gather3A_719 : memref<32x512xf32, #tpu.memory_space<vmem>>[vector<16xi32>, vector<16xi32>], vector<16xf32>,
      }
      %scan3A_320 = arith.constant 32 : i32
      %barrier3A = arith.constant 0 : index
      tpu.barrier barrier_id(%barrier3A)
      %add3A_321 = arith.addi %mul3A_4, %add3A_108 : i32
      %jit3A_322 = arith.constant 32 : i32
      %div3A_323 = arith.divsi %add3A_321, %jit3A_322 : i32
      %sign3A_324 = arith.constant 0 : i32
      %sign3A_325 = arith.cmpi sgt, %add3A_321, %sign3A_324 : i32
      %sign3A_326 = arith.extui %sign3A_325 : i1 to i32
      %sign3A_327 = arith.constant 0 : i32
      %sign3A_328 = arith.cmpi slt, %add3A_321, %sign3A_327 : i32
      %sign3A_329 = arith.extui %sign3A_328 : i1 to i32
      %sign3A_330 = arith.subi %sign3A_326, %sign3A_329 : i32
      %sign3A_331 = arith.constant 0 : i32
      %sign3A_332 = arith.cmpi sgt, %jit3A_322, %sign3A_331 : i32
      %sign3A_333 = arith.extui %sign3A_332 : i1 to i32
      %sign3A_334 = arith.constant 0 : i32
      %sign3A_335 = arith.cmpi slt, %jit3A_322, %sign3A_334 : i32
      %sign3A_336 = arith.extui %sign3A_335 : i1 to i32
      %sign3A_337 = arith.subi %sign3A_333, %sign3A_336 : i32
      %ne3A_338 = arith.cmpi ne, %sign3A_330, %sign3A_337 : i32
      %rem3A_339 = arith.remsi %add3A_321, %jit3A_322 : i32
      %ne3A_340 = arith.constant 0 : i32
      %ne3A_341 = arith.cmpi ne, %rem3A_339, %ne3A_340 : i32
      %and3A_342 = arith.andi %ne3A_338, %ne3A_341 : i1
      %sub3A_343 = arith.constant 1 : i32
      %sub3A_344 = arith.subi %div3A_323, %sub3A_343 : i32
      %select_n3A_345 = arith.select %and3A_342, %sub3A_344, %div3A_323 : i32
      %jit3A_346 = arith.constant 32 : i32
      %eq3A_347 = arith.constant 0 : i32
      %eq3A_348 = arith.cmpi eq, %jit3A_346, %eq3A_347 : i32
      %jit3A_349 = arith.constant 1 : i32
      %select_n3A_350 = arith.select %eq3A_348, %jit3A_349, %jit3A_346 : i32
      %rem3A_351 = arith.remsi %add3A_321, %select_n3A_350 : i32
      %ne3A_352 = arith.constant 0 : i32
      %ne3A_353 = arith.cmpi ne, %rem3A_351, %ne3A_352 : i32
      %lt3A_354 = arith.constant 0 : i32
      %lt3A_355 = arith.cmpi slt, %rem3A_351, %lt3A_354 : i32
      %lt3A_356 = arith.constant 0 : i32
      %lt3A_357 = arith.cmpi slt, %select_n3A_350, %lt3A_356 : i32
      %ne3A_358 = arith.xori %lt3A_355, %lt3A_357 : i1
      %and3A_359 = arith.andi %ne3A_358, %ne3A_353 : i1
      %add3A_360 = arith.addi %rem3A_351, %select_n3A_350 : i32
      %select_n3A_361 = arith.select %and3A_359, %add3A_360, %rem3A_351 : i32
      %mul3A_362 = arith.constant 512 : i32
      %mul3A_363 = arith.muli %select_n3A_361, %mul3A_362 : i32
      %dma_start3A_364 = arith.constant 0 : i32
      %dma_start3A_365 = tpu.memref_slice %arg4[%select_n3A_345, %dma_start3A_364, %mul3A_363] : memref<50x32x16384xf32, #tpu.memory_space<hbm>> -> memref<1x32x512xf32, #tpu.memory_space<hbm>>
      %dma_start3A_366 = tpu.memref_squeeze %dma_start3A_365 : memref<1x32x512xf32, #tpu.memory_space<hbm>> -> memref<32x512xf32, #tpu.memory_space<hbm>>
      %dma_start3A_367 = arith.constant 0 : i32
      %dma_start3A_368 = tpu.memref_slice %arg4[%select_n3A_345, %dma_start3A_367, %mul3A_363] : memref<50x32x16384xf32, #tpu.memory_space<hbm>> -> memref<1x32x512xf32, #tpu.memory_space<hbm>>
      %dma_start3A_369 = tpu.memref_squeeze %dma_start3A_368 : memref<1x32x512xf32, #tpu.memory_space<hbm>> -> memref<32x512xf32, #tpu.memory_space<hbm>>
      tpu.enqueue_dma source(%arg8 : memref<32x512xf32, #tpu.memory_space<vmem>>) target(%dma_start3A_369 : memref<32x512xf32, #tpu.memory_space<hbm>>) target_semaphore(%arg12 : memref<!tpu.dma_semaphore, #tpu.memory_space<semaphore_mem>>)
      %add3A_370 = arith.constant 1 : i32
      %add3A_371 = arith.addi %add3A_106, %add3A_370 : i32
      %ge3A_372 = arith.constant 2 : i32
      %ge3A_373 = arith.cmpi sge, %add3A_371, %ge3A_372 : i32
      %convert_element_type3A_374 = arith.extui %ge3A_373 : i1 to i32
      %cond3A_375 = arith.constant 0 : i32
      %cond3A_376 = arith.cmpi ne, %convert_element_type3A_374, %cond3A_375 : i32
      scf.if %cond3A_376 {
        %sub3A_638 = arith.constant 2 : i32
        %sub3A_639 = arith.subi %add3A_371, %sub3A_638 : i32
        %add3A_640 = arith.addi %mul3A_4, %sub3A_639 : i32
        %jit3A_641 = arith.constant 32 : i32
        %div3A_642 = arith.divsi %add3A_640, %jit3A_641 : i32
        %sign3A_643 = arith.constant 0 : i32
        %sign3A_644 = arith.cmpi sgt, %add3A_640, %sign3A_643 : i32
        %sign3A_645 = arith.extui %sign3A_644 : i1 to i32
        %sign3A_646 = arith.constant 0 : i32
        %sign3A_647 = arith.cmpi slt, %add3A_640, %sign3A_646 : i32
        %sign3A_648 = arith.extui %sign3A_647 : i1 to i32
        %sign3A_649 = arith.subi %sign3A_645, %sign3A_648 : i32
        %sign3A_650 = arith.constant 0 : i32
        %sign3A_651 = arith.cmpi sgt, %jit3A_641, %sign3A_650 : i32
        %sign3A_652 = arith.extui %sign3A_651 : i1 to i32
        %sign3A_653 = arith.constant 0 : i32
        %sign3A_654 = arith.cmpi slt, %jit3A_641, %sign3A_653 : i32
        %sign3A_655 = arith.extui %sign3A_654 : i1 to i32
        %sign3A_656 = arith.subi %sign3A_652, %sign3A_655 : i32
        %ne3A_657 = arith.cmpi ne, %sign3A_649, %sign3A_656 : i32
        %rem3A_658 = arith.remsi %add3A_640, %jit3A_641 : i32
        %ne3A_659 = arith.constant 0 : i32
        %ne3A_660 = arith.cmpi ne, %rem3A_658, %ne3A_659 : i32
        %and3A_661 = arith.andi %ne3A_657, %ne3A_660 : i1
        %sub3A_662 = arith.constant 1 : i32
        %sub3A_663 = arith.subi %div3A_642, %sub3A_662 : i32
        %select_n3A_664 = arith.select %and3A_661, %sub3A_663, %div3A_642 : i32
        %jit3A_665 = arith.constant 32 : i32
        %eq3A_666 = arith.constant 0 : i32
        %eq3A_667 = arith.cmpi eq, %jit3A_665, %eq3A_666 : i32
        %jit3A_668 = arith.constant 1 : i32
        %select_n3A_669 = arith.select %eq3A_667, %jit3A_668, %jit3A_665 : i32
        %rem3A_670 = arith.remsi %add3A_640, %select_n3A_669 : i32
        %ne3A_671 = arith.constant 0 : i32
        %ne3A_672 = arith.cmpi ne, %rem3A_670, %ne3A_671 : i32
        %lt3A_673 = arith.constant 0 : i32
        %lt3A_674 = arith.cmpi slt, %rem3A_670, %lt3A_673 : i32
        %lt3A_675 = arith.constant 0 : i32
        %lt3A_676 = arith.cmpi slt, %select_n3A_669, %lt3A_675 : i32
        %ne3A_677 = arith.xori %lt3A_674, %lt3A_676 : i1
        %and3A_678 = arith.andi %ne3A_677, %ne3A_672 : i1
        %add3A_679 = arith.addi %rem3A_670, %select_n3A_669 : i32
        %select_n3A_680 = arith.select %and3A_678, %add3A_679, %rem3A_670 : i32
        %mul3A_681 = arith.constant 512 : i32
        %mul3A_682 = arith.muli %select_n3A_680, %mul3A_681 : i32
        %dma_wait3A_683 = arith.constant 0 : i32
        %dma_wait3A_684 = tpu.memref_slice %arg4[%select_n3A_664, %dma_wait3A_683, %mul3A_682] : memref<50x32x16384xf32, #tpu.memory_space<hbm>> -> memref<1x32x512xf32, #tpu.memory_space<hbm>>
        %dma_wait3A_685 = tpu.memref_squeeze %dma_wait3A_684 : memref<1x32x512xf32, #tpu.memory_space<hbm>> -> memref<32x512xf32, #tpu.memory_space<hbm>>
        %dma_wait3A_686 = arith.constant 0 : i32
        %dma_wait3A_687 = tpu.memref_slice %arg4[%select_n3A_664, %dma_wait3A_686, %mul3A_682] : memref<50x32x16384xf32, #tpu.memory_space<hbm>> -> memref<1x32x512xf32, #tpu.memory_space<hbm>>
        %dma_wait3A_688 = tpu.memref_squeeze %dma_wait3A_687 : memref<1x32x512xf32, #tpu.memory_space<hbm>> -> memref<32x512xf32, #tpu.memory_space<hbm>>
        tpu.wait_dma2 semaphore(%arg13 : memref<!tpu.dma_semaphore, #tpu.memory_space<semaphore_mem>>) src(%arg9 : memref<32x512xf32, #tpu.memory_space<vmem>>) dst(%dma_wait3A_688 : memref<32x512xf32, #tpu.memory_space<hbm>>)
      } else {
      }
      %add3A_377 = arith.constant 1 : i32
      %add3A_378 = arith.addi %add3A_371, %add3A_377 : i32
      %lt3A_379 = arith.constant 50 : i32
      %lt3A_380 = arith.cmpi slt, %add3A_378, %lt3A_379 : i32
      %convert_element_type3A_381 = arith.extui %lt3A_380 : i1 to i32
      %cond3A_382 = arith.constant 0 : i32
      %cond3A_383 = arith.cmpi ne, %convert_element_type3A_381, %cond3A_382 : i32
      scf.if %cond3A_383 {
        %add3A_638 = arith.constant 1 : i32
        %add3A_639 = arith.addi %add3A_371, %add3A_638 : i32
        %mul3A_640 = arith.constant 512 : i32
        %mul3A_641 = arith.muli %add3A_639, %mul3A_640 : i32
        %dma_start3A_642 = tpu.memref_slice %arg5[%mul3A_641] : memref<25600xi32, #tpu.memory_space<vmem>> -> memref<512xi32, #tpu.memory_space<vmem>>
        %dma_start3A_643 = arith.constant 0 : i32
        %dma_start3A_644 = arith.constant 0 : i32
        %dma_start3A_645 = tpu.memref_slice %arg3[%dma_start3A_643, %dma_start3A_644] : memref<1000000x32xf32, #tpu.memory_space<hbm>> -> memref<1000000x32xf32, #tpu.memory_space<hbm>>
        tpu.enqueue_indirect_dma source(%dma_start3A_645 : memref<1000000x32xf32, #tpu.memory_space<hbm>>) target(%arg6 : memref<512x32xf32, #tpu.memory_space<vmem>>) offsets(%dma_start3A_642 : memref<512xi32, #tpu.memory_space<vmem>>) semaphore(%arg10 : memref<!tpu.dma_semaphore, #tpu.memory_space<semaphore_mem>>)
      } else {
      }
      %mul3A_384 = arith.constant 512 : i32
      %mul3A_385 = arith.muli %add3A_371, %mul3A_384 : i32
      %dma_wait3A_386 = tpu.memref_slice %arg5[%mul3A_385] : memref<25600xi32, #tpu.memory_space<vmem>> -> memref<512xi32, #tpu.memory_space<vmem>>
      %dma_wait3A_387 = arith.constant 0 : i32
      %dma_wait3A_388 = arith.constant 0 : i32
      %dma_wait3A_389 = tpu.memref_slice %arg3[%dma_wait3A_387, %dma_wait3A_388] : memref<1000000x32xf32, #tpu.memory_space<hbm>> -> memref<1000000x32xf32, #tpu.memory_space<hbm>>
      tpu.wait_indirect_dma semaphore(%arg11 : memref<!tpu.dma_semaphore, #tpu.memory_space<semaphore_mem>>) src(%dma_wait3A_389 : memref<1000000x32xf32, #tpu.memory_space<hbm>>) dst(%arg7 : memref<512x32xf32, #tpu.memory_space<vmem>>)
      %iota3A_390 = tpu.iota {dimensions = array<i32: 0>} : vector<16xi32>
      %add3A_391 = arith.constant 0 : i32
      %add3A_392 = vector.broadcast %add3A_391 : i32 to vector<16xi32>
      %add3A_393 = arith.addi %iota3A_390, %add3A_392 : vector<16xi32>
      %and3A_394 = arith.constant 31 : i32
      %and3A_395 = vector.broadcast %and3A_394 : i32 to vector<16xi32>
      %and3A_396 = arith.andi %add3A_393, %and3A_395 : vector<16xi32>
      %add3A_397 = arith.constant 1 : i32
      %add3A_398 = vector.broadcast %add3A_397 : i32 to vector<16xi32>
      %add3A_399 = arith.addi %iota3A_390, %add3A_398 : vector<16xi32>
      %and3A_400 = arith.constant 31 : i32
      %and3A_401 = vector.broadcast %and3A_400 : i32 to vector<16xi32>
      %and3A_402 = arith.andi %add3A_399, %and3A_401 : vector<16xi32>
      %add3A_403 = arith.constant 2 : i32
      %add3A_404 = vector.broadcast %add3A_403 : i32 to vector<16xi32>
      %add3A_405 = arith.addi %iota3A_390, %add3A_404 : vector<16xi32>
      %and3A_406 = arith.constant 31 : i32
      %and3A_407 = vector.broadcast %and3A_406 : i32 to vector<16xi32>
      %and3A_408 = arith.andi %add3A_405, %and3A_407 : vector<16xi32>
      %add3A_409 = arith.constant 3 : i32
      %add3A_410 = vector.broadcast %add3A_409 : i32 to vector<16xi32>
      %add3A_411 = arith.addi %iota3A_390, %add3A_410 : vector<16xi32>
      %and3A_412 = arith.constant 31 : i32
      %and3A_413 = vector.broadcast %and3A_412 : i32 to vector<16xi32>
      %and3A_414 = arith.andi %add3A_411, %and3A_413 : vector<16xi32>
      %add3A_415 = arith.constant 4 : i32
      %add3A_416 = vector.broadcast %add3A_415 : i32 to vector<16xi32>
      %add3A_417 = arith.addi %iota3A_390, %add3A_416 : vector<16xi32>
      %and3A_418 = arith.constant 31 : i32
      %and3A_419 = vector.broadcast %and3A_418 : i32 to vector<16xi32>
      %and3A_420 = arith.andi %add3A_417, %and3A_419 : vector<16xi32>
      %add3A_421 = arith.constant 5 : i32
      %add3A_422 = vector.broadcast %add3A_421 : i32 to vector<16xi32>
      %add3A_423 = arith.addi %iota3A_390, %add3A_422 : vector<16xi32>
      %and3A_424 = arith.constant 31 : i32
      %and3A_425 = vector.broadcast %and3A_424 : i32 to vector<16xi32>
      %and3A_426 = arith.andi %add3A_423, %and3A_425 : vector<16xi32>
      %add3A_427 = arith.constant 6 : i32
      %add3A_428 = vector.broadcast %add3A_427 : i32 to vector<16xi32>
      %add3A_429 = arith.addi %iota3A_390, %add3A_428 : vector<16xi32>
      %and3A_430 = arith.constant 31 : i32
      %and3A_431 = vector.broadcast %and3A_430 : i32 to vector<16xi32>
      %and3A_432 = arith.andi %add3A_429, %and3A_431 : vector<16xi32>
      %add3A_433 = arith.constant 7 : i32
      %add3A_434 = vector.broadcast %add3A_433 : i32 to vector<16xi32>
      %add3A_435 = arith.addi %iota3A_390, %add3A_434 : vector<16xi32>
      %and3A_436 = arith.constant 31 : i32
      %and3A_437 = vector.broadcast %and3A_436 : i32 to vector<16xi32>
      %and3A_438 = arith.andi %add3A_435, %and3A_437 : vector<16xi32>
      %add3A_439 = arith.constant 8 : i32
      %add3A_440 = vector.broadcast %add3A_439 : i32 to vector<16xi32>
      %add3A_441 = arith.addi %iota3A_390, %add3A_440 : vector<16xi32>
      %and3A_442 = arith.constant 31 : i32
      %and3A_443 = vector.broadcast %and3A_442 : i32 to vector<16xi32>
      %and3A_444 = arith.andi %add3A_441, %and3A_443 : vector<16xi32>
      %add3A_445 = arith.constant 9 : i32
      %add3A_446 = vector.broadcast %add3A_445 : i32 to vector<16xi32>
      %add3A_447 = arith.addi %iota3A_390, %add3A_446 : vector<16xi32>
      %and3A_448 = arith.constant 31 : i32
      %and3A_449 = vector.broadcast %and3A_448 : i32 to vector<16xi32>
      %and3A_450 = arith.andi %add3A_447, %and3A_449 : vector<16xi32>
      %add3A_451 = arith.constant 10 : i32
      %add3A_452 = vector.broadcast %add3A_451 : i32 to vector<16xi32>
      %add3A_453 = arith.addi %iota3A_390, %add3A_452 : vector<16xi32>
      %and3A_454 = arith.constant 31 : i32
      %and3A_455 = vector.broadcast %and3A_454 : i32 to vector<16xi32>
      %and3A_456 = arith.andi %add3A_453, %and3A_455 : vector<16xi32>
      %add3A_457 = arith.constant 11 : i32
      %add3A_458 = vector.broadcast %add3A_457 : i32 to vector<16xi32>
      %add3A_459 = arith.addi %iota3A_390, %add3A_458 : vector<16xi32>
      %and3A_460 = arith.constant 31 : i32
      %and3A_461 = vector.broadcast %and3A_460 : i32 to vector<16xi32>
      %and3A_462 = arith.andi %add3A_459, %and3A_461 : vector<16xi32>
      %add3A_463 = arith.constant 12 : i32
      %add3A_464 = vector.broadcast %add3A_463 : i32 to vector<16xi32>
      %add3A_465 = arith.addi %iota3A_390, %add3A_464 : vector<16xi32>
      %and3A_466 = arith.constant 31 : i32
      %and3A_467 = vector.broadcast %and3A_466 : i32 to vector<16xi32>
      %and3A_468 = arith.andi %add3A_465, %and3A_467 : vector<16xi32>
      %add3A_469 = arith.constant 13 : i32
      %add3A_470 = vector.broadcast %add3A_469 : i32 to vector<16xi32>
      %add3A_471 = arith.addi %iota3A_390, %add3A_470 : vector<16xi32>
      %and3A_472 = arith.constant 31 : i32
      %and3A_473 = vector.broadcast %and3A_472 : i32 to vector<16xi32>
      %and3A_474 = arith.andi %add3A_471, %and3A_473 : vector<16xi32>
      %add3A_475 = arith.constant 14 : i32
      %add3A_476 = vector.broadcast %add3A_475 : i32 to vector<16xi32>
      %add3A_477 = arith.addi %iota3A_390, %add3A_476 : vector<16xi32>
      %and3A_478 = arith.constant 31 : i32
      %and3A_479 = vector.broadcast %and3A_478 : i32 to vector<16xi32>
      %and3A_480 = arith.andi %add3A_477, %and3A_479 : vector<16xi32>
      %add3A_481 = arith.constant 15 : i32
      %add3A_482 = vector.broadcast %add3A_481 : i32 to vector<16xi32>
      %add3A_483 = arith.addi %iota3A_390, %add3A_482 : vector<16xi32>
      %and3A_484 = arith.constant 31 : i32
      %and3A_485 = vector.broadcast %and3A_484 : i32 to vector<16xi32>
      %and3A_486 = arith.andi %add3A_483, %and3A_485 : vector<16xi32>
      %add3A_487 = arith.constant 16 : i32
      %add3A_488 = vector.broadcast %add3A_487 : i32 to vector<16xi32>
      %add3A_489 = arith.addi %iota3A_390, %add3A_488 : vector<16xi32>
      %and3A_490 = arith.constant 31 : i32
      %and3A_491 = vector.broadcast %and3A_490 : i32 to vector<16xi32>
      %and3A_492 = arith.andi %add3A_489, %and3A_491 : vector<16xi32>
      %add3A_493 = arith.constant 17 : i32
      %add3A_494 = vector.broadcast %add3A_493 : i32 to vector<16xi32>
      %add3A_495 = arith.addi %iota3A_390, %add3A_494 : vector<16xi32>
      %and3A_496 = arith.constant 31 : i32
      %and3A_497 = vector.broadcast %and3A_496 : i32 to vector<16xi32>
      %and3A_498 = arith.andi %add3A_495, %and3A_497 : vector<16xi32>
      %add3A_499 = arith.constant 18 : i32
      %add3A_500 = vector.broadcast %add3A_499 : i32 to vector<16xi32>
      %add3A_501 = arith.addi %iota3A_390, %add3A_500 : vector<16xi32>
      %and3A_502 = arith.constant 31 : i32
      %and3A_503 = vector.broadcast %and3A_502 : i32 to vector<16xi32>
      %and3A_504 = arith.andi %add3A_501, %and3A_503 : vector<16xi32>
      %add3A_505 = arith.constant 19 : i32
      %add3A_506 = vector.broadcast %add3A_505 : i32 to vector<16xi32>
      %add3A_507 = arith.addi %iota3A_390, %add3A_506 : vector<16xi32>
      %and3A_508 = arith.constant 31 : i32
      %and3A_509 = vector.broadcast %and3A_508 : i32 to vector<16xi32>
      %and3A_510 = arith.andi %add3A_507, %and3A_509 : vector<16xi32>
      %add3A_511 = arith.constant 20 : i32
      %add3A_512 = vector.broadcast %add3A_511 : i32 to vector<16xi32>
      %add3A_513 = arith.addi %iota3A_390, %add3A_512 : vector<16xi32>
      %and3A_514 = arith.constant 31 : i32
      %and3A_515 = vector.broadcast %and3A_514 : i32 to vector<16xi32>
      %and3A_516 = arith.andi %add3A_513, %and3A_515 : vector<16xi32>
      %add3A_517 = arith.constant 21 : i32
      %add3A_518 = vector.broadcast %add3A_517 : i32 to vector<16xi32>
      %add3A_519 = arith.addi %iota3A_390, %add3A_518 : vector<16xi32>
      %and3A_520 = arith.constant 31 : i32
      %and3A_521 = vector.broadcast %and3A_520 : i32 to vector<16xi32>
      %and3A_522 = arith.andi %add3A_519, %and3A_521 : vector<16xi32>
      %add3A_523 = arith.constant 22 : i32
      %add3A_524 = vector.broadcast %add3A_523 : i32 to vector<16xi32>
      %add3A_525 = arith.addi %iota3A_390, %add3A_524 : vector<16xi32>
      %and3A_526 = arith.constant 31 : i32
      %and3A_527 = vector.broadcast %and3A_526 : i32 to vector<16xi32>
      %and3A_528 = arith.andi %add3A_525, %and3A_527 : vector<16xi32>
      %add3A_529 = arith.constant 23 : i32
      %add3A_530 = vector.broadcast %add3A_529 : i32 to vector<16xi32>
      %add3A_531 = arith.addi %iota3A_390, %add3A_530 : vector<16xi32>
      %and3A_532 = arith.constant 31 : i32
      %and3A_533 = vector.broadcast %and3A_532 : i32 to vector<16xi32>
      %and3A_534 = arith.andi %add3A_531, %and3A_533 : vector<16xi32>
      %add3A_535 = arith.constant 24 : i32
      %add3A_536 = vector.broadcast %add3A_535 : i32 to vector<16xi32>
      %add3A_537 = arith.addi %iota3A_390, %add3A_536 : vector<16xi32>
      %and3A_538 = arith.constant 31 : i32
      %and3A_539 = vector.broadcast %and3A_538 : i32 to vector<16xi32>
      %and3A_540 = arith.andi %add3A_537, %and3A_539 : vector<16xi32>
      %add3A_541 = arith.constant 25 : i32
      %add3A_542 = vector.broadcast %add3A_541 : i32 to vector<16xi32>
      %add3A_543 = arith.addi %iota3A_390, %add3A_542 : vector<16xi32>
      %and3A_544 = arith.constant 31 : i32
      %and3A_545 = vector.broadcast %and3A_544 : i32 to vector<16xi32>
      %and3A_546 = arith.andi %add3A_543, %and3A_545 : vector<16xi32>
      %add3A_547 = arith.constant 26 : i32
      %add3A_548 = vector.broadcast %add3A_547 : i32 to vector<16xi32>
      %add3A_549 = arith.addi %iota3A_390, %add3A_548 : vector<16xi32>
      %and3A_550 = arith.constant 31 : i32
      %and3A_551 = vector.broadcast %and3A_550 : i32 to vector<16xi32>
      %and3A_552 = arith.andi %add3A_549, %and3A_551 : vector<16xi32>
      %add3A_553 = arith.constant 27 : i32
      %add3A_554 = vector.broadcast %add3A_553 : i32 to vector<16xi32>
      %add3A_555 = arith.addi %iota3A_390, %add3A_554 : vector<16xi32>
      %and3A_556 = arith.constant 31 : i32
      %and3A_557 = vector.broadcast %and3A_556 : i32 to vector<16xi32>
      %and3A_558 = arith.andi %add3A_555, %and3A_557 : vector<16xi32>
      %add3A_559 = arith.constant 28 : i32
      %add3A_560 = vector.broadcast %add3A_559 : i32 to vector<16xi32>
      %add3A_561 = arith.addi %iota3A_390, %add3A_560 : vector<16xi32>
      %and3A_562 = arith.constant 31 : i32
      %and3A_563 = vector.broadcast %and3A_562 : i32 to vector<16xi32>
      %and3A_564 = arith.andi %add3A_561, %and3A_563 : vector<16xi32>
      %add3A_565 = arith.constant 29 : i32
      %add3A_566 = vector.broadcast %add3A_565 : i32 to vector<16xi32>
      %add3A_567 = arith.addi %iota3A_390, %add3A_566 : vector<16xi32>
      %and3A_568 = arith.constant 31 : i32
      %and3A_569 = vector.broadcast %and3A_568 : i32 to vector<16xi32>
      %and3A_570 = arith.andi %add3A_567, %and3A_569 : vector<16xi32>
      %add3A_571 = arith.constant 30 : i32
      %add3A_572 = vector.broadcast %add3A_571 : i32 to vector<16xi32>
      %add3A_573 = arith.addi %iota3A_390, %add3A_572 : vector<16xi32>
      %and3A_574 = arith.constant 31 : i32
      %and3A_575 = vector.broadcast %and3A_574 : i32 to vector<16xi32>
      %and3A_576 = arith.andi %add3A_573, %and3A_575 : vector<16xi32>
      %add3A_577 = arith.constant 31 : i32
      %add3A_578 = vector.broadcast %add3A_577 : i32 to vector<16xi32>
      %add3A_579 = arith.addi %iota3A_390, %add3A_578 : vector<16xi32>
      %and3A_580 = arith.constant 31 : i32
      %and3A_581 = vector.broadcast %and3A_580 : i32 to vector<16xi32>
      %and3A_582 = arith.andi %add3A_579, %and3A_581 : vector<16xi32>
      %scan3A_583 = arith.constant 0 : i32
      %scan3A_584 = arith.constant 32 : i32
      %scan3A_585 = arith.addi %scan3A_583, %scan3A_584 : i32
      %scan3A_586 = arith.constant 2 : i32
      scf.for %scan3A_638 = %scan3A_583 to %scan3A_585 step %scan3A_586  : i32 {
        %mul3A_639 = arith.constant 1 : i32
        %mul3A_640 = arith.muli %scan3A_638, %mul3A_639 : i32
        %add3A_641 = arith.constant 0 : i32
        %add3A_642 = arith.addi %add3A_641, %mul3A_640 : i32
        %mul3A_643 = arith.constant 16 : i32
        %mul3A_644 = arith.muli %add3A_642, %mul3A_643 : i32
        %add3A_645 = vector.broadcast %mul3A_644 : i32 to vector<16xi32>
        %add3A_646 = arith.addi %add3A_645, %iota3A_390 : vector<16xi32>
        %gather3A = tpu.vector_load_idx %arg7[%add3A_646, %and3A_396] : memref<512x32xf32, #tpu.memory_space<vmem>>[vector<16xi32>, vector<16xi32>], vector<16xf32>,
        tpu.vector_store_idx %arg9[%and3A_396, %add3A_646], %gather3A : memref<32x512xf32, #tpu.memory_space<vmem>>[vector<16xi32>, vector<16xi32>], vector<16xf32>,
        %gather3A_647 = tpu.vector_load_idx %arg7[%add3A_646, %and3A_402] : memref<512x32xf32, #tpu.memory_space<vmem>>[vector<16xi32>, vector<16xi32>], vector<16xf32>,
        tpu.vector_store_idx %arg9[%and3A_402, %add3A_646], %gather3A_647 : memref<32x512xf32, #tpu.memory_space<vmem>>[vector<16xi32>, vector<16xi32>], vector<16xf32>,
        %gather3A_648 = tpu.vector_load_idx %arg7[%add3A_646, %and3A_408] : memref<512x32xf32, #tpu.memory_space<vmem>>[vector<16xi32>, vector<16xi32>], vector<16xf32>,
        tpu.vector_store_idx %arg9[%and3A_408, %add3A_646], %gather3A_648 : memref<32x512xf32, #tpu.memory_space<vmem>>[vector<16xi32>, vector<16xi32>], vector<16xf32>,
        %gather3A_649 = tpu.vector_load_idx %arg7[%add3A_646, %and3A_414] : memref<512x32xf32, #tpu.memory_space<vmem>>[vector<16xi32>, vector<16xi32>], vector<16xf32>,
        tpu.vector_store_idx %arg9[%and3A_414, %add3A_646], %gather3A_649 : memref<32x512xf32, #tpu.memory_space<vmem>>[vector<16xi32>, vector<16xi32>], vector<16xf32>,
        %gather3A_650 = tpu.vector_load_idx %arg7[%add3A_646, %and3A_420] : memref<512x32xf32, #tpu.memory_space<vmem>>[vector<16xi32>, vector<16xi32>], vector<16xf32>,
        tpu.vector_store_idx %arg9[%and3A_420, %add3A_646], %gather3A_650 : memref<32x512xf32, #tpu.memory_space<vmem>>[vector<16xi32>, vector<16xi32>], vector<16xf32>,
        %gather3A_651 = tpu.vector_load_idx %arg7[%add3A_646, %and3A_426] : memref<512x32xf32, #tpu.memory_space<vmem>>[vector<16xi32>, vector<16xi32>], vector<16xf32>,
        tpu.vector_store_idx %arg9[%and3A_426, %add3A_646], %gather3A_651 : memref<32x512xf32, #tpu.memory_space<vmem>>[vector<16xi32>, vector<16xi32>], vector<16xf32>,
        %gather3A_652 = tpu.vector_load_idx %arg7[%add3A_646, %and3A_432] : memref<512x32xf32, #tpu.memory_space<vmem>>[vector<16xi32>, vector<16xi32>], vector<16xf32>,
        tpu.vector_store_idx %arg9[%and3A_432, %add3A_646], %gather3A_652 : memref<32x512xf32, #tpu.memory_space<vmem>>[vector<16xi32>, vector<16xi32>], vector<16xf32>,
        %gather3A_653 = tpu.vector_load_idx %arg7[%add3A_646, %and3A_438] : memref<512x32xf32, #tpu.memory_space<vmem>>[vector<16xi32>, vector<16xi32>], vector<16xf32>,
        tpu.vector_store_idx %arg9[%and3A_438, %add3A_646], %gather3A_653 : memref<32x512xf32, #tpu.memory_space<vmem>>[vector<16xi32>, vector<16xi32>], vector<16xf32>,
        %gather3A_654 = tpu.vector_load_idx %arg7[%add3A_646, %and3A_444] : memref<512x32xf32, #tpu.memory_space<vmem>>[vector<16xi32>, vector<16xi32>], vector<16xf32>,
        tpu.vector_store_idx %arg9[%and3A_444, %add3A_646], %gather3A_654 : memref<32x512xf32, #tpu.memory_space<vmem>>[vector<16xi32>, vector<16xi32>], vector<16xf32>,
        %gather3A_655 = tpu.vector_load_idx %arg7[%add3A_646, %and3A_450] : memref<512x32xf32, #tpu.memory_space<vmem>>[vector<16xi32>, vector<16xi32>], vector<16xf32>,
        tpu.vector_store_idx %arg9[%and3A_450, %add3A_646], %gather3A_655 : memref<32x512xf32, #tpu.memory_space<vmem>>[vector<16xi32>, vector<16xi32>], vector<16xf32>,
        %gather3A_656 = tpu.vector_load_idx %arg7[%add3A_646, %and3A_456] : memref<512x32xf32, #tpu.memory_space<vmem>>[vector<16xi32>, vector<16xi32>], vector<16xf32>,
        tpu.vector_store_idx %arg9[%and3A_456, %add3A_646], %gather3A_656 : memref<32x512xf32, #tpu.memory_space<vmem>>[vector<16xi32>, vector<16xi32>], vector<16xf32>,
        %gather3A_657 = tpu.vector_load_idx %arg7[%add3A_646, %and3A_462] : memref<512x32xf32, #tpu.memory_space<vmem>>[vector<16xi32>, vector<16xi32>], vector<16xf32>,
        tpu.vector_store_idx %arg9[%and3A_462, %add3A_646], %gather3A_657 : memref<32x512xf32, #tpu.memory_space<vmem>>[vector<16xi32>, vector<16xi32>], vector<16xf32>,
        %gather3A_658 = tpu.vector_load_idx %arg7[%add3A_646, %and3A_468] : memref<512x32xf32, #tpu.memory_space<vmem>>[vector<16xi32>, vector<16xi32>], vector<16xf32>,
        tpu.vector_store_idx %arg9[%and3A_468, %add3A_646], %gather3A_658 : memref<32x512xf32, #tpu.memory_space<vmem>>[vector<16xi32>, vector<16xi32>], vector<16xf32>,
        %gather3A_659 = tpu.vector_load_idx %arg7[%add3A_646, %and3A_474] : memref<512x32xf32, #tpu.memory_space<vmem>>[vector<16xi32>, vector<16xi32>], vector<16xf32>,
        tpu.vector_store_idx %arg9[%and3A_474, %add3A_646], %gather3A_659 : memref<32x512xf32, #tpu.memory_space<vmem>>[vector<16xi32>, vector<16xi32>], vector<16xf32>,
        %gather3A_660 = tpu.vector_load_idx %arg7[%add3A_646, %and3A_480] : memref<512x32xf32, #tpu.memory_space<vmem>>[vector<16xi32>, vector<16xi32>], vector<16xf32>,
        tpu.vector_store_idx %arg9[%and3A_480, %add3A_646], %gather3A_660 : memref<32x512xf32, #tpu.memory_space<vmem>>[vector<16xi32>, vector<16xi32>], vector<16xf32>,
        %gather3A_661 = tpu.vector_load_idx %arg7[%add3A_646, %and3A_486] : memref<512x32xf32, #tpu.memory_space<vmem>>[vector<16xi32>, vector<16xi32>], vector<16xf32>,
        tpu.vector_store_idx %arg9[%and3A_486, %add3A_646], %gather3A_661 : memref<32x512xf32, #tpu.memory_space<vmem>>[vector<16xi32>, vector<16xi32>], vector<16xf32>,
        %gather3A_662 = tpu.vector_load_idx %arg7[%add3A_646, %and3A_492] : memref<512x32xf32, #tpu.memory_space<vmem>>[vector<16xi32>, vector<16xi32>], vector<16xf32>,
        tpu.vector_store_idx %arg9[%and3A_492, %add3A_646], %gather3A_662 : memref<32x512xf32, #tpu.memory_space<vmem>>[vector<16xi32>, vector<16xi32>], vector<16xf32>,
        %gather3A_663 = tpu.vector_load_idx %arg7[%add3A_646, %and3A_498] : memref<512x32xf32, #tpu.memory_space<vmem>>[vector<16xi32>, vector<16xi32>], vector<16xf32>,
        tpu.vector_store_idx %arg9[%and3A_498, %add3A_646], %gather3A_663 : memref<32x512xf32, #tpu.memory_space<vmem>>[vector<16xi32>, vector<16xi32>], vector<16xf32>,
        %gather3A_664 = tpu.vector_load_idx %arg7[%add3A_646, %and3A_504] : memref<512x32xf32, #tpu.memory_space<vmem>>[vector<16xi32>, vector<16xi32>], vector<16xf32>,
        tpu.vector_store_idx %arg9[%and3A_504, %add3A_646], %gather3A_664 : memref<32x512xf32, #tpu.memory_space<vmem>>[vector<16xi32>, vector<16xi32>], vector<16xf32>,
        %gather3A_665 = tpu.vector_load_idx %arg7[%add3A_646, %and3A_510] : memref<512x32xf32, #tpu.memory_space<vmem>>[vector<16xi32>, vector<16xi32>], vector<16xf32>,
        tpu.vector_store_idx %arg9[%and3A_510, %add3A_646], %gather3A_665 : memref<32x512xf32, #tpu.memory_space<vmem>>[vector<16xi32>, vector<16xi32>], vector<16xf32>,
        %gather3A_666 = tpu.vector_load_idx %arg7[%add3A_646, %and3A_516] : memref<512x32xf32, #tpu.memory_space<vmem>>[vector<16xi32>, vector<16xi32>], vector<16xf32>,
        tpu.vector_store_idx %arg9[%and3A_516, %add3A_646], %gather3A_666 : memref<32x512xf32, #tpu.memory_space<vmem>>[vector<16xi32>, vector<16xi32>], vector<16xf32>,
        %gather3A_667 = tpu.vector_load_idx %arg7[%add3A_646, %and3A_522] : memref<512x32xf32, #tpu.memory_space<vmem>>[vector<16xi32>, vector<16xi32>], vector<16xf32>,
        tpu.vector_store_idx %arg9[%and3A_522, %add3A_646], %gather3A_667 : memref<32x512xf32, #tpu.memory_space<vmem>>[vector<16xi32>, vector<16xi32>], vector<16xf32>,
        %gather3A_668 = tpu.vector_load_idx %arg7[%add3A_646, %and3A_528] : memref<512x32xf32, #tpu.memory_space<vmem>>[vector<16xi32>, vector<16xi32>], vector<16xf32>,
        tpu.vector_store_idx %arg9[%and3A_528, %add3A_646], %gather3A_668 : memref<32x512xf32, #tpu.memory_space<vmem>>[vector<16xi32>, vector<16xi32>], vector<16xf32>,
        %gather3A_669 = tpu.vector_load_idx %arg7[%add3A_646, %and3A_534] : memref<512x32xf32, #tpu.memory_space<vmem>>[vector<16xi32>, vector<16xi32>], vector<16xf32>,
        tpu.vector_store_idx %arg9[%and3A_534, %add3A_646], %gather3A_669 : memref<32x512xf32, #tpu.memory_space<vmem>>[vector<16xi32>, vector<16xi32>], vector<16xf32>,
        %gather3A_670 = tpu.vector_load_idx %arg7[%add3A_646, %and3A_540] : memref<512x32xf32, #tpu.memory_space<vmem>>[vector<16xi32>, vector<16xi32>], vector<16xf32>,
        tpu.vector_store_idx %arg9[%and3A_540, %add3A_646], %gather3A_670 : memref<32x512xf32, #tpu.memory_space<vmem>>[vector<16xi32>, vector<16xi32>], vector<16xf32>,
        %gather3A_671 = tpu.vector_load_idx %arg7[%add3A_646, %and3A_546] : memref<512x32xf32, #tpu.memory_space<vmem>>[vector<16xi32>, vector<16xi32>], vector<16xf32>,
        tpu.vector_store_idx %arg9[%and3A_546, %add3A_646], %gather3A_671 : memref<32x512xf32, #tpu.memory_space<vmem>>[vector<16xi32>, vector<16xi32>], vector<16xf32>,
        %gather3A_672 = tpu.vector_load_idx %arg7[%add3A_646, %and3A_552] : memref<512x32xf32, #tpu.memory_space<vmem>>[vector<16xi32>, vector<16xi32>], vector<16xf32>,
        tpu.vector_store_idx %arg9[%and3A_552, %add3A_646], %gather3A_672 : memref<32x512xf32, #tpu.memory_space<vmem>>[vector<16xi32>, vector<16xi32>], vector<16xf32>,
        %gather3A_673 = tpu.vector_load_idx %arg7[%add3A_646, %and3A_558] : memref<512x32xf32, #tpu.memory_space<vmem>>[vector<16xi32>, vector<16xi32>], vector<16xf32>,
        tpu.vector_store_idx %arg9[%and3A_558, %add3A_646], %gather3A_673 : memref<32x512xf32, #tpu.memory_space<vmem>>[vector<16xi32>, vector<16xi32>], vector<16xf32>,
        %gather3A_674 = tpu.vector_load_idx %arg7[%add3A_646, %and3A_564] : memref<512x32xf32, #tpu.memory_space<vmem>>[vector<16xi32>, vector<16xi32>], vector<16xf32>,
        tpu.vector_store_idx %arg9[%and3A_564, %add3A_646], %gather3A_674 : memref<32x512xf32, #tpu.memory_space<vmem>>[vector<16xi32>, vector<16xi32>], vector<16xf32>,
        %gather3A_675 = tpu.vector_load_idx %arg7[%add3A_646, %and3A_570] : memref<512x32xf32, #tpu.memory_space<vmem>>[vector<16xi32>, vector<16xi32>], vector<16xf32>,
        tpu.vector_store_idx %arg9[%and3A_570, %add3A_646], %gather3A_675 : memref<32x512xf32, #tpu.memory_space<vmem>>[vector<16xi32>, vector<16xi32>], vector<16xf32>,
        %gather3A_676 = tpu.vector_load_idx %arg7[%add3A_646, %and3A_576] : memref<512x32xf32, #tpu.memory_space<vmem>>[vector<16xi32>, vector<16xi32>], vector<16xf32>,
        tpu.vector_store_idx %arg9[%and3A_576, %add3A_646], %gather3A_676 : memref<32x512xf32, #tpu.memory_space<vmem>>[vector<16xi32>, vector<16xi32>], vector<16xf32>,
        %gather3A_677 = tpu.vector_load_idx %arg7[%add3A_646, %and3A_582] : memref<512x32xf32, #tpu.memory_space<vmem>>[vector<16xi32>, vector<16xi32>], vector<16xf32>,
        tpu.vector_store_idx %arg9[%and3A_582, %add3A_646], %gather3A_677 : memref<32x512xf32, #tpu.memory_space<vmem>>[vector<16xi32>, vector<16xi32>], vector<16xf32>,
        %scan3A_678 = arith.constant 1 : i32
        %scan3A_679 = arith.addi %scan3A_638, %scan3A_678 : i32
        %mul3A_680 = arith.constant 1 : i32
        %mul3A_681 = arith.muli %scan3A_679, %mul3A_680 : i32
        %add3A_682 = arith.constant 0 : i32
        %add3A_683 = arith.addi %add3A_682, %mul3A_681 : i32
        %mul3A_684 = arith.constant 16 : i32
        %mul3A_685 = arith.muli %add3A_683, %mul3A_684 : i32
        %add3A_686 = vector.broadcast %mul3A_685 : i32 to vector<16xi32>
        %add3A_687 = arith.addi %add3A_686, %iota3A_390 : vector<16xi32>
        %gather3A_688 = tpu.vector_load_idx %arg7[%add3A_687, %and3A_396] : memref<512x32xf32, #tpu.memory_space<vmem>>[vector<16xi32>, vector<16xi32>], vector<16xf32>,
        tpu.vector_store_idx %arg9[%and3A_396, %add3A_687], %gather3A_688 : memref<32x512xf32, #tpu.memory_space<vmem>>[vector<16xi32>, vector<16xi32>], vector<16xf32>,
        %gather3A_689 = tpu.vector_load_idx %arg7[%add3A_687, %and3A_402] : memref<512x32xf32, #tpu.memory_space<vmem>>[vector<16xi32>, vector<16xi32>], vector<16xf32>,
        tpu.vector_store_idx %arg9[%and3A_402, %add3A_687], %gather3A_689 : memref<32x512xf32, #tpu.memory_space<vmem>>[vector<16xi32>, vector<16xi32>], vector<16xf32>,
        %gather3A_690 = tpu.vector_load_idx %arg7[%add3A_687, %and3A_408] : memref<512x32xf32, #tpu.memory_space<vmem>>[vector<16xi32>, vector<16xi32>], vector<16xf32>,
        tpu.vector_store_idx %arg9[%and3A_408, %add3A_687], %gather3A_690 : memref<32x512xf32, #tpu.memory_space<vmem>>[vector<16xi32>, vector<16xi32>], vector<16xf32>,
        %gather3A_691 = tpu.vector_load_idx %arg7[%add3A_687, %and3A_414] : memref<512x32xf32, #tpu.memory_space<vmem>>[vector<16xi32>, vector<16xi32>], vector<16xf32>,
        tpu.vector_store_idx %arg9[%and3A_414, %add3A_687], %gather3A_691 : memref<32x512xf32, #tpu.memory_space<vmem>>[vector<16xi32>, vector<16xi32>], vector<16xf32>,
        %gather3A_692 = tpu.vector_load_idx %arg7[%add3A_687, %and3A_420] : memref<512x32xf32, #tpu.memory_space<vmem>>[vector<16xi32>, vector<16xi32>], vector<16xf32>,
        tpu.vector_store_idx %arg9[%and3A_420, %add3A_687], %gather3A_692 : memref<32x512xf32, #tpu.memory_space<vmem>>[vector<16xi32>, vector<16xi32>], vector<16xf32>,
        %gather3A_693 = tpu.vector_load_idx %arg7[%add3A_687, %and3A_426] : memref<512x32xf32, #tpu.memory_space<vmem>>[vector<16xi32>, vector<16xi32>], vector<16xf32>,
        tpu.vector_store_idx %arg9[%and3A_426, %add3A_687], %gather3A_693 : memref<32x512xf32, #tpu.memory_space<vmem>>[vector<16xi32>, vector<16xi32>], vector<16xf32>,
        %gather3A_694 = tpu.vector_load_idx %arg7[%add3A_687, %and3A_432] : memref<512x32xf32, #tpu.memory_space<vmem>>[vector<16xi32>, vector<16xi32>], vector<16xf32>,
        tpu.vector_store_idx %arg9[%and3A_432, %add3A_687], %gather3A_694 : memref<32x512xf32, #tpu.memory_space<vmem>>[vector<16xi32>, vector<16xi32>], vector<16xf32>,
        %gather3A_695 = tpu.vector_load_idx %arg7[%add3A_687, %and3A_438] : memref<512x32xf32, #tpu.memory_space<vmem>>[vector<16xi32>, vector<16xi32>], vector<16xf32>,
        tpu.vector_store_idx %arg9[%and3A_438, %add3A_687], %gather3A_695 : memref<32x512xf32, #tpu.memory_space<vmem>>[vector<16xi32>, vector<16xi32>], vector<16xf32>,
        %gather3A_696 = tpu.vector_load_idx %arg7[%add3A_687, %and3A_444] : memref<512x32xf32, #tpu.memory_space<vmem>>[vector<16xi32>, vector<16xi32>], vector<16xf32>,
        tpu.vector_store_idx %arg9[%and3A_444, %add3A_687], %gather3A_696 : memref<32x512xf32, #tpu.memory_space<vmem>>[vector<16xi32>, vector<16xi32>], vector<16xf32>,
        %gather3A_697 = tpu.vector_load_idx %arg7[%add3A_687, %and3A_450] : memref<512x32xf32, #tpu.memory_space<vmem>>[vector<16xi32>, vector<16xi32>], vector<16xf32>,
        tpu.vector_store_idx %arg9[%and3A_450, %add3A_687], %gather3A_697 : memref<32x512xf32, #tpu.memory_space<vmem>>[vector<16xi32>, vector<16xi32>], vector<16xf32>,
        %gather3A_698 = tpu.vector_load_idx %arg7[%add3A_687, %and3A_456] : memref<512x32xf32, #tpu.memory_space<vmem>>[vector<16xi32>, vector<16xi32>], vector<16xf32>,
        tpu.vector_store_idx %arg9[%and3A_456, %add3A_687], %gather3A_698 : memref<32x512xf32, #tpu.memory_space<vmem>>[vector<16xi32>, vector<16xi32>], vector<16xf32>,
        %gather3A_699 = tpu.vector_load_idx %arg7[%add3A_687, %and3A_462] : memref<512x32xf32, #tpu.memory_space<vmem>>[vector<16xi32>, vector<16xi32>], vector<16xf32>,
        tpu.vector_store_idx %arg9[%and3A_462, %add3A_687], %gather3A_699 : memref<32x512xf32, #tpu.memory_space<vmem>>[vector<16xi32>, vector<16xi32>], vector<16xf32>,
        %gather3A_700 = tpu.vector_load_idx %arg7[%add3A_687, %and3A_468] : memref<512x32xf32, #tpu.memory_space<vmem>>[vector<16xi32>, vector<16xi32>], vector<16xf32>,
        tpu.vector_store_idx %arg9[%and3A_468, %add3A_687], %gather3A_700 : memref<32x512xf32, #tpu.memory_space<vmem>>[vector<16xi32>, vector<16xi32>], vector<16xf32>,
        %gather3A_701 = tpu.vector_load_idx %arg7[%add3A_687, %and3A_474] : memref<512x32xf32, #tpu.memory_space<vmem>>[vector<16xi32>, vector<16xi32>], vector<16xf32>,
        tpu.vector_store_idx %arg9[%and3A_474, %add3A_687], %gather3A_701 : memref<32x512xf32, #tpu.memory_space<vmem>>[vector<16xi32>, vector<16xi32>], vector<16xf32>,
        %gather3A_702 = tpu.vector_load_idx %arg7[%add3A_687, %and3A_480] : memref<512x32xf32, #tpu.memory_space<vmem>>[vector<16xi32>, vector<16xi32>], vector<16xf32>,
        tpu.vector_store_idx %arg9[%and3A_480, %add3A_687], %gather3A_702 : memref<32x512xf32, #tpu.memory_space<vmem>>[vector<16xi32>, vector<16xi32>], vector<16xf32>,
        %gather3A_703 = tpu.vector_load_idx %arg7[%add3A_687, %and3A_486] : memref<512x32xf32, #tpu.memory_space<vmem>>[vector<16xi32>, vector<16xi32>], vector<16xf32>,
        tpu.vector_store_idx %arg9[%and3A_486, %add3A_687], %gather3A_703 : memref<32x512xf32, #tpu.memory_space<vmem>>[vector<16xi32>, vector<16xi32>], vector<16xf32>,
        %gather3A_704 = tpu.vector_load_idx %arg7[%add3A_687, %and3A_492] : memref<512x32xf32, #tpu.memory_space<vmem>>[vector<16xi32>, vector<16xi32>], vector<16xf32>,
        tpu.vector_store_idx %arg9[%and3A_492, %add3A_687], %gather3A_704 : memref<32x512xf32, #tpu.memory_space<vmem>>[vector<16xi32>, vector<16xi32>], vector<16xf32>,
        %gather3A_705 = tpu.vector_load_idx %arg7[%add3A_687, %and3A_498] : memref<512x32xf32, #tpu.memory_space<vmem>>[vector<16xi32>, vector<16xi32>], vector<16xf32>,
        tpu.vector_store_idx %arg9[%and3A_498, %add3A_687], %gather3A_705 : memref<32x512xf32, #tpu.memory_space<vmem>>[vector<16xi32>, vector<16xi32>], vector<16xf32>,
        %gather3A_706 = tpu.vector_load_idx %arg7[%add3A_687, %and3A_504] : memref<512x32xf32, #tpu.memory_space<vmem>>[vector<16xi32>, vector<16xi32>], vector<16xf32>,
        tpu.vector_store_idx %arg9[%and3A_504, %add3A_687], %gather3A_706 : memref<32x512xf32, #tpu.memory_space<vmem>>[vector<16xi32>, vector<16xi32>], vector<16xf32>,
        %gather3A_707 = tpu.vector_load_idx %arg7[%add3A_687, %and3A_510] : memref<512x32xf32, #tpu.memory_space<vmem>>[vector<16xi32>, vector<16xi32>], vector<16xf32>,
        tpu.vector_store_idx %arg9[%and3A_510, %add3A_687], %gather3A_707 : memref<32x512xf32, #tpu.memory_space<vmem>>[vector<16xi32>, vector<16xi32>], vector<16xf32>,
        %gather3A_708 = tpu.vector_load_idx %arg7[%add3A_687, %and3A_516] : memref<512x32xf32, #tpu.memory_space<vmem>>[vector<16xi32>, vector<16xi32>], vector<16xf32>,
        tpu.vector_store_idx %arg9[%and3A_516, %add3A_687], %gather3A_708 : memref<32x512xf32, #tpu.memory_space<vmem>>[vector<16xi32>, vector<16xi32>], vector<16xf32>,
        %gather3A_709 = tpu.vector_load_idx %arg7[%add3A_687, %and3A_522] : memref<512x32xf32, #tpu.memory_space<vmem>>[vector<16xi32>, vector<16xi32>], vector<16xf32>,
        tpu.vector_store_idx %arg9[%and3A_522, %add3A_687], %gather3A_709 : memref<32x512xf32, #tpu.memory_space<vmem>>[vector<16xi32>, vector<16xi32>], vector<16xf32>,
        %gather3A_710 = tpu.vector_load_idx %arg7[%add3A_687, %and3A_528] : memref<512x32xf32, #tpu.memory_space<vmem>>[vector<16xi32>, vector<16xi32>], vector<16xf32>,
        tpu.vector_store_idx %arg9[%and3A_528, %add3A_687], %gather3A_710 : memref<32x512xf32, #tpu.memory_space<vmem>>[vector<16xi32>, vector<16xi32>], vector<16xf32>,
        %gather3A_711 = tpu.vector_load_idx %arg7[%add3A_687, %and3A_534] : memref<512x32xf32, #tpu.memory_space<vmem>>[vector<16xi32>, vector<16xi32>], vector<16xf32>,
        tpu.vector_store_idx %arg9[%and3A_534, %add3A_687], %gather3A_711 : memref<32x512xf32, #tpu.memory_space<vmem>>[vector<16xi32>, vector<16xi32>], vector<16xf32>,
        %gather3A_712 = tpu.vector_load_idx %arg7[%add3A_687, %and3A_540] : memref<512x32xf32, #tpu.memory_space<vmem>>[vector<16xi32>, vector<16xi32>], vector<16xf32>,
        tpu.vector_store_idx %arg9[%and3A_540, %add3A_687], %gather3A_712 : memref<32x512xf32, #tpu.memory_space<vmem>>[vector<16xi32>, vector<16xi32>], vector<16xf32>,
        %gather3A_713 = tpu.vector_load_idx %arg7[%add3A_687, %and3A_546] : memref<512x32xf32, #tpu.memory_space<vmem>>[vector<16xi32>, vector<16xi32>], vector<16xf32>,
        tpu.vector_store_idx %arg9[%and3A_546, %add3A_687], %gather3A_713 : memref<32x512xf32, #tpu.memory_space<vmem>>[vector<16xi32>, vector<16xi32>], vector<16xf32>,
        %gather3A_714 = tpu.vector_load_idx %arg7[%add3A_687, %and3A_552] : memref<512x32xf32, #tpu.memory_space<vmem>>[vector<16xi32>, vector<16xi32>], vector<16xf32>,
        tpu.vector_store_idx %arg9[%and3A_552, %add3A_687], %gather3A_714 : memref<32x512xf32, #tpu.memory_space<vmem>>[vector<16xi32>, vector<16xi32>], vector<16xf32>,
        %gather3A_715 = tpu.vector_load_idx %arg7[%add3A_687, %and3A_558] : memref<512x32xf32, #tpu.memory_space<vmem>>[vector<16xi32>, vector<16xi32>], vector<16xf32>,
        tpu.vector_store_idx %arg9[%and3A_558, %add3A_687], %gather3A_715 : memref<32x512xf32, #tpu.memory_space<vmem>>[vector<16xi32>, vector<16xi32>], vector<16xf32>,
        %gather3A_716 = tpu.vector_load_idx %arg7[%add3A_687, %and3A_564] : memref<512x32xf32, #tpu.memory_space<vmem>>[vector<16xi32>, vector<16xi32>], vector<16xf32>,
        tpu.vector_store_idx %arg9[%and3A_564, %add3A_687], %gather3A_716 : memref<32x512xf32, #tpu.memory_space<vmem>>[vector<16xi32>, vector<16xi32>], vector<16xf32>,
        %gather3A_717 = tpu.vector_load_idx %arg7[%add3A_687, %and3A_570] : memref<512x32xf32, #tpu.memory_space<vmem>>[vector<16xi32>, vector<16xi32>], vector<16xf32>,
        tpu.vector_store_idx %arg9[%and3A_570, %add3A_687], %gather3A_717 : memref<32x512xf32, #tpu.memory_space<vmem>>[vector<16xi32>, vector<16xi32>], vector<16xf32>,
        %gather3A_718 = tpu.vector_load_idx %arg7[%add3A_687, %and3A_576] : memref<512x32xf32, #tpu.memory_space<vmem>>[vector<16xi32>, vector<16xi32>], vector<16xf32>,
        tpu.vector_store_idx %arg9[%and3A_576, %add3A_687], %gather3A_718 : memref<32x512xf32, #tpu.memory_space<vmem>>[vector<16xi32>, vector<16xi32>], vector<16xf32>,
        %gather3A_719 = tpu.vector_load_idx %arg7[%add3A_687, %and3A_582] : memref<512x32xf32, #tpu.memory_space<vmem>>[vector<16xi32>, vector<16xi32>], vector<16xf32>,
        tpu.vector_store_idx %arg9[%and3A_582, %add3A_687], %gather3A_719 : memref<32x512xf32, #tpu.memory_space<vmem>>[vector<16xi32>, vector<16xi32>], vector<16xf32>,
      }
      %scan3A_587 = arith.constant 32 : i32
      %barrier3A_588 = arith.constant 0 : index
      tpu.barrier barrier_id(%barrier3A_588)
      %add3A_589 = arith.addi %mul3A_4, %add3A_371 : i32
      %jit3A_590 = arith.constant 32 : i32
      %div3A_591 = arith.divsi %add3A_589, %jit3A_590 : i32
      %sign3A_592 = arith.constant 0 : i32
      %sign3A_593 = arith.cmpi sgt, %add3A_589, %sign3A_592 : i32
      %sign3A_594 = arith.extui %sign3A_593 : i1 to i32
      %sign3A_595 = arith.constant 0 : i32
      %sign3A_596 = arith.cmpi slt, %add3A_589, %sign3A_595 : i32
      %sign3A_597 = arith.extui %sign3A_596 : i1 to i32
      %sign3A_598 = arith.subi %sign3A_594, %sign3A_597 : i32
      %sign3A_599 = arith.constant 0 : i32
      %sign3A_600 = arith.cmpi sgt, %jit3A_590, %sign3A_599 : i32
      %sign3A_601 = arith.extui %sign3A_600 : i1 to i32
      %sign3A_602 = arith.constant 0 : i32
      %sign3A_603 = arith.cmpi slt, %jit3A_590, %sign3A_602 : i32
      %sign3A_604 = arith.extui %sign3A_603 : i1 to i32
      %sign3A_605 = arith.subi %sign3A_601, %sign3A_604 : i32
      %ne3A_606 = arith.cmpi ne, %sign3A_598, %sign3A_605 : i32
      %rem3A_607 = arith.remsi %add3A_589, %jit3A_590 : i32
      %ne3A_608 = arith.constant 0 : i32
      %ne3A_609 = arith.cmpi ne, %rem3A_607, %ne3A_608 : i32
      %and3A_610 = arith.andi %ne3A_606, %ne3A_609 : i1
      %sub3A_611 = arith.constant 1 : i32
      %sub3A_612 = arith.subi %div3A_591, %sub3A_611 : i32
      %select_n3A_613 = arith.select %and3A_610, %sub3A_612, %div3A_591 : i32
      %jit3A_614 = arith.constant 32 : i32
      %eq3A_615 = arith.constant 0 : i32
      %eq3A_616 = arith.cmpi eq, %jit3A_614, %eq3A_615 : i32
      %jit3A_617 = arith.constant 1 : i32
      %select_n3A_618 = arith.select %eq3A_616, %jit3A_617, %jit3A_614 : i32
      %rem3A_619 = arith.remsi %add3A_589, %select_n3A_618 : i32
      %ne3A_620 = arith.constant 0 : i32
      %ne3A_621 = arith.cmpi ne, %rem3A_619, %ne3A_620 : i32
      %lt3A_622 = arith.constant 0 : i32
      %lt3A_623 = arith.cmpi slt, %rem3A_619, %lt3A_622 : i32
      %lt3A_624 = arith.constant 0 : i32
      %lt3A_625 = arith.cmpi slt, %select_n3A_618, %lt3A_624 : i32
      %ne3A_626 = arith.xori %lt3A_623, %lt3A_625 : i1
      %and3A_627 = arith.andi %ne3A_626, %ne3A_621 : i1
      %add3A_628 = arith.addi %rem3A_619, %select_n3A_618 : i32
      %select_n3A_629 = arith.select %and3A_627, %add3A_628, %rem3A_619 : i32
      %mul3A_630 = arith.constant 512 : i32
      %mul3A_631 = arith.muli %select_n3A_629, %mul3A_630 : i32
      %dma_start3A_632 = arith.constant 0 : i32
      %dma_start3A_633 = tpu.memref_slice %arg4[%select_n3A_613, %dma_start3A_632, %mul3A_631] : memref<50x32x16384xf32, #tpu.memory_space<hbm>> -> memref<1x32x512xf32, #tpu.memory_space<hbm>>
      %dma_start3A_634 = tpu.memref_squeeze %dma_start3A_633 : memref<1x32x512xf32, #tpu.memory_space<hbm>> -> memref<32x512xf32, #tpu.memory_space<hbm>>
      %dma_start3A_635 = arith.constant 0 : i32
      %dma_start3A_636 = tpu.memref_slice %arg4[%select_n3A_613, %dma_start3A_635, %mul3A_631] : memref<50x32x16384xf32, #tpu.memory_space<hbm>> -> memref<1x32x512xf32, #tpu.memory_space<hbm>>
      %dma_start3A_637 = tpu.memref_squeeze %dma_start3A_636 : memref<1x32x512xf32, #tpu.memory_space<hbm>> -> memref<32x512xf32, #tpu.memory_space<hbm>>
      tpu.enqueue_dma source(%arg9 : memref<32x512xf32, #tpu.memory_space<vmem>>) target(%dma_start3A_637 : memref<32x512xf32, #tpu.memory_space<hbm>>) target_semaphore(%arg13 : memref<!tpu.dma_semaphore, #tpu.memory_space<semaphore_mem>>)
    }
    %scan3A_12 = arith.constant 25 : i32
    %add3A_13 = arith.constant 48 : i32
    %add3A_14 = arith.addi %mul3A_4, %add3A_13 : i32
    %jit3A = arith.constant 32 : i32
    %div3A = arith.divsi %add3A_14, %jit3A : i32
    %sign3A = arith.constant 0 : i32
    %sign3A_15 = arith.cmpi sgt, %add3A_14, %sign3A : i32
    %sign3A_16 = arith.extui %sign3A_15 : i1 to i32
    %sign3A_17 = arith.constant 0 : i32
    %sign3A_18 = arith.cmpi slt, %add3A_14, %sign3A_17 : i32
    %sign3A_19 = arith.extui %sign3A_18 : i1 to i32
    %sign3A_20 = arith.subi %sign3A_16, %sign3A_19 : i32
    %sign3A_21 = arith.constant 0 : i32
    %sign3A_22 = arith.cmpi sgt, %jit3A, %sign3A_21 : i32
    %sign3A_23 = arith.extui %sign3A_22 : i1 to i32
    %sign3A_24 = arith.constant 0 : i32
    %sign3A_25 = arith.cmpi slt, %jit3A, %sign3A_24 : i32
    %sign3A_26 = arith.extui %sign3A_25 : i1 to i32
    %sign3A_27 = arith.subi %sign3A_23, %sign3A_26 : i32
    %ne3A = arith.cmpi ne, %sign3A_20, %sign3A_27 : i32
    %rem3A = arith.remsi %add3A_14, %jit3A : i32
    %ne3A_28 = arith.constant 0 : i32
    %ne3A_29 = arith.cmpi ne, %rem3A, %ne3A_28 : i32
    %and3A = arith.andi %ne3A, %ne3A_29 : i1
    %sub3A = arith.constant 1 : i32
    %sub3A_30 = arith.subi %div3A, %sub3A : i32
    %select_n3A = arith.select %and3A, %sub3A_30, %div3A : i32
    %jit3A_31 = arith.constant 32 : i32
    %eq3A = arith.constant 0 : i32
    %eq3A_32 = arith.cmpi eq, %jit3A_31, %eq3A : i32
    %jit3A_33 = arith.constant 1 : i32
    %select_n3A_34 = arith.select %eq3A_32, %jit3A_33, %jit3A_31 : i32
    %rem3A_35 = arith.remsi %add3A_14, %select_n3A_34 : i32
    %ne3A_36 = arith.constant 0 : i32
    %ne3A_37 = arith.cmpi ne, %rem3A_35, %ne3A_36 : i32
    %lt3A = arith.constant 0 : i32
    %lt3A_38 = arith.cmpi slt, %rem3A_35, %lt3A : i32
    %lt3A_39 = arith.constant 0 : i32
    %lt3A_40 = arith.cmpi slt, %select_n3A_34, %lt3A_39 : i32
    %ne3A_41 = arith.xori %lt3A_38, %lt3A_40 : i1
    %and3A_42 = arith.andi %ne3A_41, %ne3A_37 : i1
    %add3A_43 = arith.addi %rem3A_35, %select_n3A_34 : i32
    %select_n3A_44 = arith.select %and3A_42, %add3A_43, %rem3A_35 : i32
    %mul3A_45 = arith.constant 512 : i32
    %mul3A_46 = arith.muli %select_n3A_44, %mul3A_45 : i32
    %dma_wait3A = arith.constant 0 : i32
    %dma_wait3A_47 = tpu.memref_slice %arg4[%select_n3A, %dma_wait3A, %mul3A_46] : memref<50x32x16384xf32, #tpu.memory_space<hbm>> -> memref<1x32x512xf32, #tpu.memory_space<hbm>>
    %dma_wait3A_48 = tpu.memref_squeeze %dma_wait3A_47 : memref<1x32x512xf32, #tpu.memory_space<hbm>> -> memref<32x512xf32, #tpu.memory_space<hbm>>
    %dma_wait3A_49 = arith.constant 0 : i32
    %dma_wait3A_50 = tpu.memref_slice %arg4[%select_n3A, %dma_wait3A_49, %mul3A_46] : memref<50x32x16384xf32, #tpu.memory_space<hbm>> -> memref<1x32x512xf32, #tpu.memory_space<hbm>>
    %dma_wait3A_51 = tpu.memref_squeeze %dma_wait3A_50 : memref<1x32x512xf32, #tpu.memory_space<hbm>> -> memref<32x512xf32, #tpu.memory_space<hbm>>
    tpu.wait_dma2 semaphore(%arg12 : memref<!tpu.dma_semaphore, #tpu.memory_space<semaphore_mem>>) src(%arg8 : memref<32x512xf32, #tpu.memory_space<vmem>>) dst(%dma_wait3A_51 : memref<32x512xf32, #tpu.memory_space<hbm>>)
    %add3A_52 = arith.constant 49 : i32
    %add3A_53 = arith.addi %mul3A_4, %add3A_52 : i32
    %jit3A_54 = arith.constant 32 : i32
    %div3A_55 = arith.divsi %add3A_53, %jit3A_54 : i32
    %sign3A_56 = arith.constant 0 : i32
    %sign3A_57 = arith.cmpi sgt, %add3A_53, %sign3A_56 : i32
    %sign3A_58 = arith.extui %sign3A_57 : i1 to i32
    %sign3A_59 = arith.constant 0 : i32
    %sign3A_60 = arith.cmpi slt, %add3A_53, %sign3A_59 : i32
    %sign3A_61 = arith.extui %sign3A_60 : i1 to i32
    %sign3A_62 = arith.subi %sign3A_58, %sign3A_61 : i32
    %sign3A_63 = arith.constant 0 : i32
    %sign3A_64 = arith.cmpi sgt, %jit3A_54, %sign3A_63 : i32
    %sign3A_65 = arith.extui %sign3A_64 : i1 to i32
    %sign3A_66 = arith.constant 0 : i32
    %sign3A_67 = arith.cmpi slt, %jit3A_54, %sign3A_66 : i32
    %sign3A_68 = arith.extui %sign3A_67 : i1 to i32
    %sign3A_69 = arith.subi %sign3A_65, %sign3A_68 : i32
    %ne3A_70 = arith.cmpi ne, %sign3A_62, %sign3A_69 : i32
    %rem3A_71 = arith.remsi %add3A_53, %jit3A_54 : i32
    %ne3A_72 = arith.constant 0 : i32
    %ne3A_73 = arith.cmpi ne, %rem3A_71, %ne3A_72 : i32
    %and3A_74 = arith.andi %ne3A_70, %ne3A_73 : i1
    %sub3A_75 = arith.constant 1 : i32
    %sub3A_76 = arith.subi %div3A_55, %sub3A_75 : i32
    %select_n3A_77 = arith.select %and3A_74, %sub3A_76, %div3A_55 : i32
    %jit3A_78 = arith.constant 32 : i32
    %eq3A_79 = arith.constant 0 : i32
    %eq3A_80 = arith.cmpi eq, %jit3A_78, %eq3A_79 : i32
    %jit3A_81 = arith.constant 1 : i32
    %select_n3A_82 = arith.select %eq3A_80, %jit3A_81, %jit3A_78 : i32
    %rem3A_83 = arith.remsi %add3A_53, %select_n3A_82 : i32
    %ne3A_84 = arith.constant 0 : i32
    %ne3A_85 = arith.cmpi ne, %rem3A_83, %ne3A_84 : i32
    %lt3A_86 = arith.constant 0 : i32
    %lt3A_87 = arith.cmpi slt, %rem3A_83, %lt3A_86 : i32
    %lt3A_88 = arith.constant 0 : i32
    %lt3A_89 = arith.cmpi slt, %select_n3A_82, %lt3A_88 : i32
    %ne3A_90 = arith.xori %lt3A_87, %lt3A_89 : i1
    %and3A_91 = arith.andi %ne3A_90, %ne3A_85 : i1
    %add3A_92 = arith.addi %rem3A_83, %select_n3A_82 : i32
    %select_n3A_93 = arith.select %and3A_91, %add3A_92, %rem3A_83 : i32
    %mul3A_94 = arith.constant 512 : i32
    %mul3A_95 = arith.muli %select_n3A_93, %mul3A_94 : i32
    %dma_wait3A_96 = arith.constant 0 : i32
    %dma_wait3A_97 = tpu.memref_slice %arg4[%select_n3A_77, %dma_wait3A_96, %mul3A_95] : memref<50x32x16384xf32, #tpu.memory_space<hbm>> -> memref<1x32x512xf32, #tpu.memory_space<hbm>>
    %dma_wait3A_98 = tpu.memref_squeeze %dma_wait3A_97 : memref<1x32x512xf32, #tpu.memory_space<hbm>> -> memref<32x512xf32, #tpu.memory_space<hbm>>
    %dma_wait3A_99 = arith.constant 0 : i32
    %dma_wait3A_100 = tpu.memref_slice %arg4[%select_n3A_77, %dma_wait3A_99, %mul3A_95] : memref<50x32x16384xf32, #tpu.memory_space<hbm>> -> memref<1x32x512xf32, #tpu.memory_space<hbm>>
    %dma_wait3A_101 = tpu.memref_squeeze %dma_wait3A_100 : memref<1x32x512xf32, #tpu.memory_space<hbm>> -> memref<32x512xf32, #tpu.memory_space<hbm>>
    tpu.wait_dma2 semaphore(%arg13 : memref<!tpu.dma_semaphore, #tpu.memory_space<semaphore_mem>>) src(%arg9 : memref<32x512xf32, #tpu.memory_space<vmem>>) dst(%dma_wait3A_101 : memref<32x512xf32, #tpu.memory_space<hbm>>)
    return
  }
}

</mosaic_0001>

<sc_bundles>
// kernel: kernel.3.cloned.1.call-start
scs
__scs_entry_jumppad:
0x0: {  	(pc) =	sbr.rel $0x88, $3  }
0x1: {  	(tag) =	ssettag $0x0;
	lr =	simm.s32 $0x1  }
0x2: {  	[smem:$0x3F9F] =	sst lr;
	_ =	strace $0xD0000000  }
0x3: {  	_ = 	snop  }
0x4: {  	_ = 	snop  }
0x5: {  	_ = 	snop  }
0x6: {  	_ = 	snop  }
0x7: {  	_ = 	snop  }
__scs_overlays_trampoline_lowered:
0x8: {  	[smem:$0x3FAE] =	sst s0  }
0x9: {  	[smem:$0x3FAF] =	sst s1  }
0xa: {  	[smem:$0x3FB0] =	sst s2  }
0xb: {  	[smem:$0x3FB1] =	sst s3  }
0xc: {  	[smem:$0x3FB2] =	sst s4  }
0xd: {  	[smem:$0x3FB3] =	sst s5  }
0xe: {  	[smem:$0x3FB4] =	sst s6  }
0xf: {  	[smem:$0x3FB5] =	sst s7  }
0x10: {  	[smem:$0x3FB6] =	sst s8  }
0x11: {  	[smem:$0x3FB7] =	sst s9;
	s0 =	simm.s32 @!p0 $0x0  }
0x12: {  	s1 =	sld [smem:$0x3F9D];
	s0 =	simm.s32 @p0 $0x1  }
0x13: {  	[smem:$0x3FB8] =	sst s0;
	s0 =	simm.s32 @!p1 $0x0  }
0x14: {  	s2 =	sld [smem:$0x3F9C];
	s0 =	simm.s32 @p1 $0x1  }
0x15: {  	[smem:$0x3FB9] =	sst s0;
	s0 =	simm.s32 @!p2 $0x0  }
0x16: {  	s3 =	sld [smem:$0x3FDB];
	s0 =	simm.s32 @p2 $0x1  }
0x17: {  	s4 =	simm.s32 $0x1BF5;
	[smem:$0x3FBB] =	sst s0  }
0x18: {  	s0 =	sld [smem:$0x3F9E];
	_ =	swait.ge [sflag:s4], $0x0  }
0x19: {  	s7 =	sld [smem:$0x3F9F]  }
0x1a: {  	s8 =	sadd.s32 $0xFFFFE003, lr  }
0x1b: {  	s9 =	sadd.s32 $0xFFFFFEF7, lr;
	s5 =	simm.s32 $0xFFFFFFFF;
	p2 =	slt.u32 s8, $0xFFFFF086  }
0x1c: {  	p1 =	slt.u32 s9, $0xF7A;
	s5 =	simm.s32 @!p2 $0x0  }
0x1d: {  	s5 =	simm.s32 @p1 $0x1;
	p0 =	seq.s32 s7, s2  }
0x1e: {  	s7 =	smul.u32 @!p0 $0xF7A, s2;
	p2 =	seq.s32 @!p0 s5, $0x0  }
0x1f: {  	s9 =	smul.u32 $0xF7A, s1;
	s8 =	simm.s32 @!p0 $0x1BF5;
	p2 =	por !p2, p0  }
0x20: {  	[sflag:s8] =	ssyncset.s32 @!p0 $0xFFFFF086;
	s6 =	sadd.s32 @!p0 s3, s7;
	s7 =	simm.s32 @!p0 $0x108  }
0x21: {  	s3 =	sadd.s32 s3, s9;
	s6 =	sadd.s32 @!p0 $0x88, s6;
	s7 =	simm.s32 @p2 $0x1082  }
0x22: {  	[simem:s7], [sflag:s8] =	dma.local @!p0 [hbm:s6], $0xF7A  }
0x23: {  	s9 =	sor.u32 $0xD0000000, s2;
	s6 =	simm.s32 $0x108;
	_ =	swait.ge @!p0 [sflag:s8], $0x0  }
0x24: {  	s3 =	sadd.s32 $0x88, s3;
	s6 =	simm.s32 @!p1 $0x1082;
	[sflag:s4] =	ssyncset.s32 $0xFFFFF086  }
0x25: {  	[simem:s6], [sflag:s4] =	dma.local [hbm:s3], $0xF7A  }
0x26: {  	[smem:$0x3F9F] =	sst s1;
	(tag) =	ssettag s2;
	_ =	strace s9  }
0x27: {  	s1 =	sld [smem:$0x3FAF]  }
0x28: {  	s2 =	sld [smem:$0x3FB0]  }
0x29: {  	s4 =	sld [smem:$0x3FB2]  }
0x2a: {  	p0 =	seq.s32 s5, $0x0;
	s5 =	sld [smem:$0x3FB3]  }
0x2b: {  	s6 =	sld [smem:$0x3FB4]  }
0x2c: {  	s7 =	sld [smem:$0x3FB5]  }
0x2d: {  	s3 =	simm.s32 $0x108;
	s8 =	sld [smem:$0x3FB6]  }
0x2e: {  	s3 =	simm.s32 @!p0 $0x1082;
	s9 =	sld [smem:$0x3FB7]  }
0x2f: {  	lr =	sadd.s32 s0, s3;
	s0 =	sld [smem:$0x3FAE]  }
0x30: {  	s3 =	sld [smem:$0x3FB1]  }
0x31: {  	[smem:$0x3FBA] =	sst s10  }
0x32: {  	s10 =	sld [smem:$0x3FB8];
	_ =	sdelay $0x3  }
0x33: {  	p0 =	seq.s32 s10, $0x1;
	s10 =	sld [smem:$0x3FBA];
	_ =	sdelay $0x3  }
0x34: {  	[smem:$0x3FBA] =	sst s10  }
0x35: {  	s10 =	sld [smem:$0x3FB9];
	_ =	sdelay $0x3  }
0x36: {  	p1 =	seq.s32 s10, $0x1;
	s10 =	sld [smem:$0x3FBA];
	_ =	sdelay $0x3  }
0x37: {  	[smem:$0x3FBA] =	sst s10  }
0x38: {  	s10 =	sld [smem:$0x3FBB]  }
0x39: {  	_ = 	snop;
	(pc) =	sbr.ind lr, $3  }
0x3a: {  	_ = 	snop  }
0x3b: {  	_ = 	snop  }
0x3c: {  	p2 =	seq.s32 s10, $0x1;
	s10 =	sld [smem:$0x3FBA]  }
0x3d: {  	_ =	shalt  }
0x3e: {  	_ =	shalt  }
0x3f: {  	_ =	shalt  }
0x40: {  	_ =	shalt  }
0x41: {  	_ =	shalt  }
0x42: {  	_ =	shalt  }
0x43: {  	_ =	shalt  }
0x44: {  	_ =	shalt  }
0x45: {  	_ =	shalt  }
0x46: {  	_ =	shalt  }
0x47: {  	_ =	shalt  }
0x48: {  	_ =	shalt  }
0x49: {  	_ =	shalt  }
0x4a: {  	_ =	shalt  }
0x4b: {  	_ =	shalt  }
0x4c: {  	_ =	shalt  }
0x4d: {  	_ =	shalt  }
0x4e: {  	_ =	shalt  }
0x4f: {  	_ =	shalt  }
0x50: {  	_ =	shalt  }
0x51: {  	_ =	shalt  }
0x52: {  	_ =	shalt  }
0x53: {  	_ =	shalt  }
0x54: {  	_ =	shalt  }
0x55: {  	_ =	shalt  }
0x56: {  	_ =	shalt  }
0x57: {  	_ =	shalt  }
0x58: {  	_ =	shalt  }
0x59: {  	_ =	shalt  }
0x5a: {  	_ =	shalt  }
0x5b: {  	_ =	shalt  }
0x5c: {  	_ =	shalt  }
0x5d: {  	_ =	shalt  }
0x5e: {  	_ =	shalt  }
0x5f: {  	_ =	shalt  }
0x60: {  	_ =	shalt  }
0x61: {  	_ =	shalt  }
0x62: {  	_ =	shalt  }
0x63: {  	_ =	shalt  }
0x64: {  	_ =	shalt  }
0x65: {  	_ =	shalt  }
0x66: {  	_ =	shalt  }
0x67: {  	_ =	shalt  }
0x68: {  	_ =	shalt  }
0x69: {  	_ =	shalt  }
0x6a: {  	_ =	shalt  }
0x6b: {  	_ =	shalt  }
0x6c: {  	_ =	shalt  }
0x6d: {  	_ =	shalt  }
0x6e: {  	_ =	shalt  }
0x6f: {  	_ =	shalt  }
0x70: {  	_ =	shalt  }
0x71: {  	_ =	shalt  }
0x72: {  	_ =	shalt  }
0x73: {  	_ =	shalt  }
0x74: {  	_ =	shalt  }
0x75: {  	_ =	shalt  }
0x76: {  	_ =	shalt  }
0x77: {  	_ =	shalt  }
0x78: {  	_ =	shalt  }
0x79: {  	_ =	shalt  }
0x7a: {  	_ =	shalt  }
0x7b: {  	_ =	shalt  }
0x7c: {  	_ =	shalt  }
0x7d: {  	_ =	shalt  }
0x7e: {  	_ =	shalt  }
0x7f: {  	_ =	shalt  }
0x80: {  	_ =	shalt  }
0x81: {  	_ =	shalt  }
0x82: {  	_ =	shalt  }
0x83: {  	_ =	shalt  }
0x84: {  	_ =	shalt  }
0x85: {  	_ =	shalt  }
0x86: {  	_ =	shalt  }
0x87: {  	_ =	shalt  }
.Lfunc_end0:
.L_simem_size_0:
called_computation_lowered:
.L_overlay_start_0:
0x88: {  	s2 =	sld [smem:$0x3FD9]  }
0x89: {  	s3 =	sld [smem:$0x3FFE];
	_ =	sdelay $0x1  }
0x8a: {  	s1 =	srdreg.scid  }
0x8b: {  	s0 =	sand.u32 $0x1, s1  }
0x8c: {  	s17 =	sshll.u32 s0, $0xA;
	s2 =	sadd.s32 s3, s2  }
0x8d: {  	s2 =	sadd.s32 s2, s17  }
0x8e: {  	[smem:$0x3FC6] =	sst s2  }
0x8f: {  	_ = 	snop  }
0x90: {  	s2 =	sld [smem:$0x3FD0];
	(tm) =	ssettm $0x1  }
0x91: {  	s18 =	sld [smem:$0x3FFB];
	_ =	sdelay $0x3  }
0x92: {  	_ =	strace s18  }
0x93: {  	s3 =	sld [smem:$0x3FFC];
	_ =	sdelay $0x3  }
0x94: {  	_ =	strace s3  }
0x95: {  	s3 =	sld [smem:$0x3FFD];
	_ =	sdelay $0x3  }
0x96: {  	_ =	strace s3  }
0x97: {  	_ =	strace $0x8FFFFFFF  }
0x98: {  	s19 =	sld [smem:$0x3FDB];
	_ =	sdelay $0x1  }
0x99: {  	s4 =	simm.s32 $_scs_section_size  }
0x9a: {  	s5 =	simm.s32 $_size__tile_overlayer_lowered;
	s6 =	simm.s32 $_tile_overlayer_lowered  }
0x9b: {  	s22 =	simm.s32 $0x1BFF;
	s21 =	sshll.u32 s6, $0x1;
	s3 =	sadd.s32 s4, s19  }
0x9c: {  	s7 =	simm.s32 $0x0;
	s20 =	sshll.u32 s5, $0x1;
	s5 =	sadd.s32 s21, s3  }
0x9d: {  	[timem:s7], [sflag:s22] =	dma.local [hbm:s5], s20  }
0x9e: {  	_ =	swait.ge [sflag:s22], s20  }
0x9f: {  	s4 =	ssub.s32 $0x0, s20;
	[sflag:s22] =	ssyncset.done $0x0  }
0xa0: {  	[sflag:s22] =	ssyncadd.s32 s4;
	_ =	sdelay $0x1  }
0xa1: {  	s23 =	simm.s32 $0x1B8B  }
0xa2: {  	_ =	swait.ge [sflag:s23], $0x1  }
0xa3: {  	[sflag:s23] =	ssyncset.done $0x0  }
0xa4: {  	s25 =	simm.s32 $0x1B8E;
	s24 =	sld [smem:$0x3FFE];
	[sflag:s23] =	ssyncadd.s32 $0xFFFFFFFF  }
0xa5: {  	s26 =	simm.s32 $execute0_lowered;
	[smem:$0x3FD2] =	sst s25  }
0xa6: {  	s5 =	sshll.u32 s26, $0x1;
	_ =	strace $0x80000046;
	[dreg:$0x1] =	wrdreg $0xFFFFFFFF  }
0xa7: {  	s28 =	simm.s32 $_size_execute0_lowered;
	s3 =	sadd.s32 s3, s5;
	[dreg:$0x0] =	wrdreg $0x0  }
0xa8: {  	s5 =	sshll.u32 s28, $0x1;
	[dreg:$0x2] =	wrdreg s3  }
0xa9: {  	[dreg:$0x3] =	wrdreg s5  }
0xaa: {  	[dreg:$0x4] =	wrdreg $0xC0  }
0xab: {  	_ =	task [dreg:s7], $0x5FFFF  }
0xac: {  	[dreg:$0x1] =	wrdreg $0xFFFFFFFF  }
0xad: {  	[dreg:$0x0] =	wrdreg $0x60  }
0xae: {  	[dreg:$0x2] =	wrdreg s2  }
0xaf: {  	[dreg:$0x3] =	wrdreg s24  }
0xb0: {  	[dreg:$0x4] =	wrdreg $0x9  }
0xb1: {  	_ =	task.clear_ibuf [dreg:s7], $0x5FFFF;
	_ =	strace $0x90000046  }
0xb2: {  	s29 =	simm.s32 $0x9;
	_ =	strace $0x80000048  }
0xb3: {  	_ =	swait.ge [sflag:s29], $0x1  }
0xb4: {  	[sflag:s29] =	ssyncadd.s32 $0xFFFFFFFF  }
0xb5: {  	_ =	strace $0x90000048  }
0xb6: {  	_ =	sfence  }
0xb7: {  	s30 =	sld [smem:$0x0];
	_ =	sdelay $0x2  }
0xb8: {  	s31 =	sshll.u32 s1, $0xD;
	s1 =	sshrl.u32 s1, $0x2  }
0xb9: {  	s3 =	sand.u32 $0x4000, s31;
	s1 =	sadd.s32 s1, s30  }
0xba: {  	s0 =	sor.u32 s3, s0;
	s1 =	sshll.u32 s1, $0x11  }
0xbb: {  	s0 =	sor.u32 s1, s0  }
0xbc: {  	s0 =	sadd.s32 $0x8F2B, s0  }
0xbd: {  	[sflag:s0] =	ssyncadd.remote.s32 $0x1  }
0xbe: {  	_ =	sfence.sel $0xFFFF  }
0xbf: {  	[dreg:$0x0] =	wrdreg $0xFFFFFFFF;
	(pc) =	sbr.abs _section_cstart, $3  }
0xc0: {  	[dreg:$0x1] =	wrdreg $0xFFFFFFFF  }
0xc1: {  	_ =	task.clear_ibuf [dreg:s7], $0x2FFFF;
	_ =	strace $0x9FFFFFFF  }
0xc2: {  	(tm) =	ssettm $0x7FFFFFFF  }
0xc3: {  	_ =	shalt  }
tec
execute0_lowered:
.L_overlay_start_1:
0x0: {  	(tag) =	ssettag $0x1  }
0x1: {  	v0 =	vimm.s32 $0x14131211;
	v1 =	vimm.s32 $0x18171615;
	v2 =	vimm.s32 $0x1C1B1A19  }
0x2: {  	v3 =	vimm.s32 $0x1F1E1D;
	vm0 =	vcmask $0x1F10;
	v4 =	vimm.s32 $0x15141312  }
0x3: {  	v5 =	vimm.s32 $0x1D1C1B1A;
	v6 =	vimm.s32 $0x1001F1E;
	v7 =	vimm.s32 $0x16151413  }
0x4: {  	v8 =	vimm.s32 $0x1A191817;
	v9 =	vimm.s32 $0x1E1D1C1B;
	v10 =	vimm.s32 $0x201001F  }
0x5: {  	v11 =	vimm.s32 $0x3020100;
	v12 =	vimm.s32 $0x1F1E1D1C;
	v13 =	vimm.s32 $0x5040302  }
0x6: {  	v14 =	vimm.s32 $0x6050403;
	v15 =	vimm.s32 $0x32107654;
	vm12 =	vcmask $0x2F10  }
0x7: {  	vm1 =	vcmask $0x3F30;
	vm13 =	vcmask $0x300;
	v16 =	vimm.s32 $0x3E07  }
0x8: {  	v17 =	vimm.s32 $0x7;
	v18 =	vimm.s32 $0x207;
	v19 =	vimm.s32 $0x407  }
0x9: {  	v20 =	vimm.s32 $0x607;
	v21 =	vimm.s32 $0x807;
	v22 =	vimm.s32 $0xA07  }
0xa: {  	v23 =	vimm.s32 $0xC07;
	v24 =	vimm.s32 $0xE07;
	v25 =	vimm.s32 $0x1007  }
0xb: {  	v26 =	vimm.s32 $0x1207;
	v27 =	vimm.s32 $0x1407;
	v28 =	vimm.s32 $0x1607  }
0xc: {  	v29 =	vimm.s32 $0x1807;
	v30 =	vimm.s32 $0x1A07;
	v31 =	vimm.s32 $0x1C07  }
0xd: {  	vm14 =	vcmask $0x704;
	vm15 =	vcmask $0xB08;
	vm4 =	vcmask $0xF0C  }
0xe: {  	vm5 =	vcmask $0x1310;
	vm6 =	vcmask $0x1714;
	vm7 =	vcmask $0x1B18  }
0xf: {  	vm8 =	vcmask $0x1F1C;
	vm9 =	vcmask $0x2320;
	vm10 =	vcmask $0x2724  }
0x10: {  	vm11 =	vcmask $0x2B28;
	v0 =	vunpack.c.0.s8.s32 v0;
	v1 =	vunpack.c.0.s8.s32 v1  }
0x11: {  	v2 =	vunpack.c.0.s8.s32 v2;
	v3 =	vunpack.c.0.s8.s32 v3;
	v5 =	vunpack.c.0.s8.s32 v5  }
0x12: {  	v6 =	vunpack.c.0.s8.s32 v6;
	v7 =	vunpack.c.0.s8.s32 v7;
	v8 =	vunpack.c.0.s8.s32 v8  }
0x13: {  	v9 =	vunpack.c.0.s8.s32 v9;
	v10 =	vunpack.c.0.s8.s32 v10;
	v11 =	vunpack.c.0.s8.s32 v11  }
0x14: {  	v12 =	vunpack.c.0.s8.s32 v12;
	v13 =	vunpack.c.0.s8.s32 v13;
	v16 =	vsel vm13, $0x2000, v16  }
0x15: {  	v17 =	vsel vm13, $0x2200, v17;
	v18 =	vsel vm13, $0x2400, v18;
	v19 =	vsel vm13, $0x2600, v19  }
0x16: {  	v20 =	vsel vm13, $0x2800, v20;
	v21 =	vsel vm13, $0x2A00, v21;
	v22 =	vsel vm13, $0x2C00, v22  }
0x17: {  	v23 =	vsel vm13, $0x2E00, v23;
	v24 =	vsel vm13, $0x3000, v24;
	v25 =	vsel vm13, $0x3200, v25  }
0x18: {  	v26 =	vsel vm13, $0x3400, v26;
	v27 =	vsel vm13, $0x3600, v27;
	v28 =	vsel vm13, $0x3800, v28  }
0x19: {  	v29 =	vsel vm13, $0x3A00, v29;
	v30 =	vsel vm13, $0x3C00, v30;
	v31 =	vsel vm13, $0x3E00, v31  }
0x1a: {  	v16 =	vsel vm14, $0x2201, v16;
	v17 =	vsel vm14, $0x2401, v17;
	v18 =	vsel vm14, $0x2601, v18  }
0x1b: {  	v19 =	vsel vm14, $0x2801, v19;
	v20 =	vsel vm14, $0x2A01, v20;
	v21 =	vsel vm14, $0x2C01, v21  }
0x1c: {  	v22 =	vsel vm14, $0x2E01, v22;
	v23 =	vsel vm14, $0x3001, v23;
	v24 =	vsel vm14, $0x3201, v24  }
0x1d: {  	v25 =	vsel vm14, $0x3401, v25;
	v26 =	vsel vm14, $0x3601, v26;
	v27 =	vsel vm14, $0x3801, v27  }
0x1e: {  	v28 =	vsel vm14, $0x3A01, v28;
	v29 =	vsel vm14, $0x3C01, v29;
	v30 =	vsel vm14, $0x3E01, v30  }
0x1f: {  	v31 =	vsel vm14, $0x1, v31;
	v0 =	vsel vm0, v1, v0;
	v61 =	vsel vm0, v3, v2  }
0x20: {  	v60 =	vsel vm0, v6, v5;
	v47 =	vsel vm0, v11, v12;
	v11 =	vimm.s32 $0x4030201  }
0x21: {  	v1 =	vsel vm0, v2, v1;
	v59 =	vsel vm0, v9, v8;
	v2 =	vimm.s32 $0xB0A0908  }
0x22: {  	v16 =	vsel vm15, $0x2402, v16;
	v17 =	vsel vm15, $0x2602, v17;
	v18 =	vsel vm15, $0x2802, v18  }
0x23: {  	v19 =	vsel vm15, $0x2A02, v19;
	v20 =	vsel vm15, $0x2C02, v20;
	v21 =	vsel vm15, $0x2E02, v21  }
0x24: {  	v22 =	vsel vm15, $0x3002, v22;
	v23 =	vsel vm15, $0x3202, v23;
	v24 =	vsel vm15, $0x3402, v24  }
0x25: {  	v25 =	vsel vm15, $0x3602, v25;
	v26 =	vsel vm15, $0x3802, v26;
	v27 =	vsel vm15, $0x3A02, v27  }
0x26: {  	v28 =	vsel vm15, $0x3C02, v28;
	v29 =	vsel vm15, $0x3E02, v29;
	v30 =	vsel vm15, $0x2, v30  }
0x27: {  	v31 =	vsel vm15, $0x202, v31;
	[tilespmem:$0x1FC10] =	vst v0;
	v0 =	vunpack.c.0.s8.s32 v4;
	v4 =	vimm.s32 $0x19181716  }
0x28: {  	v11 =	vunpack.c.0.s8.s32 v11;
	[tilespmem:$0x1FBE0] =	vst v1;
	v1 =	vsel vm0, v13, v6;
	v2 =	vunpack.c.0.s8.s32 v2  }
0x29: {  	v13 =	vimm.s32 $0x3807;
	v16 =	vsel vm4, $0x2603, v16;
	v17 =	vsel vm4, $0x2803, v17  }
0x2a: {  	v18 =	vsel vm4, $0x2A03, v18;
	v19 =	vsel vm4, $0x2C03, v19;
	v20 =	vsel vm4, $0x2E03, v20  }
0x2b: {  	v21 =	vsel vm4, $0x3003, v21;
	v22 =	vsel vm4, $0x3203, v22;
	v23 =	vsel vm4, $0x3403, v23  }
0x2c: {  	v24 =	vsel vm4, $0x3603, v24;
	v25 =	vsel vm4, $0x3803, v25;
	v26 =	vsel vm4, $0x3A03, v26  }
0x2d: {  	v27 =	vsel vm4, $0x3C03, v27;
	v28 =	vsel vm4, $0x3E03, v28;
	v29 =	vsel vm4, $0x3, v29  }
0x2e: {  	v30 =	vsel vm4, $0x203, v30;
	v31 =	vsel vm4, $0x403, v31;
	v4 =	vunpack.c.0.s8.s32 v4  }
0x2f: {  	v13 =	vsel vm13, $0x1A00, v13;
	v16 =	vsel vm5, $0x2804, v16;
	v17 =	vsel vm5, $0x2A04, v17  }
0x30: {  	v18 =	vsel vm5, $0x2C04, v18;
	v19 =	vsel vm5, $0x2E04, v19;
	v20 =	vsel vm5, $0x3004, v20  }
0x31: {  	v21 =	vsel vm5, $0x3204, v21;
	v22 =	vsel vm5, $0x3404, v22;
	v23 =	vsel vm5, $0x3604, v23  }
0x32: {  	v24 =	vsel vm5, $0x3804, v24;
	v25 =	vsel vm5, $0x3A04, v25;
	v26 =	vsel vm5, $0x3C04, v26  }
0x33: {  	v27 =	vsel vm5, $0x3E04, v27;
	v28 =	vsel vm5, $0x4, v28;
	v29 =	vsel vm5, $0x204, v29  }
0x34: {  	v30 =	vsel vm5, $0x404, v30;
	v31 =	vsel vm5, $0x604, v31;
	v50 =	vsel vm0, v11, v3  }
0x35: {  	v11 =	vimm.s32 $0x3407;
	v13 =	vsel vm14, $0x1C01, v13;
	v16 =	vsel vm6, $0x2A05, v16  }
0x36: {  	v17 =	vsel vm6, $0x2C05, v17;
	v18 =	vsel vm6, $0x2E05, v18;
	v19 =	vsel vm6, $0x3005, v19  }
0x37: {  	v20 =	vsel vm6, $0x3205, v20;
	v21 =	vsel vm6, $0x3405, v21;
	v22 =	vsel vm6, $0x3605, v22  }
0x38: {  	v23 =	vsel vm6, $0x3805, v23;
	v24 =	vsel vm6, $0x3A05, v24;
	v25 =	vsel vm6, $0x3C05, v25  }
0x39: {  	v26 =	vsel vm6, $0x3E05, v26;
	v27 =	vsel vm6, $0x5, v27;
	v28 =	vsel vm6, $0x205, v28  }
0x3a: {  	v29 =	vsel vm6, $0x405, v29;
	v31 =	vsel vm6, $0x805, v31;
	v57 =	vsel vm0, v4, v0  }
0x3b: {  	[tilespmem:$0x1FBF0] =	vst v1;
	v0 =	vsel vm0, v8, v7;
	v7 =	vimm.s32 $0x1B1A1918;
	v1 =	vsel vm0, v5, v4  }
0x3c: {  	v4 =	vimm.s32 $0x54329876;
	v5 =	vimm.s32 $0x6543A987;
	v8 =	vimm.s32 $0xE0D0C0B  }
0x3d: {  	v11 =	vsel vm13, $0x1600, v11;
	v13 =	vsel vm15, $0x1E02, v13;
	v16 =	vsel vm7, $0x2C06, v16  }
0x3e: {  	v17 =	vsel vm7, $0x2E06, v17;
	v18 =	vsel vm7, $0x3006, v18;
	v19 =	vsel vm7, $0x3206, v19  }
0x3f: {  	v20 =	vsel vm7, $0x3406, v20;
	v21 =	vsel vm7, $0x3606, v21;
	v22 =	vsel vm7, $0x3806, v22  }
0x40: {  	v23 =	vsel vm7, $0x3A06, v23;
	v24 =	vsel vm7, $0x3C06, v24;
	v25 =	vsel vm7, $0x3E06, v25  }
0x41: {  	v26 =	vsel vm7, $0x6, v26;
	v27 =	vsel vm7, $0x206, v27;
	v28 =	vsel vm7, $0x406, v28  }
0x42: {  	v29 =	vsel vm7, $0x606, v29;
	v31 =	vsel vm7, $0xA06, v31;
	[tilespmem:$0x1FC30] =	vst v0;
	v0 =	vsel vm0, v10, v9  }
0x43: {  	v7 =	vunpack.c.0.s8.s32 v7;
	[tilespmem:$0x1FC00] =	vst v1;
	v1 =	vimm.s32 $0x43218765;
	v4 =	vunpack.c.l.s4.s8 v4  }
0x44: {  	v5 =	vunpack.c.l.s4.s8 v5;
	v8 =	vunpack.c.0.s8.s32 v8;
	v9 =	vimm.s32 $0x3007  }
0x45: {  	v11 =	vsel vm14, $0x1801, v11;
	v13 =	vsel vm4, $0x2003, v13;
	v16 =	vsel vm8, $0x2E07, v16  }
0x46: {  	v17 =	vsel vm8, $0x3007, v17;
	v18 =	vsel vm8, $0x3207, v18;
	v19 =	vsel vm8, $0x3407, v19  }
0x47: {  	v20 =	vsel vm8, $0x3607, v20;
	v21 =	vsel vm8, $0x3807, v21;
	v22 =	vsel vm8, $0x3A07, v22  }
0x48: {  	v23 =	vsel vm8, $0x3C07, v23;
	v24 =	vsel vm8, $0x3E07, v24;
	v25 =	vsel vm8, $0x7, v25  }
0x49: {  	v26 =	vsel vm8, $0x207, v26;
	v27 =	vsel vm8, $0x407, v27;
	v28 =	vsel vm8, $0x607, v28  }
0x4a: {  	v29 =	vsel vm8, $0x807, v29;
	v31 =	vsel vm8, $0xC07, v31;
	[tilespmem:$0x1FC20] =	vst v0;
	v0 =	vimm.s32 $0x17161514  }
0x4b: {  	v1 =	vunpack.c.l.s4.s8 v1;
	v9 =	vsel vm13, $0x1200, v9;
	v11 =	vsel vm15, $0x1A02, v11  }
0x4c: {  	v13 =	vsel vm5, $0x2204, v13;
	v16 =	vsel vm9, $0x3000, v16;
	v17 =	vsel vm9, $0x3200, v17  }
0x4d: {  	v18 =	vsel vm9, $0x3400, v18;
	v19 =	vsel vm9, $0x3600, v19;
	v20 =	vsel vm9, $0x3800, v20  }
0x4e: {  	v21 =	vsel vm9, $0x3A00, v21;
	v22 =	vsel vm9, $0x3C00, v22;
	v23 =	vsel vm9, $0x3E00, v23  }
0x4f: {  	v24 =	vsel vm9, $0x0, v24;
	v25 =	vsel vm9, $0x200, v25;
	v26 =	vsel vm9, $0x400, v26  }
0x50: {  	v28 =	vsel vm9, $0x800, v28;
	v29 =	vsel vm9, $0xA00, v29;
	v31 =	vsel vm9, $0xE00, v31  }
0x51: {  	v0 =	vunpack.c.0.s8.s32 v0;
	v52 =	vsel vm0, v12, v7;
	v4 =	vunpack.c.0.s8.s32 v4  }
0x52: {  	v5 =	vunpack.c.0.s8.s32 v5;
	v9 =	vsel vm14, $0x1401, v9;
	v11 =	vsel vm4, $0x1C03, v11  }
0x53: {  	v13 =	vsel vm6, $0x2405, v13;
	v16 =	vsel vm10, $0x3201, v16;
	v17 =	vsel vm10, $0x3401, v17  }
0x54: {  	v18 =	vsel vm10, $0x3601, v18;
	v19 =	vsel vm10, $0x3801, v19;
	v20 =	vsel vm10, $0x3A01, v20  }
0x55: {  	v21 =	vsel vm10, $0x3C01, v21;
	v22 =	vsel vm10, $0x3E01, v22;
	v23 =	vsel vm10, $0x1, v23  }
0x56: {  	v24 =	vsel vm10, $0x201, v24;
	v25 =	vsel vm10, $0x401, v25;
	v26 =	vsel vm10, $0x601, v26  }
0x57: {  	v28 =	vsel vm10, $0xA01, v28;
	v29 =	vsel vm10, $0xC01, v29;
	v31 =	vsel vm10, $0x1001, v31  }
0x58: {  	v1 =	vunpack.c.0.s8.s32 v1;
	v9 =	vsel vm15, $0x1602, v9;
	v11 =	vsel vm5, $0x1E04, v11  }
0x59: {  	v13 =	vsel vm7, $0x2606, v13;
	v16 =	vsel vm11, $0x3402, v16;
	v17 =	vsel vm11, $0x3602, v17  }
0x5a: {  	v18 =	vsel vm11, $0x3802, v18;
	v19 =	vsel vm11, $0x3A02, v19;
	v20 =	vsel vm11, $0x3C02, v20  }
0x5b: {  	v21 =	vsel vm11, $0x3E02, v21;
	v22 =	vsel vm11, $0x2, v22;
	v23 =	vsel vm11, $0x202, v23  }
0x5c: {  	v24 =	vsel vm11, $0x402, v24;
	v25 =	vsel vm11, $0x602, v25;
	v26 =	vsel vm11, $0x802, v26  }
0x5d: {  	v28 =	vsel vm11, $0xC02, v28;
	v29 =	vsel vm11, $0xE02, v29;
	v31 =	vsel vm11, $0x1202, v31  }
0x5e: {  	v0 =	vsel vm0, v7, v0;
	v7 =	vimm.s32 $0xC0B0A09;
	v4 =	vand.u32 $0xF, v4  }
0x5f: {  	v5 =	vand.u32 $0xF, v5;
	v9 =	vsel vm4, $0x1803, v9;
	v11 =	vsel vm6, $0x2005, v11  }
0x60: {  	v13 =	vsel vm8, $0x2807, v13;
	[tilespmem:$0x1FBD0] =	vst v0;
	v0 =	vunpack.c.0.s8.s32 v14;
	v14 =	vunpack.c.l.s4.s8 v15  }
0x61: {  	v1 =	vand.u32 $0xF, v1;
	v4 =	vsel vm12, v4, v6;
	v5 =	vsel vm12, v5, v10  }
0x62: {  	v6 =	vimm.s32 $0x2A07;
	v15 =	vimm.s32 $0x3C07;
	v9 =	vsel vm5, $0x1A04, v9  }
0x63: {  	v11 =	vsel vm7, $0x2206, v11;
	v13 =	vsel vm9, $0x2A00, v13;
	v1 =	vsel vm12, v1, v3  }
0x64: {  	v3 =	vunpack.c.0.s8.s32 v7;
	v7 =	vimm.s32 $0xD0C0B0A;
	v33 =	vsel vm1, v8, v5  }
0x65: {  	v5 =	vimm.s32 $0x2807;
	v6 =	vsel vm13, $0xC00, v6;
	v8 =	vimm.s32 $0x2E07  }
0x66: {  	v15 =	vsel vm13, $0x1E00, v15;
	v9 =	vsel vm6, $0x1C05, v9;
	v11 =	vsel vm8, $0x2407, v11  }
0x67: {  	v13 =	vsel vm10, $0x2C01, v13;
	v51 =	vsel vm0, v0, v10;
	v0 =	vunpack.c.0.s8.s32 v14  }
0x68: {  	v7 =	vunpack.c.0.s8.s32 v7;
	v5 =	vsel vm13, $0xA00, v5;
	v8 =	vsel vm13, $0x1000, v8  }
0x69: {  	v10 =	vimm.s32 $0x3207;
	v14 =	vimm.s32 $0x3A07;
	v6 =	vsel vm14, $0xE01, v6  }
0x6a: {  	v15 =	vsel vm14, $0x2001, v15;
	v9 =	vsel vm7, $0x1E06, v9;
	v11 =	vsel vm9, $0x2600, v11  }
0x6b: {  	v13 =	vsel vm11, $0x2E02, v13;
	v10 =	vsel vm13, $0x1400, v10;
	v14 =	vsel vm13, $0x1C00, v14  }
0x6c: {  	v5 =	vsel vm14, $0xC01, v5;
	v8 =	vsel vm14, $0x1201, v8;
	v6 =	vsel vm15, $0x1002, v6  }
0x6d: {  	v15 =	vsel vm15, $0x2202, v15;
	v9 =	vsel vm8, $0x2007, v9;
	v11 =	vsel vm10, $0x2801, v11  }
0x6e: {  	v51 =	vcombine.low v59, v51;
	v0 =	vand.u32 $0xF, v0;
	v10 =	vsel vm14, $0x1601, v10  }
0x6f: {  	v14 =	vsel vm14, $0x1E01, v14;
	v5 =	vsel vm15, $0xE02, v5;
	v8 =	vsel vm15, $0x1402, v8  }
0x70: {  	v6 =	vsel vm4, $0x1203, v6;
	v15 =	vsel vm4, $0x2403, v15;
	v9 =	vsel vm9, $0x2200, v9  }
0x71: {  	v11 =	vsel vm11, $0x2A02, v11;
	v0 =	vsel vm12, v0, v12;
	v12 =	vimm.s32 $0x3607  }
0x72: {  	v10 =	vsel vm15, $0x1802, v10;
	v14 =	vsel vm15, $0x2002, v14;
	v5 =	vsel vm4, $0x1003, v5  }
0x73: {  	v8 =	vsel vm4, $0x1603, v8;
	v6 =	vsel vm5, $0x1404, v6;
	v15 =	vsel vm5, $0x2604, v15  }
0x74: {  	v9 =	vsel vm10, $0x2401, v9;
	vm12 =	vcmask $0x2F2C;
	v0 =	vsel vm1, v2, v0  }
0x75: {  	v2 =	vimm.s32 $0x2207;
	v12 =	vsel vm13, $0x1800, v12;
	v10 =	vsel vm4, $0x1A03, v10  }
0x76: {  	v14 =	vsel vm4, $0x2203, v14;
	v5 =	vsel vm5, $0x1204, v5;
	v8 =	vsel vm5, $0x1804, v8  }
0x77: {  	v6 =	vsel vm6, $0x1605, v6;
	v15 =	vsel vm6, $0x2805, v15;
	v9 =	vsel vm11, $0x2602, v9  }
0x78: {  	v11 =	vsel vm12, $0x2C03, v11;
	v13 =	vsel vm12, $0x3003, v13;
	v16 =	vsel vm12, $0x3603, v16  }
0x79: {  	v17 =	vsel vm12, $0x3803, v17;
	v18 =	vsel vm12, $0x3A03, v18;
	v19 =	vsel vm12, $0x3C03, v19  }
0x7a: {  	v20 =	vsel vm12, $0x3E03, v20;
	v21 =	vsel vm12, $0x3, v21;
	v22 =	vsel vm12, $0x203, v22  }
0x7b: {  	v23 =	vsel vm12, $0x403, v23;
	v24 =	vsel vm12, $0x603, v24;
	v25 =	vsel vm12, $0x803, v25  }
0x7c: {  	v26 =	vsel vm12, $0xA03, v26;
	v28 =	vsel vm12, $0xE03, v28;
	v29 =	vsel vm12, $0x1003, v29  }
0x7d: {  	v31 =	vsel vm12, $0x1403, v31;
	[tilespmem:$0x1FBA0] =	vst v0;
	v0 =	vsel vm1, v3, v1;
	v1 =	vimm.s32 $0x2007  }
0x7e: {  	v2 =	vsel vm13, $0x400, v2;
	v3 =	vimm.s32 $0x2407;
	v12 =	vsel vm14, $0x1A01, v12  }
0x7f: {  	v10 =	vsel vm5, $0x1C04, v10;
	v14 =	vsel vm5, $0x2404, v14;
	v5 =	vsel vm6, $0x1405, v5  }
0x80: {  	v8 =	vsel vm6, $0x1A05, v8;
	v6 =	vsel vm7, $0x1806, v6;
	v15 =	vsel vm7, $0x2A06, v15  }
0x81: {  	v9 =	vsel vm12, $0x2803, v9;
	[tilespmem:$0x1FBB0] =	vst v0;
	v0 =	vsel vm1, v7, v4;
	v1 =	vsel vm13, $0x200, v1  }
0x82: {  	v4 =	vimm.s32 $0x2607;
	v3 =	vsel vm13, $0x600, v3;
	v7 =	vimm.s32 $0x2C07  }
0x83: {  	v2 =	vsel vm14, $0x601, v2;
	v12 =	vsel vm15, $0x1C02, v12;
	v10 =	vsel vm6, $0x1E05, v10  }
0x84: {  	v14 =	vsel vm6, $0x2605, v14;
	v5 =	vsel vm7, $0x1606, v5;
	v8 =	vsel vm7, $0x1C06, v8  }
0x85: {  	v6 =	vsel vm8, $0x1A07, v6;
	v15 =	vsel vm8, $0x2C07, v15;
	[tilespmem:$0x1FBC0] =	vst v0;
	v0 =	vimm.s32 $0x1E07  }
0x86: {  	v4 =	vsel vm13, $0x800, v4;
	v7 =	vsel vm13, $0xE00, v7;
	v1 =	vsel vm14, $0x401, v1  }
0x87: {  	v3 =	vsel vm14, $0x801, v3;
	v2 =	vsel vm15, $0x802, v2;
	v12 =	vsel vm4, $0x1E03, v12  }
0x88: {  	v10 =	vsel vm7, $0x2006, v10;
	v14 =	vsel vm7, $0x2806, v14;
	v5 =	vsel vm8, $0x1807, v5  }
0x89: {  	v8 =	vsel vm8, $0x1E07, v8;
	v6 =	vsel vm9, $0x1C00, v6;
	v15 =	vsel vm9, $0x2E00, v15  }
0x8a: {  	v0 =	vsel vm13, $0x0, v0;
	v4 =	vsel vm14, $0xA01, v4;
	v7 =	vsel vm14, $0x1001, v7  }
0x8b: {  	v1 =	vsel vm15, $0x602, v1;
	v3 =	vsel vm15, $0xA02, v3;
	v2 =	vsel vm4, $0xA03, v2  }
0x8c: {  	v12 =	vsel vm5, $0x2004, v12;
	v10 =	vsel vm8, $0x2207, v10;
	v14 =	vsel vm8, $0x2A07, v14  }
0x8d: {  	v5 =	vsel vm9, $0x1A00, v5;
	v8 =	vsel vm9, $0x2000, v8;
	v6 =	vsel vm10, $0x1E01, v6  }
0x8e: {  	v15 =	vsel vm10, $0x3001, v15;
	vm13 =	vcmask $0x3330;
	v0 =	vsel vm14, $0x201, v0  }
0x8f: {  	v4 =	vsel vm15, $0xC02, v4;
	v7 =	vsel vm15, $0x1202, v7;
	v1 =	vsel vm4, $0x803, v1  }
0x90: {  	v3 =	vsel vm4, $0xC03, v3;
	v2 =	vsel vm5, $0xC04, v2;
	v12 =	vsel vm6, $0x2205, v12  }
0x91: {  	v10 =	vsel vm9, $0x2400, v10;
	v14 =	vsel vm9, $0x2C00, v14;
	v5 =	vsel vm10, $0x1C01, v5  }
0x92: {  	v8 =	vsel vm10, $0x2201, v8;
	v6 =	vsel vm11, $0x2002, v6;
	v15 =	vsel vm11, $0x3202, v15  }
0x93: {  	v9 =	vsel vm13, $0x2A04, v9;
	v11 =	vsel vm13, $0x2E04, v11;
	v13 =	vsel vm13, $0x3204, v13  }
0x94: {  	v16 =	vsel vm13, $0x3804, v16;
	v17 =	vsel vm13, $0x3A04, v17;
	v18 =	vsel vm13, $0x3C04, v18  }
0x95: {  	v19 =	vsel vm13, $0x3E04, v19;
	v20 =	vsel vm13, $0x4, v20;
	v21 =	vsel vm13, $0x204, v21  }
0x96: {  	v23 =	vsel vm13, $0x604, v23;
	v24 =	vsel vm13, $0x804, v24;
	v25 =	vsel vm13, $0xA04, v25  }
0x97: {  	v26 =	vsel vm13, $0xC04, v26;
	v28 =	vsel vm13, $0x1004, v28;
	v29 =	vsel vm13, $0x1204, v29  }
0x98: {  	v31 =	vsel vm13, $0x1604, v31;
	vm14 =	vcmask $0x3734;
	v0 =	vsel vm15, $0x402, v0  }
0x99: {  	v4 =	vsel vm4, $0xE03, v4;
	v7 =	vsel vm4, $0x1403, v7;
	v1 =	vsel vm5, $0xA04, v1  }
0x9a: {  	v3 =	vsel vm5, $0xE04, v3;
	v2 =	vsel vm6, $0xE05, v2;
	v10 =	vsel vm10, $0x2601, v10  }
0x9b: {  	v14 =	vsel vm10, $0x2E01, v14;
	v5 =	vsel vm11, $0x1E02, v5;
	v6 =	vsel vm12, $0x2203, v6  }
0x9c: {  	v37 =	vsel vm14, $0x2C05, v9;
	v39 =	vsel vm14, $0x3005, v11;
	v41 =	vsel vm14, $0x3405, v13  }
0x9d: {  	v45 =	vsel vm14, $0x3C05, v17;
	v63 =	vsel vm14, $0x205, v20;
	v9 =	vsel vm14, $0x805, v23  }
0x9e: {  	v11 =	vsel vm14, $0xC05, v25;
	v55 =	vsel vm14, $0x1205, v28;
	v56 =	vsel vm14, $0x1405, v29  }
0x9f: {  	v58 =	vsel vm14, $0x1805, v31;
	vm15 =	vcmask $0x3B38;
	v0 =	vsel vm4, $0x603, v0  }
0xa0: {  	v4 =	vsel vm5, $0x1004, v4;
	v7 =	vsel vm5, $0x1604, v7;
	v1 =	vsel vm6, $0xC05, v1  }
0xa1: {  	v3 =	vsel vm6, $0x1005, v3;
	v2 =	vsel vm7, $0x1006, v2;
	v10 =	vsel vm11, $0x2802, v10  }
0xa2: {  	v14 =	vsel vm11, $0x3002, v14;
	v5 =	vsel vm12, $0x2003, v5;
	v6 =	vsel vm13, $0x2404, v6  }
0xa3: {  	v23 =	vsel vm15, $0x2E06, v37;
	v28 =	vsel vm15, $0x3606, v41;
	v37 =	vsel vm15, $0xA06, v9  }
0xa4: {  	v46 =	vsel vm15, $0x1406, v55;
	v9 =	vsel vm15, $0x1A06, v58;
	v0 =	vsel vm5, $0x804, v0  }
0xa5: {  	v4 =	vsel vm6, $0x1205, v4;
	v7 =	vsel vm6, $0x1805, v7;
	v1 =	vsel vm7, $0xE06, v1  }
0xa6: {  	v3 =	vsel vm7, $0x1206, v3;
	v2 =	vsel vm8, $0x1207, v2;
	v10 =	vsel vm12, $0x2A03, v10  }
0xa7: {  	v14 =	vsel vm12, $0x3203, v14;
	v5 =	vsel vm13, $0x2204, v5;
	v34 =	vsel vm14, $0x2605, v6  }
0xa8: {  	v6 =	vsel vm14, $0x5, v19;
	v0 =	vsel vm6, $0xA05, v0;
	v4 =	vsel vm7, $0x1406, v4  }
0xa9: {  	v7 =	vsel vm7, $0x1A06, v7;
	v1 =	vsel vm8, $0x1007, v1;
	v3 =	vsel vm8, $0x1407, v3  }
0xaa: {  	v2 =	vsel vm9, $0x1400, v2;
	v10 =	vsel vm13, $0x2C04, v10;
	v14 =	vsel vm13, $0x3404, v14  }
0xab: {  	v49 =	vsel vm14, $0x2405, v5;
	v5 =	vsel vm14, $0x3E05, v18;
	v19 =	vsel vm15, $0x2806, v34  }
0xac: {  	v0 =	vsel vm7, $0xC06, v0;
	v4 =	vsel vm8, $0x1607, v4;
	v1 =	vsel vm9, $0x1200, v1  }
0xad: {  	v3 =	vsel vm9, $0x1600, v3;
	v2 =	vsel vm10, $0x1601, v2;
	v0 =	vsel vm8, $0xE07, v0  }
0xae: {  	v4 =	vsel vm9, $0x1800, v4;
	v1 =	vsel vm10, $0x1401, v1;
	v3 =	vsel vm10, $0x1801, v3  }
0xaf: {  	v2 =	vsel vm11, $0x1802, v2;
	v0 =	vsel vm9, $0x1000, v0;
	v4 =	vsel vm10, $0x1A01, v4  }
0xb0: {  	v1 =	vsel vm11, $0x1602, v1;
	v3 =	vsel vm11, $0x1A02, v3;
	v2 =	vsel vm12, $0x1A03, v2  }
0xb1: {  	v0 =	vsel vm10, $0x1201, v0;
	v4 =	vsel vm11, $0x1C02, v4;
	v1 =	vsel vm12, $0x1803, v1  }
0xb2: {  	v3 =	vsel vm12, $0x1C03, v3;
	v2 =	vsel vm13, $0x1C04, v2;
	v0 =	vsel vm11, $0x1402, v0  }
0xb3: {  	v4 =	vsel vm12, $0x1E03, v4;
	v1 =	vsel vm13, $0x1A04, v1;
	v2 =	vsel vm14, $0x1E05, v2  }
0xb4: {  	v0 =	vsel vm12, $0x1603, v0;
	v1 =	vsel vm14, $0x1C05, v1;
	v54 =	vsel vm15, $0x2006, v2;
	v2 =	vld [tilespmem:$0x1FBE0]  }
0xb5: {  	v3 =	vsel vm13, $0x1E04, v3;
	v0 =	vsel vm13, $0x1804, v0;
	v18 =	vsel vm15, $0x1E06, v1;
	v1 =	vld [tilespmem:$0x1FBD0]  }
0xb6: {  	v4 =	vsel vm13, $0x2004, v4;
	v3 =	vsel vm14, $0x2005, v3;
	v0 =	vsel vm14, $0x1A05, v0  }
0xb7: {  	s6 =	rddreg [dreg:$0x0];
	v32 =	vsel vm14, $0x2205, v4;
	v53 =	vsel vm15, $0x1C06, v0;
	v0 =	vsel vm15, $0x2206, v3  }
0xb8: {  	s4 =	rddreg [dreg:$0x1];
	s2 =	simm.s32 $0x0;
	v7 =	vsel vm8, $0x1C07, v7;
	v38 =	vsel vm14, $0x2E05, v10;
	[tilespmem:$0x1FC40] =	vst v0;
	v0 =	vsel vm15, $0x2406, v32  }
0xb9: {  	[smem:$0x7FF] =	sst s2;
	v10 =	vsel vm14, $0xA05, v24;
	v17 =	vsel vm15, $0x6, v5;
	v5 =	vlaneseq.u32;
	v3 =	vld [tilespmem:$0x1FC00];
	[tilespmem:$0x1FC50] =	vst v0  }
0xba: {  	s0 =	rddreg [dreg:$0x2];
	v55 =	vadd.s32 $0x1, v5;
	v41 =	vcombine.low v1, v47;
	v47 =	vcombine.low v2, v50;
	v2 =	vld [tilespmem:$0x1FBF0];
	_ =	strace $0x80000047;
	[tilespmem:$0x1FC60] =	vst v9  }
0xbb: {  	v24 =	vsel vm15, $0x3006, v38;
	v38 =	vsel vm15, $0x1606, v56;
	v56 =	vadd.s32 $0x2, v5;
	[tilespmem:$0x1FCA0] =	vst v55  }
0xbc: {  	v62 =	vsel vm15, $0x2606, v49;
	v7 =	vsel vm9, $0x1E00, v7;
	v58 =	vadd.s32 $0x3, v5;
	[tilespmem:$0x1FCB0] =	vst v56  }
0xbd: {  	v48 =	vsel vm15, $0xC06, v10;
	v10 =	vadd.s32 $0x4, v5;
	v7 =	vsel vm10, $0x2001, v7;
	[tilespmem:$0x1FCC0] =	vst v58  }
0xbe: {  	v49 =	vsel vm15, $0xE06, v11;
	v11 =	vadd.s32 $0x5, v5;
	v7 =	vsel vm11, $0x2202, v7;
	[tilespmem:$0x1FCD0] =	vst v10  }
0xbf: {  	v34 =	vsel vm15, $0x406, v63;
	v63 =	vcombine.low v57, v60;
	v7 =	vsel vm12, $0x2403, v7;
	[tilespmem:$0x1FCF0] =	vst v11  }
0xc0: {  	v7 =	vsel vm13, $0x2604, v7;
	v4 =	vmovc v33;
	v33 =	vsel vm15, $0x206, v6;
	v6 =	vadd.s32 $0x6, v5;
	[tilespmem:$0x1FD00] =	vst v53  }
0xc1: {  	v42 =	vsel vm14, $0x3605, v14;
	v35 =	vsel vm14, $0x2805, v7;
	v7 =	vsel vm14, $0x405, v21;
	v59 =	vmovc v6;
	[tilespmem:$0x1FD10] =	vst v63  }
0xc2: {  	v21 =	vsel vm14, $0xE05, v26;
	v26 =	vsel vm15, $0x3206, v39;
	v39 =	vadd.s32 $0x7, v5;
	[tilespmem:$0x1FD20] =	vst v59  }
0xc3: {  	v22 =	vsel vm13, $0x404, v22;
	v29 =	vsel vm15, $0x3806, v42;
	v42 =	vadd.s32 $0xF, v5;
	[tilespmem:$0x1FD50] =	vst v39  }
0xc4: {  	v12 =	vsel vm7, $0x2406, v12;
	v15 =	vsel vm12, $0x3403, v15;
	v13 =	vadd.s32 $0x9, v5;
	[tilespmem:$0x1FD90] =	vst v42  }
0xc5: {  	v8 =	vsel vm11, $0x2402, v8;
	v15 =	vsel vm13, $0x3604, v15;
	v14 =	vadd.s32 $0xA, v5;
	[tilespmem:$0x1FDA0] =	vst v13  }
0xc6: {  	v8 =	vsel vm12, $0x2603, v8;
	v43 =	vsel vm14, $0x3805, v15;
	v15 =	vadd.s32 $0xB, v5;
	[tilespmem:$0x1FDC0] =	vst v14  }
0xc7: {  	v44 =	vsel vm14, $0x3A05, v16;
	v12 =	vsel vm8, $0x2607, v12;
	v8 =	vsel vm13, $0x2804, v8;
	[tilespmem:$0x1FDE0] =	vst v15  }
0xc8: {  	v36 =	vsel vm14, $0x2A05, v8;
	v8 =	vsel vm14, $0x605, v22;
	v16 =	vadd.s32 $0xC, v5;
	[tilespmem:$0x1FDF0] =	vst v19  }
0xc9: {  	v22 =	vsel vm15, $0x2C06, v36;
	v36 =	vsel vm15, $0x806, v8;
	v8 =	vadd.s32 $0xD, v5;
	[tilespmem:$0x1FE00] =	vst v16  }
0xca: {  	v27 =	vsel vm9, $0x600, v27;
	v12 =	vsel vm9, $0x2800, v12;
	v20 =	vsel vm15, $0x2A06, v35;
	[tilespmem:$0x1FE10] =	vst v8  }
0xcb: {  	v12 =	vsel vm10, $0x2A01, v12;
	v35 =	vsel vm15, $0x606, v7;
	v7 =	vadd.s32 $0xE, v5;
	[tilespmem:$0x1FE20] =	vst v20  }
0xcc: {  	v30 =	vsel vm6, $0x605, v30;
	v27 =	vsel vm10, $0x801, v27;
	v12 =	vsel vm11, $0x2C02, v12;
	[tilespmem:$0x1FE30] =	vst v7  }
0xcd: {  	v30 =	vsel vm7, $0x806, v30;
	v27 =	vsel vm11, $0xA02, v27;
	v12 =	vsel vm12, $0x2E03, v12;
	[tilespmem:$0x1FE40] =	vst v22  }
0xce: {  	v30 =	vsel vm8, $0xA07, v30;
	v27 =	vsel vm12, $0xC03, v27;
	v12 =	vsel vm13, $0x3004, v12;
	[tilespmem:$0x1FE50] =	vst v23  }
0xcf: {  	v30 =	vsel vm9, $0xC00, v30;
	v27 =	vsel vm13, $0xE04, v27;
	v40 =	vsel vm14, $0x3205, v12;
	[tilespmem:$0x1FE60] =	vst v24  }
0xd0: {  	v30 =	vsel vm10, $0xE01, v30;
	v25 =	vsel vm14, $0x1005, v27;
	v27 =	vsel vm15, $0x3406, v40;
	[tilespmem:$0x1FE70] =	vst v26  }
0xd1: {  	v30 =	vsel vm11, $0x1002, v30;
	[tilespmem:$0x1FE80] =	vst v27  }
0xd2: {  	v30 =	vsel vm12, $0x1203, v30;
	[tilespmem:$0x1FE90] =	vst v28  }
0xd3: {  	v30 =	vsel vm13, $0x1404, v30;
	[tilespmem:$0x1FEA0] =	vst v29  }
0xd4: {  	v12 =	vsel vm14, $0x1605, v30;
	v30 =	vsel vm15, $0x3A06, v43;
	[tilespmem:$0x1FEB0] =	vst v51  }
0xd5: {  	v31 =	vsel vm15, $0x3C06, v44;
	[tilespmem:$0x1FEC0] =	vst v30  }
0xd6: {  	v32 =	vsel vm15, $0x3E06, v45;
	[tilespmem:$0x1FEE0] =	vst v31  }
0xd7: {  	[tilespmem:$0x1FF00] =	vst v32  }
0xd8: {  	[tilespmem:$0x1FF40] =	vst v34  }
0xd9: {  	[tilespmem:$0x1FF50] =	vst v35  }
0xda: {  	v12 =	vsel vm15, $0x1806, v12;
	[tilespmem:$0x1FF60] =	vst v36  }
0xdb: {  	[tilespmem:$0x1FF70] =	vst v12  }
0xdc: {  	[tilespmem:$0x1FF80] =	vst v37  }
0xdd: {  	v0 =	vimm.s32 $0x76543210;
	[tilespmem:$0x1FF90] =	vst v38  }
0xde: {  	v0 =	vunpack.c.l.s4.s8 v0;
	[tilespmem:$0x1FFA0] =	vst v48  }
0xdf: {  	v21 =	vsel vm15, $0x1006, v21;
	[tilespmem:$0x1FFB0] =	vst v49  }
0xe0: {  	v25 =	vsel vm15, $0x1206, v25;
	[tilespmem:$0x1FFC0] =	vst v21;
	v0 =	vunpack.c.0.s8.s32 v0  }
0xe1: {  	[tilespmem:$0x1FFD0] =	vst v25;
	v50 =	vcombine.low v3, v2;
	v3 =	vimm.s32 $0xA9876543  }
0xe2: {  	v1 =	vimm.s32 $0x87654321;
	[tilespmem:$0x1FFE0] =	vst v46;
	v52 =	vcombine.low v52, v0;
	v0 =	vunpack.c.l.s4.s8 v3;
	v3 =	vld [tilespmem:$0x1FC10]  }
0xe3: {  	[tilespmem:$0x1FFF0] =	vst v4;
	v1 =	vunpack.c.l.s4.s8 v1;
	v2 =	vimm.s32 $0x98765432  }
0xe4: {  	[tilespmem:$0x1FEF0] =	vst v41;
	v2 =	vunpack.c.l.s4.s8 v2  }
0xe5: {  	[tilespmem:$0x1FF10] =	vst v47;
	v1 =	vunpack.c.0.s8.s32 v1  }
0xe6: {  	[tilespmem:$0x1FDB0] =	vst v52;
	v2 =	vunpack.c.0.s8.s32 v2  }
0xe7: {  	v45 =	vadd.s32 $0x8, v5;
	v1 =	vand.u32 $0xF, v1;
	[tilespmem:$0x1FED0] =	vst v50;
	v6 =	vcombine.low v3, v61;
	v3 =	vmovc v18  }
0xe8: {  	v61 =	vcombine.low v61, v1;
	v1 =	vand.u32 $0xF, v2;
	v2 =	vld [tilespmem:$0x1FC30];
	v18 =	vmovc v62;
	v62 =	vmovc v45;
	v45 =	vor.u32 $0x10, v5;
	[tilespmem:$0x1FD30] =	vst v3  }
0xe9: {  	v40 =	vcombine.low v60, v1;
	v1 =	vld [tilespmem:$0x1FC20];
	[tilespmem:$0x1FD70] =	vst v45  }
0xea: {  	v0 =	vunpack.c.0.s8.s32 v0;
	[tilespmem:$0x1FD80] =	vst v62  }
0xeb: {  	s3 =	srdreg.scid;
	s1 =	stileid.u32;
	[tilespmem:$0x1FDD0] =	vst v18  }
0xec: {  	s10 =	simm.s32 $0x6400;
	s11 =	simm.s32 $0xA400;
	s12 =	simm.s32 $0x1;
	v0 =	vand.u32 $0xF, v0;
	[tilespmem:$0x1FCE0] =	vst v61  }
0xed: {  	s13 =	simm.s32 $0xE400;
	s14 =	simm.s32 $0x4000;
	s15 =	simm.s32 $0x2;
	[tilespmem:$0x1FD40] =	vst v6  }
0xee: {  	s16 =	simm.s32 $0x12400;
	s17 =	simm.s32 $0x3;
	s18 =	simm.s32 $0x4;
	[tilespmem:$0x1FC90] =	vst v40;
	v43 =	vcombine.low v2, v1;
	v2 =	vmov v54  }
0xef: {  	s19 =	simm.s32 $0x0;
	s3 =	sand.u32 $0x1, s3;
	s5 =	sshll.u32 s1, $0x1;
	v44 =	vcombine.low v1, v0;
	v0 =	vmov v17;
	[tilespmem:$0x1FD60] =	vst v2  }
0xf0: {  	s7 =	ssub.s32 $0x2, s3;
	s5 =	sor.u32 s3, s5;
	s3 =	sadd.s32 $0xF42A00, s4;
	v1 =	vmov v33;
	[tilespmem:$0x1FF20] =	vst v0  }
0xf1: {  	s4 =	sadd.s32 $0x600, s4;
	s8 =	sshrl.u32 s7, $0x1;
	s9 =	smul.u32 $0xC80, s5;
	[tilespmem:$0x1FF30] =	vst v1  }
0xf2: {  	s5 =	smul.u32 $0x32, s5;
	s7 =	ssub.s32 s7, s8;
	s8 =	simm.s32 $0x5;
	v33 =	vld [tilespmem:$0x1FC40];
	[tilespmem:$0x1FC70] =	vst v44  }
0xf3: {  	s6 =	sadd.s32 s6, s9;
	s7 =	smax.u32 s7, $0x1;
	s9 =	simm.s32 $0x200;
	v57 =	vmov v11;
	v60 =	vmov v39;
	v54 =	vmov v10;
	v17 =	vld [tilespmem:$0x1FC50];
	[tilespmem:$0x1FC80] =	vst v43  }
.LBB2_1:
0xf4: {  	[tilespmem:s2], [sflag:$0x5] =	stream.linear.gather [hbm4b:s6+s2], $0x6400, $0x38;
	[tilespmem:$0x16400] =	vst v63  }
0xf5: {  	_ =	swait.ge [sflag:s8], $0x6400  }
0xf6: {  	[sflag:s8] =	ssyncset.done $0x0  }
0xf7: {  	s20 =	simm.s32 $0x0;
	[sflag:s8] =	ssyncadd.s32 $0xFFFF9C00  }
0xf8: {  	[tilespmem:s10], [sflag:$0x1] =	stream.indirect.gather [hbm4b:s3+s9], $0x20, s2, s9, $0xb8;
	[tilespmem:$0x16400] =	vst v63  }
.LBB2_2:
0xf9: {  	p0 =	seq.s32 s20, $0x0  }
0xfa: {  	s22 =	sshll.u32 s20, $0x1;
	s24 =	simm.s32 $0x0;
	s23 =	simm.s32 @!p0 $0x3  }
0xfb: {  	v10 =	vmov v1;
	s21 =	sor.u32 $0x1, s22;
	v1 =	vor.u32 s24, v5;
	_ =	swait.ge @!p0 [sflag:s23], $0x4000  }
0xfc: {  	v39 =	vmov v0;
	s29 =	sshll.u32 s21, $0x9;
	v0 =	vshll.u32 v1, $0x5;
	[sflag:s23] =	ssyncset.done @!p0 $0x0  }
0xfd: {  	v11 =	vmov v34;
	v34 =	vmov v2;
	s30 =	sand.u32 $0x3FFFFE00, s29;
	v2 =	vor.u32 v5, v0;
	[sflag:s23] =	ssyncadd.s32 @!p0 $0xFFFFC000  }
0xfe: {  	[tilespmem:s11], [sflag:$0x2] =	stream.indirect.gather [hbm4b:s3+s9], $0x20, s30, s9, $0xb8;
	[tilespmem:$0x16400] =	vst v63  }
0xff: {  	_ =	swait.ge [sflag:s12], $0x4000  }
0x100: {  	[sflag:s12] =	ssyncset.done $0x0  }
0x101: {  	[sflag:s12] =	ssyncadd.s32 $0xFFFFC000  }
0x102: {  	v2 =	vld.idx.msk [tilespmem:v2+s10+$0x0], $0xffff;
	_ =	sdelay $0x2  }
0x103: {  	v1 =	vand.u32 $0x1E8, v1  }
0x104: {  	v5 =	vmov v35;
	v35 =	vmov v3;
	v3 =	vor.u32 v53, v1  }
0x105: {  	[tilespmem:$0x1FB90] =	vst v2;
	v2 =	vor.u32 v55, v0;
	v55 =	vmovc v12;
	v12 =	vmovc v38;
	v38 =	vmov v46;
	v46 =	vmov v25  }
0x106: {  	v25 =	vmovc v21;
	v21 =	vmovc v49;
	v49 =	vmov v48;
	v48 =	vmov v37;
	v37 =	vmov v36;
	v36 =	vld [tilespmem:$0x1FB90];
	_ =	sdelay $0x4  }
0x107: {  	[tilespmem:v3+s13+$0x0] =	vst.idx.msk $0xffff, v36  }
0x108: {  	v3 =	vor.u32 v35, v1;
	v36 =	vld.idx.msk [tilespmem:v2+s10+$0x0], $0xffff  }
0x109: {  	v2 =	vor.u32 v56, v0;
	_ =	sdelay $0x3  }
0x10a: {  	[tilespmem:v3+s13+$0x0] =	vst.idx.msk $0xffff, v36  }
0x10b: {  	v3 =	vor.u32 v34, v1;
	v36 =	vld.idx.msk [tilespmem:v2+s10+$0x0], $0xffff  }
0x10c: {  	v2 =	vor.u32 v58, v0;
	_ =	sdelay $0x3  }
0x10d: {  	[tilespmem:v3+s13+$0x0] =	vst.idx.msk $0xffff, v36  }
0x10e: {  	v3 =	vor.u32 v33, v1;
	v36 =	vld.idx.msk [tilespmem:v2+s10+$0x0], $0xffff  }
0x10f: {  	v2 =	vor.u32 v54, v0;
	_ =	sdelay $0x3  }
0x110: {  	[tilespmem:v3+s13+$0x0] =	vst.idx.msk $0xffff, v36  }
0x111: {  	v3 =	vor.u32 v17, v1;
	v36 =	vld.idx.msk [tilespmem:v2+s10+$0x0], $0xffff  }
0x112: {  	v2 =	vor.u32 v57, v0;
	_ =	sdelay $0x3  }
0x113: {  	[tilespmem:v3+s13+$0x0] =	vst.idx.msk $0xffff, v36  }
0x114: {  	v3 =	vor.u32 v18, v1;
	v36 =	vld.idx.msk [tilespmem:v2+s10+$0x0], $0xffff  }
0x115: {  	v2 =	vor.u32 v59, v0;
	_ =	sdelay $0x3  }
0x116: {  	[tilespmem:v3+s13+$0x0] =	vst.idx.msk $0xffff, v36  }
0x117: {  	v3 =	vor.u32 v19, v1;
	v36 =	vld.idx.msk [tilespmem:v2+s10+$0x0], $0xffff  }
0x118: {  	v2 =	vor.u32 v60, v0;
	_ =	sdelay $0x3  }
0x119: {  	[tilespmem:v3+s13+$0x0] =	vst.idx.msk $0xffff, v36  }
0x11a: {  	v3 =	vor.u32 v20, v1;
	v36 =	vld.idx.msk [tilespmem:v2+s10+$0x0], $0xffff  }
0x11b: {  	v2 =	vor.u32 v62, v0;
	_ =	sdelay $0x3  }
0x11c: {  	[tilespmem:v3+s13+$0x0] =	vst.idx.msk $0xffff, v36  }
0x11d: {  	v3 =	vor.u32 v22, v1;
	v36 =	vld.idx.msk [tilespmem:v2+s10+$0x0], $0xffff  }
0x11e: {  	v2 =	vor.u32 v13, v0;
	_ =	sdelay $0x3  }
0x11f: {  	[tilespmem:v3+s13+$0x0] =	vst.idx.msk $0xffff, v36  }
0x120: {  	v3 =	vor.u32 v23, v1;
	v36 =	vld.idx.msk [tilespmem:v2+s10+$0x0], $0xffff  }
0x121: {  	v2 =	vor.u32 v14, v0;
	_ =	sdelay $0x3  }
0x122: {  	[tilespmem:v3+s13+$0x0] =	vst.idx.msk $0xffff, v36  }
0x123: {  	v3 =	vor.u32 v24, v1;
	v36 =	vld.idx.msk [tilespmem:v2+s10+$0x0], $0xffff  }
0x124: {  	v2 =	vor.u32 v15, v0;
	_ =	sdelay $0x3  }
0x125: {  	[tilespmem:v3+s13+$0x0] =	vst.idx.msk $0xffff, v36  }
0x126: {  	v3 =	vor.u32 v26, v1;
	v36 =	vld.idx.msk [tilespmem:v2+s10+$0x0], $0xffff  }
0x127: {  	v2 =	vor.u32 v16, v0;
	_ =	sdelay $0x3  }
0x128: {  	[tilespmem:v3+s13+$0x0] =	vst.idx.msk $0xffff, v36  }
0x129: {  	v3 =	vor.u32 v27, v1;
	v36 =	vld.idx.msk [tilespmem:v2+s10+$0x0], $0xffff  }
0x12a: {  	v2 =	vor.u32 v8, v0;
	_ =	sdelay $0x3  }
0x12b: {  	[tilespmem:v3+s13+$0x0] =	vst.idx.msk $0xffff, v36  }
0x12c: {  	v3 =	vor.u32 v28, v1;
	v36 =	vld.idx.msk [tilespmem:v2+s10+$0x0], $0xffff  }
0x12d: {  	v2 =	vor.u32 v7, v0;
	_ =	sdelay $0x3  }
0x12e: {  	[tilespmem:v3+s13+$0x0] =	vst.idx.msk $0xffff, v36  }
0x12f: {  	v3 =	vor.u32 v29, v1;
	v36 =	vld.idx.msk [tilespmem:v2+s10+$0x0], $0xffff  }
0x130: {  	v2 =	vor.u32 v42, v0;
	_ =	sdelay $0x3  }
0x131: {  	[tilespmem:v3+s13+$0x0] =	vst.idx.msk $0xffff, v36  }
0x132: {  	v3 =	vor.u32 v30, v1;
	v36 =	vld.idx.msk [tilespmem:v2+s10+$0x0], $0xffff  }
0x133: {  	v2 =	vor.u32 v45, v0;
	_ =	sdelay $0x3  }
0x134: {  	[tilespmem:v3+s13+$0x0] =	vst.idx.msk $0xffff, v36  }
0x135: {  	v3 =	vor.u32 v31, v1;
	v36 =	vld.idx.msk [tilespmem:v2+s10+$0x0], $0xffff  }
0x136: {  	v2 =	vor.u32 v6, v0;
	_ =	sdelay $0x3  }
0x137: {  	[tilespmem:v3+s13+$0x0] =	vst.idx.msk $0xffff, v36  }
0x138: {  	v3 =	vor.u32 v32, v1;
	v36 =	vld.idx.msk [tilespmem:v2+s10+$0x0], $0xffff  }
0x139: {  	v2 =	vor.u32 v63, v0;
	_ =	sdelay $0x3  }
0x13a: {  	[tilespmem:v3+s13+$0x0] =	vst.idx.msk $0xffff, v36  }
0x13b: {  	v3 =	vor.u32 v39, v1;
	v36 =	vld.idx.msk [tilespmem:v2+s10+$0x0], $0xffff  }
0x13c: {  	v2 =	vor.u32 v43, v0;
	_ =	sdelay $0x3  }
0x13d: {  	[tilespmem:v3+s13+$0x0] =	vst.idx.msk $0xffff, v36  }
0x13e: {  	v3 =	vor.u32 v10, v1;
	v36 =	vld.idx.msk [tilespmem:v2+s10+$0x0], $0xffff  }
0x13f: {  	v2 =	vor.u32 v41, v0;
	_ =	sdelay $0x3  }
0x140: {  	[tilespmem:v3+s13+$0x0] =	vst.idx.msk $0xffff, v36  }
0x141: {  	v3 =	vor.u32 v11, v1;
	v39 =	vld.idx.msk [tilespmem:v2+s10+$0x0], $0xffff  }
0x142: {  	v2 =	vor.u32 v47, v0;
	_ =	sdelay $0x3  }
0x143: {  	[tilespmem:v3+s13+$0x0] =	vst.idx.msk $0xffff, v39  }
0x144: {  	v3 =	vor.u32 v5, v1;
	v10 =	vld.idx.msk [tilespmem:v2+s10+$0x0], $0xffff  }
0x145: {  	v2 =	vor.u32 v50, v0;
	_ =	sdelay $0x3  }
0x146: {  	[tilespmem:v3+s13+$0x0] =	vst.idx.msk $0xffff, v10  }
0x147: {  	v3 =	vor.u32 v37, v1;
	v5 =	vld.idx.msk [tilespmem:v2+s10+$0x0], $0xffff  }
0x148: {  	v2 =	vor.u32 v51, v0;
	_ =	sdelay $0x3  }
0x149: {  	[tilespmem:v3+s13+$0x0] =	vst.idx.msk $0xffff, v5  }
0x14a: {  	v3 =	vor.u32 v48, v1;
	v5 =	vld.idx.msk [tilespmem:v2+s10+$0x0], $0xffff  }
0x14b: {  	v2 =	vor.u32 v52, v0;
	_ =	sdelay $0x3  }
0x14c: {  	[tilespmem:v3+s13+$0x0] =	vst.idx.msk $0xffff, v5  }
0x14d: {  	v3 =	vor.u32 v49, v1;
	v5 =	vld.idx.msk [tilespmem:v2+s10+$0x0], $0xffff  }
0x14e: {  	v2 =	vor.u32 v61, v0;
	_ =	sdelay $0x3  }
0x14f: {  	[tilespmem:v3+s13+$0x0] =	vst.idx.msk $0xffff, v5  }
0x150: {  	v3 =	vor.u32 v21, v1;
	v5 =	vld.idx.msk [tilespmem:v2+s10+$0x0], $0xffff  }
0x151: {  	v2 =	vor.u32 v40, v0;
	_ =	sdelay $0x3  }
0x152: {  	[tilespmem:v3+s13+$0x0] =	vst.idx.msk $0xffff, v5  }
0x153: {  	v3 =	vor.u32 v25, v1;
	v5 =	vld.idx.msk [tilespmem:v2+s10+$0x0], $0xffff  }
0x154: {  	v2 =	vor.u32 v44, v0;
	_ =	sdelay $0x3  }
0x155: {  	[tilespmem:v3+s13+$0x0] =	vst.idx.msk $0xffff, v5;
	v5 =	vmov v7;
	v7 =	vld [tilespmem:$0x1FBA0]  }
0x156: {  	v3 =	vor.u32 v46, v1;
	v10 =	vld.idx.msk [tilespmem:v2+s10+$0x0], $0xffff;
	_ =	sdelay $0x3  }
0x157: {  	v2 =	vor.u32 v7, v0  }
0x158: {  	[tilespmem:v3+s13+$0x0] =	vst.idx.msk $0xffff, v10;
	v10 =	vld [tilespmem:$0x1FBB0];
	_ =	sdelay $0x3  }
0x159: {  	v3 =	vor.u32 v38, v1;
	v36 =	vld.idx.msk [tilespmem:v2+s10+$0x0], $0xffff  }
0x15a: {  	v2 =	vor.u32 v10, v0  }
0x15b: {  	v11 =	vld [tilespmem:$0x1FBC0];
	_ =	sdelay $0x2  }
0x15c: {  	[tilespmem:v3+s13+$0x0] =	vst.idx.msk $0xffff, v36  }
0x15d: {  	v3 =	vor.u32 v12, v1;
	v36 =	vld.idx.msk [tilespmem:v2+s10+$0x0], $0xffff  }
0x15e: {  	v2 =	vor.u32 v11, v0;
	_ =	sdelay $0x3  }
0x15f: {  	[tilespmem:v3+s13+$0x0] =	vst.idx.msk $0xffff, v36  }
0x160: {  	v3 =	vor.u32 v55, v1;
	v2 =	vld.idx.msk [tilespmem:v2+s10+$0x0], $0xffff  }
0x161: {  	v0 =	vor.u32 v4, v0;
	_ =	sdelay $0x3  }
0x162: {  	[tilespmem:v3+s13+$0x0] =	vst.idx.msk $0xffff, v2  }
0x163: {  	v3 =	vor.u32 v9, v1;
	v0 =	vld.idx.msk [tilespmem:v0+s10+$0x0], $0xffff  }
0x164: {  	s31 =	simm.s32 $0x10;
	v39 =	vmov v6;
	v6 =	vlaneseq.u32  }
0x165: {  	v2 =	vor.u32 s31, v6  }
0x166: {  	v1 =	vshll.u32 v2, $0x5  }
0x167: {  	v6 =	vor.u32 v6, v1  }
0x168: {  	[tilespmem:v3+s13+$0x0] =	vst.idx.msk $0xffff, v0;
	v0 =	vand.u32 $0x1F8, v2;
	v2 =	vld [tilespmem:$0x1FCA0];
	_ =	sdelay $0x3  }
0x169: {  	v6 =	vld.idx.msk [tilespmem:v6+s10+$0x0], $0xffff;
	v3 =	vor.u32 v53, v0  }
0x16a: {  	v2 =	vor.u32 v2, v1;
	_ =	sdelay $0x3  }
0x16b: {  	[tilespmem:v3+s13+$0x0] =	vst.idx.msk $0xffff, v6  }
0x16c: {  	v3 =	vor.u32 v35, v0;
	v6 =	vld.idx.msk [tilespmem:v2+s10+$0x0], $0xffff  }
0x16d: {  	v2 =	vor.u32 v56, v1;
	_ =	sdelay $0x3  }
0x16e: {  	[tilespmem:v3+s13+$0x0] =	vst.idx.msk $0xffff, v6  }
0x16f: {  	v3 =	vor.u32 v34, v0;
	v6 =	vld.idx.msk [tilespmem:v2+s10+$0x0], $0xffff  }
0x170: {  	v2 =	vor.u32 v58, v1;
	_ =	sdelay $0x3  }
0x171: {  	[tilespmem:v3+s13+$0x0] =	vst.idx.msk $0xffff, v6  }
0x172: {  	v3 =	vor.u32 v33, v0;
	v6 =	vld.idx.msk [tilespmem:v2+s10+$0x0], $0xffff  }
0x173: {  	v2 =	vor.u32 v54, v1;
	_ =	sdelay $0x3  }
0x174: {  	[tilespmem:v3+s13+$0x0] =	vst.idx.msk $0xffff, v6  }
0x175: {  	v3 =	vor.u32 v17, v0;
	v6 =	vld.idx.msk [tilespmem:v2+s10+$0x0], $0xffff  }
0x176: {  	v2 =	vor.u32 v57, v1;
	_ =	sdelay $0x3  }
0x177: {  	[tilespmem:v3+s13+$0x0] =	vst.idx.msk $0xffff, v6  }
0x178: {  	v3 =	vor.u32 v18, v0;
	v6 =	vld.idx.msk [tilespmem:v2+s10+$0x0], $0xffff  }
0x179: {  	v2 =	vor.u32 v59, v1;
	_ =	sdelay $0x3  }
0x17a: {  	[tilespmem:v3+s13+$0x0] =	vst.idx.msk $0xffff, v6  }
0x17b: {  	v3 =	vor.u32 v19, v0;
	v6 =	vld.idx.msk [tilespmem:v2+s10+$0x0], $0xffff  }
0x17c: {  	v2 =	vor.u32 v60, v1;
	_ =	sdelay $0x3  }
0x17d: {  	[tilespmem:v3+s13+$0x0] =	vst.idx.msk $0xffff, v6  }
0x17e: {  	v3 =	vor.u32 v20, v0;
	v6 =	vld.idx.msk [tilespmem:v2+s10+$0x0], $0xffff  }
0x17f: {  	v2 =	vor.u32 v62, v1;
	_ =	sdelay $0x3  }
0x180: {  	[tilespmem:v3+s13+$0x0] =	vst.idx.msk $0xffff, v6  }
0x181: {  	v3 =	vor.u32 v22, v0;
	v6 =	vld.idx.msk [tilespmem:v2+s10+$0x0], $0xffff  }
0x182: {  	v2 =	vor.u32 v13, v1;
	_ =	sdelay $0x3  }
0x183: {  	[tilespmem:v3+s13+$0x0] =	vst.idx.msk $0xffff, v6  }
0x184: {  	v3 =	vor.u32 v23, v0;
	v6 =	vld.idx.msk [tilespmem:v2+s10+$0x0], $0xffff  }
0x185: {  	v2 =	vor.u32 v14, v1;
	_ =	sdelay $0x3  }
0x186: {  	[tilespmem:v3+s13+$0x0] =	vst.idx.msk $0xffff, v6  }
0x187: {  	v3 =	vor.u32 v24, v0;
	v6 =	vld.idx.msk [tilespmem:v2+s10+$0x0], $0xffff  }
0x188: {  	v2 =	vor.u32 v15, v1;
	_ =	sdelay $0x3  }
0x189: {  	[tilespmem:v3+s13+$0x0] =	vst.idx.msk $0xffff, v6  }
0x18a: {  	v3 =	vor.u32 v26, v0;
	v6 =	vld.idx.msk [tilespmem:v2+s10+$0x0], $0xffff  }
0x18b: {  	v2 =	vor.u32 v16, v1;
	_ =	sdelay $0x3  }
0x18c: {  	[tilespmem:v3+s13+$0x0] =	vst.idx.msk $0xffff, v6  }
0x18d: {  	v3 =	vor.u32 v27, v0;
	v6 =	vld.idx.msk [tilespmem:v2+s10+$0x0], $0xffff  }
0x18e: {  	v2 =	vor.u32 v8, v1;
	_ =	sdelay $0x3  }
0x18f: {  	[tilespmem:v3+s13+$0x0] =	vst.idx.msk $0xffff, v6  }
0x190: {  	v3 =	vor.u32 v28, v0;
	v6 =	vld.idx.msk [tilespmem:v2+s10+$0x0], $0xffff  }
0x191: {  	v2 =	vor.u32 v5, v1;
	_ =	sdelay $0x3  }
0x192: {  	[tilespmem:v3+s13+$0x0] =	vst.idx.msk $0xffff, v6  }
0x193: {  	v3 =	vor.u32 v29, v0;
	v5 =	vld.idx.msk [tilespmem:v2+s10+$0x0], $0xffff  }
0x194: {  	v2 =	vor.u32 v42, v1;
	_ =	sdelay $0x3  }
0x195: {  	[tilespmem:v3+s13+$0x0] =	vst.idx.msk $0xffff, v5  }
0x196: {  	v3 =	vor.u32 v30, v0;
	v5 =	vld.idx.msk [tilespmem:v2+s10+$0x0], $0xffff  }
0x197: {  	v2 =	vor.u32 v45, v1;
	_ =	sdelay $0x3  }
0x198: {  	[tilespmem:v3+s13+$0x0] =	vst.idx.msk $0xffff, v5  }
0x199: {  	v3 =	vor.u32 v31, v0;
	v5 =	vld.idx.msk [tilespmem:v2+s10+$0x0], $0xffff  }
0x19a: {  	v2 =	vor.u32 v39, v1;
	_ =	sdelay $0x3  }
0x19b: {  	[tilespmem:v3+s13+$0x0] =	vst.idx.msk $0xffff, v5  }
0x19c: {  	v3 =	vor.u32 v32, v0;
	v5 =	vld.idx.msk [tilespmem:v2+s10+$0x0], $0xffff  }
0x19d: {  	v2 =	vor.u32 v63, v1;
	_ =	sdelay $0x3  }
0x19e: {  	[tilespmem:v3+s13+$0x0] =	vst.idx.msk $0xffff, v5  }
0x19f: {  	v5 =	vld.idx.msk [tilespmem:v2+s10+$0x0], $0xffff  }
0x1a0: {  	v2 =	vld [tilespmem:$0x1FF20];
	_ =	sdelay $0x4  }
0x1a1: {  	v3 =	vor.u32 v2, v0  }
0x1a2: {  	v2 =	vor.u32 v43, v1;
	_ =	sdelay $0x3  }
0x1a3: {  	[tilespmem:v3+s13+$0x0] =	vst.idx.msk $0xffff, v5  }
0x1a4: {  	v5 =	vld.idx.msk [tilespmem:v2+s10+$0x0], $0xffff  }
0x1a5: {  	v2 =	vld [tilespmem:$0x1FF30];
	_ =	sdelay $0x4  }
0x1a6: {  	v3 =	vor.u32 v2, v0  }
0x1a7: {  	v2 =	vor.u32 v41, v1;
	_ =	sdelay $0x3  }
0x1a8: {  	[tilespmem:v3+s13+$0x0] =	vst.idx.msk $0xffff, v5  }
0x1a9: {  	v5 =	vld.idx.msk [tilespmem:v2+s10+$0x0], $0xffff  }
0x1aa: {  	v2 =	vld [tilespmem:$0x1FF40];
	_ =	sdelay $0x4  }
0x1ab: {  	v3 =	vor.u32 v2, v0  }
0x1ac: {  	v2 =	vor.u32 v47, v1;
	_ =	sdelay $0x3  }
0x1ad: {  	[tilespmem:v3+s13+$0x0] =	vst.idx.msk $0xffff, v5  }
0x1ae: {  	v5 =	vld.idx.msk [tilespmem:v2+s10+$0x0], $0xffff  }
0x1af: {  	v2 =	vld [tilespmem:$0x1FF50];
	_ =	sdelay $0x4  }
0x1b0: {  	v3 =	vor.u32 v2, v0  }
0x1b1: {  	v2 =	vor.u32 v50, v1;
	_ =	sdelay $0x3  }
0x1b2: {  	[tilespmem:v3+s13+$0x0] =	vst.idx.msk $0xffff, v5  }
0x1b3: {  	v3 =	vor.u32 v37, v0;
	v5 =	vld.idx.msk [tilespmem:v2+s10+$0x0], $0xffff  }
0x1b4: {  	v2 =	vor.u32 v51, v1;
	_ =	sdelay $0x3  }
0x1b5: {  	[tilespmem:v3+s13+$0x0] =	vst.idx.msk $0xffff, v5  }
0x1b6: {  	v3 =	vor.u32 v48, v0;
	v5 =	vld.idx.msk [tilespmem:v2+s10+$0x0], $0xffff  }
0x1b7: {  	v2 =	vor.u32 v52, v1;
	_ =	sdelay $0x3  }
0x1b8: {  	[tilespmem:v3+s13+$0x0] =	vst.idx.msk $0xffff, v5  }
0x1b9: {  	v3 =	vor.u32 v49, v0;
	v5 =	vld.idx.msk [tilespmem:v2+s10+$0x0], $0xffff  }
0x1ba: {  	v2 =	vor.u32 v61, v1;
	_ =	sdelay $0x3  }
0x1bb: {  	[tilespmem:v3+s13+$0x0] =	vst.idx.msk $0xffff, v5  }
0x1bc: {  	v3 =	vor.u32 v21, v0;
	v5 =	vld.idx.msk [tilespmem:v2+s10+$0x0], $0xffff  }
0x1bd: {  	v2 =	vor.u32 v40, v1;
	_ =	sdelay $0x3  }
0x1be: {  	[tilespmem:v3+s13+$0x0] =	vst.idx.msk $0xffff, v5  }
0x1bf: {  	v3 =	vor.u32 v25, v0;
	v5 =	vld.idx.msk [tilespmem:v2+s10+$0x0], $0xffff  }
0x1c0: {  	v2 =	vor.u32 v44, v1;
	_ =	sdelay $0x3  }
0x1c1: {  	[tilespmem:v3+s13+$0x0] =	vst.idx.msk $0xffff, v5  }
0x1c2: {  	v3 =	vor.u32 v46, v0;
	v5 =	vld.idx.msk [tilespmem:v2+s10+$0x0], $0xffff  }
0x1c3: {  	v2 =	vor.u32 v7, v1;
	_ =	sdelay $0x3  }
0x1c4: {  	[tilespmem:v3+s13+$0x0] =	vst.idx.msk $0xffff, v5  }
0x1c5: {  	v3 =	vor.u32 v38, v0;
	v5 =	vld.idx.msk [tilespmem:v2+s10+$0x0], $0xffff  }
0x1c6: {  	v2 =	vor.u32 v10, v1;
	_ =	sdelay $0x3  }
0x1c7: {  	[tilespmem:v3+s13+$0x0] =	vst.idx.msk $0xffff, v5  }
0x1c8: {  	v3 =	vor.u32 v12, v0;
	v2 =	vld.idx.msk [tilespmem:v2+s10+$0x0], $0xffff  }
0x1c9: {  	v5 =	vor.u32 v11, v1;
	_ =	sdelay $0x3  }
0x1ca: {  	[tilespmem:v3+s13+$0x0] =	vst.idx.msk $0xffff, v2  }
0x1cb: {  	s24 =	simm.s32 $0x30;
	s23 =	simm.s32 $0x0;
	v1 =	vor.u32 v4, v1;
	v3 =	vor.u32 v55, v0;
	v2 =	vld.idx.msk [tilespmem:v5+s10+$0x0], $0xffff  }
.LBB2_3:
0x1cc: {  	v41 =	vld [tilespmem:$0x1FC60];
	_ =	sdelay $0x2  }
0x1cd: {  	s25 =	sadd.s32 $0xFFFFFFF0, s24;
	v4 =	vlaneseq.u32  }
0x1ce: {  	[tilespmem:v3+s13+$0x0] =	vst.idx.msk $0xffff, v2;
	v2 =	vor.u32 s25, v4  }
0x1cf: {  	v3 =	vld.idx.msk [tilespmem:v1+s10+$0x0], $0xffff;
	v1 =	vshll.u32 v2, $0x5;
	v0 =	vor.u32 v41, v0  }
0x1d0: {  	v12 =	vld [tilespmem:$0x1FD00];
	v4 =	vor.u32 v4, v1  }
0x1d1: {  	v46 =	vld [tilespmem:$0x1FCA0];
	_ =	sdelay $0x2  }
0x1d2: {  	[tilespmem:v0+s13+$0x0] =	vst.idx.msk $0xffff, v3;
	v0 =	vand.u32 $0x1E8, v2  }
0x1d3: {  	v3 =	vld.idx.msk [tilespmem:v4+s10+$0x0], $0xffff;
	v2 =	vor.u32 v12, v0  }
0x1d4: {  	v13 =	vld [tilespmem:$0x1FD30];
	v4 =	vor.u32 v46, v1  }
0x1d5: {  	v47 =	vld [tilespmem:$0x1FCB0];
	_ =	sdelay $0x2  }
0x1d6: {  	[tilespmem:v2+s13+$0x0] =	vst.idx.msk $0xffff, v3  }
0x1d7: {  	v3 =	vor.u32 v13, v0;
	v2 =	vld.idx.msk [tilespmem:v4+s10+$0x0], $0xffff  }
0x1d8: {  	v14 =	vld [tilespmem:$0x1FD60];
	v4 =	vor.u32 v47, v1  }
0x1d9: {  	v48 =	vld [tilespmem:$0x1FCC0];
	_ =	sdelay $0x2  }
0x1da: {  	[tilespmem:v3+s13+$0x0] =	vst.idx.msk $0xffff, v2  }
0x1db: {  	v3 =	vor.u32 v14, v0;
	v2 =	vld.idx.msk [tilespmem:v4+s10+$0x0], $0xffff  }
0x1dc: {  	v15 =	vld [tilespmem:$0x1FC40];
	v4 =	vor.u32 v48, v1  }
0x1dd: {  	v8 =	vld [tilespmem:$0x1FCD0];
	_ =	sdelay $0x2  }
0x1de: {  	[tilespmem:v3+s13+$0x0] =	vst.idx.msk $0xffff, v2  }
0x1df: {  	v3 =	vor.u32 v15, v0;
	v2 =	vld.idx.msk [tilespmem:v4+s10+$0x0], $0xffff  }
0x1e0: {  	v16 =	vld [tilespmem:$0x1FC50];
	v4 =	vor.u32 v8, v1  }
0x1e1: {  	v50 =	vld [tilespmem:$0x1FCF0];
	_ =	sdelay $0x2  }
0x1e2: {  	[tilespmem:v3+s13+$0x0] =	vst.idx.msk $0xffff, v2  }
0x1e3: {  	v3 =	vor.u32 v16, v0;
	v2 =	vld.idx.msk [tilespmem:v4+s10+$0x0], $0xffff  }
0x1e4: {  	v17 =	vld [tilespmem:$0x1FDD0];
	v4 =	vor.u32 v50, v1  }
0x1e5: {  	v51 =	vld [tilespmem:$0x1FD20];
	_ =	sdelay $0x2  }
0x1e6: {  	[tilespmem:v3+s13+$0x0] =	vst.idx.msk $0xffff, v2  }
0x1e7: {  	v3 =	vor.u32 v17, v0;
	v2 =	vld.idx.msk [tilespmem:v4+s10+$0x0], $0xffff  }
0x1e8: {  	v18 =	vld [tilespmem:$0x1FDF0];
	v4 =	vor.u32 v51, v1  }
0x1e9: {  	v53 =	vld [tilespmem:$0x1FD50];
	_ =	sdelay $0x2  }
0x1ea: {  	[tilespmem:v3+s13+$0x0] =	vst.idx.msk $0xffff, v2  }
0x1eb: {  	v3 =	vor.u32 v18, v0;
	v2 =	vld.idx.msk [tilespmem:v4+s10+$0x0], $0xffff  }
0x1ec: {  	v19 =	vld [tilespmem:$0x1FE20];
	v4 =	vor.u32 v53, v1  }
0x1ed: {  	v52 =	vld [tilespmem:$0x1FD80];
	_ =	sdelay $0x2  }
0x1ee: {  	[tilespmem:v3+s13+$0x0] =	vst.idx.msk $0xffff, v2  }
0x1ef: {  	v3 =	vor.u32 v19, v0;
	v2 =	vld.idx.msk [tilespmem:v4+s10+$0x0], $0xffff  }
0x1f0: {  	v20 =	vld [tilespmem:$0x1FE40];
	v4 =	vor.u32 v52, v1  }
0x1f1: {  	v54 =	vld [tilespmem:$0x1FDA0];
	_ =	sdelay $0x2  }
0x1f2: {  	[tilespmem:v3+s13+$0x0] =	vst.idx.msk $0xffff, v2  }
0x1f3: {  	v3 =	vor.u32 v20, v0;
	v2 =	vld.idx.msk [tilespmem:v4+s10+$0x0], $0xffff  }
0x1f4: {  	v21 =	vld [tilespmem:$0x1FE50];
	v4 =	vor.u32 v54, v1  }
0x1f5: {  	v55 =	vld [tilespmem:$0x1FDC0];
	_ =	sdelay $0x2  }
0x1f6: {  	[tilespmem:v3+s13+$0x0] =	vst.idx.msk $0xffff, v2  }
0x1f7: {  	v3 =	vor.u32 v21, v0;
	v2 =	vld.idx.msk [tilespmem:v4+s10+$0x0], $0xffff  }
0x1f8: {  	v22 =	vld [tilespmem:$0x1FE60];
	v4 =	vor.u32 v55, v1  }
0x1f9: {  	v56 =	vld [tilespmem:$0x1FDE0];
	_ =	sdelay $0x2  }
0x1fa: {  	[tilespmem:v3+s13+$0x0] =	vst.idx.msk $0xffff, v2  }
0x1fb: {  	v3 =	vor.u32 v22, v0;
	v2 =	vld.idx.msk [tilespmem:v4+s10+$0x0], $0xffff  }
0x1fc: {  	v23 =	vld [tilespmem:$0x1FE70];
	v4 =	vor.u32 v56, v1  }
0x1fd: {  	v59 =	vld [tilespmem:$0x1FE00];
	_ =	sdelay $0x2  }
0x1fe: {  	[tilespmem:v3+s13+$0x0] =	vst.idx.msk $0xffff, v2  }
0x1ff: {  	v3 =	vor.u32 v23, v0;
	v2 =	vld.idx.msk [tilespmem:v4+s10+$0x0], $0xffff  }
0x200: {  	v4 =	vor.u32 v59, v1;
	_ =	sdelay $0x3  }
0x201: {  	v24 =	vld [tilespmem:$0x1FE80];
	[tilespmem:v3+s13+$0x0] =	vst.idx.msk $0xffff, v2  }
0x202: {  	v2 =	vld.idx.msk [tilespmem:v4+s10+$0x0], $0xffff  }
0x203: {  	v4 =	vld [tilespmem:$0x1FE10];
	_ =	sdelay $0x3  }
0x204: {  	v3 =	vor.u32 v24, v0  }
0x205: {  	v25 =	vld [tilespmem:$0x1FE90];
	v4 =	vor.u32 v4, v1  }
0x206: {  	v62 =	vld [tilespmem:$0x1FE30];
	_ =	sdelay $0x2  }
0x207: {  	[tilespmem:v3+s13+$0x0] =	vst.idx.msk $0xffff, v2  }
0x208: {  	v3 =	vor.u32 v25, v0;
	v2 =	vld.idx.msk [tilespmem:v4+s10+$0x0], $0xffff  }
0x209: {  	v26 =	vld [tilespmem:$0x1FEA0];
	v4 =	vor.u32 v62, v1  }
0x20a: {  	v5 =	vld [tilespmem:$0x1FD90];
	_ =	sdelay $0x2  }
0x20b: {  	[tilespmem:v3+s13+$0x0] =	vst.idx.msk $0xffff, v2  }
0x20c: {  	v3 =	vor.u32 v26, v0;
	v2 =	vld.idx.msk [tilespmem:v4+s10+$0x0], $0xffff  }
0x20d: {  	v27 =	vld [tilespmem:$0x1FEC0];
	v4 =	vor.u32 v5, v1  }
0x20e: {  	v7 =	vld [tilespmem:$0x1FD70];
	_ =	sdelay $0x2  }
0x20f: {  	[tilespmem:v3+s13+$0x0] =	vst.idx.msk $0xffff, v2  }
0x210: {  	v3 =	vor.u32 v27, v0;
	v2 =	vld.idx.msk [tilespmem:v4+s10+$0x0], $0xffff  }
0x211: {  	v28 =	vld [tilespmem:$0x1FEE0];
	v4 =	vor.u32 v7, v1  }
0x212: {  	v49 =	vld [tilespmem:$0x1FD40];
	_ =	sdelay $0x2  }
0x213: {  	[tilespmem:v3+s13+$0x0] =	vst.idx.msk $0xffff, v2  }
0x214: {  	v3 =	vor.u32 v28, v0;
	v2 =	vld.idx.msk [tilespmem:v4+s10+$0x0], $0xffff  }
0x215: {  	v29 =	vld [tilespmem:$0x1FF00];
	v4 =	vor.u32 v49, v1  }
0x216: {  	v6 =	vld [tilespmem:$0x1FD10];
	_ =	sdelay $0x2  }
0x217: {  	[tilespmem:v3+s13+$0x0] =	vst.idx.msk $0xffff, v2  }
0x218: {  	v3 =	vor.u32 v29, v0;
	v2 =	vld.idx.msk [tilespmem:v4+s10+$0x0], $0xffff  }
0x219: {  	v30 =	vld [tilespmem:$0x1FF20];
	v4 =	vor.u32 v6, v1  }
0x21a: {  	v60 =	vld [tilespmem:$0x1FC80];
	_ =	sdelay $0x2  }
0x21b: {  	[tilespmem:v3+s13+$0x0] =	vst.idx.msk $0xffff, v2  }
0x21c: {  	v3 =	vor.u32 v30, v0;
	v2 =	vld.idx.msk [tilespmem:v4+s10+$0x0], $0xffff  }
0x21d: {  	v31 =	vld [tilespmem:$0x1FF30];
	v4 =	vor.u32 v60, v1  }
0x21e: {  	v58 =	vld [tilespmem:$0x1FEF0];
	_ =	sdelay $0x2  }
0x21f: {  	[tilespmem:v3+s13+$0x0] =	vst.idx.msk $0xffff, v2  }
0x220: {  	v3 =	vor.u32 v31, v0;
	v2 =	vld.idx.msk [tilespmem:v4+s10+$0x0], $0xffff  }
0x221: {  	v32 =	vld [tilespmem:$0x1FF40];
	v4 =	vor.u32 v58, v1  }
0x222: {  	v40 =	vld [tilespmem:$0x1FF10];
	_ =	sdelay $0x2  }
0x223: {  	[tilespmem:v3+s13+$0x0] =	vst.idx.msk $0xffff, v2  }
0x224: {  	v3 =	vor.u32 v32, v0;
	v2 =	vld.idx.msk [tilespmem:v4+s10+$0x0], $0xffff  }
0x225: {  	v33 =	vld [tilespmem:$0x1FF50];
	v4 =	vor.u32 v40, v1  }
0x226: {  	v57 =	vld [tilespmem:$0x1FED0];
	_ =	sdelay $0x2  }
0x227: {  	[tilespmem:v3+s13+$0x0] =	vst.idx.msk $0xffff, v2  }
0x228: {  	v3 =	vor.u32 v33, v0;
	v2 =	vld.idx.msk [tilespmem:v4+s10+$0x0], $0xffff  }
0x229: {  	v34 =	vld [tilespmem:$0x1FF60];
	v4 =	vor.u32 v57, v1  }
0x22a: {  	v9 =	vld [tilespmem:$0x1FEB0];
	_ =	sdelay $0x2  }
0x22b: {  	[tilespmem:v3+s13+$0x0] =	vst.idx.msk $0xffff, v2  }
0x22c: {  	v3 =	vor.u32 v34, v0;
	v2 =	vld.idx.msk [tilespmem:v4+s10+$0x0], $0xffff  }
0x22d: {  	v4 =	vor.u32 v9, v1;
	_ =	sdelay $0x3  }
0x22e: {  	v38 =	vld [tilespmem:$0x1FF80];
	[tilespmem:v3+s13+$0x0] =	vst.idx.msk $0xffff, v2  }
0x22f: {  	v2 =	vld.idx.msk [tilespmem:v4+s10+$0x0], $0xffff  }
0x230: {  	v4 =	vld [tilespmem:$0x1FDB0];
	_ =	sdelay $0x3  }
0x231: {  	v3 =	vor.u32 v38, v0  }
0x232: {  	v36 =	vld [tilespmem:$0x1FFA0];
	v4 =	vor.u32 v4, v1  }
0x233: {  	v63 =	vld [tilespmem:$0x1FCE0];
	_ =	sdelay $0x2  }
0x234: {  	[tilespmem:v3+s13+$0x0] =	vst.idx.msk $0xffff, v2  }
0x235: {  	v3 =	vor.u32 v36, v0;
	v2 =	vld.idx.msk [tilespmem:v4+s10+$0x0], $0xffff  }
0x236: {  	v4 =	vor.u32 v63, v1;
	_ =	sdelay $0x3  }
0x237: {  	v37 =	vld [tilespmem:$0x1FFB0];
	[tilespmem:v3+s13+$0x0] =	vst.idx.msk $0xffff, v2  }
0x238: {  	v2 =	vld.idx.msk [tilespmem:v4+s10+$0x0], $0xffff  }
0x239: {  	v4 =	vld [tilespmem:$0x1FC90];
	_ =	sdelay $0x3  }
0x23a: {  	v3 =	vor.u32 v37, v0  }
0x23b: {  	v39 =	vld [tilespmem:$0x1FFC0];
	v4 =	vor.u32 v4, v1  }
0x23c: {  	v61 =	vld [tilespmem:$0x1FC70];
	_ =	sdelay $0x2  }
0x23d: {  	[tilespmem:v3+s13+$0x0] =	vst.idx.msk $0xffff, v2  }
0x23e: {  	v3 =	vor.u32 v39, v0;
	v2 =	vld.idx.msk [tilespmem:v4+s10+$0x0], $0xffff  }
0x23f: {  	v42 =	vld [tilespmem:$0x1FFD0];
	v4 =	vor.u32 v61, v1  }
0x240: {  	v35 =	vld [tilespmem:$0x1FBA0];
	_ =	sdelay $0x2  }
0x241: {  	[tilespmem:v3+s13+$0x0] =	vst.idx.msk $0xffff, v2  }
0x242: {  	v3 =	vor.u32 v42, v0;
	v2 =	vld.idx.msk [tilespmem:v4+s10+$0x0], $0xffff  }
0x243: {  	v43 =	vld [tilespmem:$0x1FFE0];
	v4 =	vor.u32 v35, v1  }
0x244: {  	v10 =	vld [tilespmem:$0x1FBB0];
	_ =	sdelay $0x2  }
0x245: {  	[tilespmem:v3+s13+$0x0] =	vst.idx.msk $0xffff, v2  }
0x246: {  	v3 =	vor.u32 v43, v0;
	v2 =	vld.idx.msk [tilespmem:v4+s10+$0x0], $0xffff  }
0x247: {  	v44 =	vld [tilespmem:$0x1FF90];
	v4 =	vor.u32 v10, v1  }
0x248: {  	v11 =	vld [tilespmem:$0x1FBC0];
	_ =	sdelay $0x2  }
0x249: {  	[tilespmem:v3+s13+$0x0] =	vst.idx.msk $0xffff, v2  }
0x24a: {  	v3 =	vor.u32 v44, v0;
	v2 =	vld.idx.msk [tilespmem:v4+s10+$0x0], $0xffff  }
0x24b: {  	v4 =	vor.u32 v11, v1;
	_ =	sdelay $0x3  }
0x24c: {  	v45 =	vld [tilespmem:$0x1FF70];
	[tilespmem:v3+s13+$0x0] =	vst.idx.msk $0xffff, v2  }
0x24d: {  	v2 =	vld.idx.msk [tilespmem:v4+s10+$0x0], $0xffff  }
0x24e: {  	v4 =	vld [tilespmem:$0x1FFF0];
	_ =	sdelay $0x3  }
0x24f: {  	v3 =	vor.u32 v45, v0  }
0x250: {  	v1 =	vor.u32 v4, v1;
	_ =	sdelay $0x2  }
0x251: {  	v4 =	vlaneseq.u32  }
0x252: {  	[tilespmem:v3+s13+$0x0] =	vst.idx.msk $0xffff, v2;
	v3 =	vor.u32 s24, v4  }
0x253: {  	v0 =	vor.u32 v41, v0;
	v2 =	vld.idx.msk [tilespmem:v1+s10+$0x0], $0xffff;
	v1 =	vshll.u32 v3, $0x5  }
0x254: {  	v4 =	vor.u32 v4, v1;
	_ =	sdelay $0x3  }
0x255: {  	[tilespmem:v0+s13+$0x0] =	vst.idx.msk $0xffff, v2;
	v0 =	vand.u32 $0x1F8, v3  }
0x256: {  	v2 =	vld.idx.msk [tilespmem:v4+s10+$0x0], $0xffff;
	v3 =	vor.u32 v12, v0  }
0x257: {  	v4 =	vor.u32 v46, v1;
	_ =	sdelay $0x3  }
0x258: {  	[tilespmem:v3+s13+$0x0] =	vst.idx.msk $0xffff, v2  }
0x259: {  	v3 =	vor.u32 v13, v0;
	v2 =	vld.idx.msk [tilespmem:v4+s10+$0x0], $0xffff  }
0x25a: {  	v4 =	vor.u32 v47, v1;
	_ =	sdelay $0x3  }
0x25b: {  	[tilespmem:v3+s13+$0x0] =	vst.idx.msk $0xffff, v2  }
0x25c: {  	v3 =	vor.u32 v14, v0;
	v2 =	vld.idx.msk [tilespmem:v4+s10+$0x0], $0xffff  }
0x25d: {  	v4 =	vor.u32 v48, v1;
	_ =	sdelay $0x3  }
0x25e: {  	[tilespmem:v3+s13+$0x0] =	vst.idx.msk $0xffff, v2  }
0x25f: {  	v3 =	vor.u32 v15, v0;
	v2 =	vld.idx.msk [tilespmem:v4+s10+$0x0], $0xffff  }
0x260: {  	v4 =	vor.u32 v8, v1;
	_ =	sdelay $0x3  }
0x261: {  	[tilespmem:v3+s13+$0x0] =	vst.idx.msk $0xffff, v2  }
0x262: {  	v3 =	vor.u32 v16, v0;
	v2 =	vld.idx.msk [tilespmem:v4+s10+$0x0], $0xffff  }
0x263: {  	v4 =	vor.u32 v50, v1;
	_ =	sdelay $0x3  }
0x264: {  	[tilespmem:v3+s13+$0x0] =	vst.idx.msk $0xffff, v2  }
0x265: {  	v3 =	vor.u32 v17, v0;
	v2 =	vld.idx.msk [tilespmem:v4+s10+$0x0], $0xffff  }
0x266: {  	v4 =	vor.u32 v51, v1;
	_ =	sdelay $0x3  }
0x267: {  	[tilespmem:v3+s13+$0x0] =	vst.idx.msk $0xffff, v2  }
0x268: {  	v3 =	vor.u32 v18, v0;
	v2 =	vld.idx.msk [tilespmem:v4+s10+$0x0], $0xffff  }
0x269: {  	v4 =	vor.u32 v53, v1;
	_ =	sdelay $0x3  }
0x26a: {  	[tilespmem:v3+s13+$0x0] =	vst.idx.msk $0xffff, v2  }
0x26b: {  	v3 =	vor.u32 v19, v0;
	v2 =	vld.idx.msk [tilespmem:v4+s10+$0x0], $0xffff  }
0x26c: {  	v4 =	vor.u32 v52, v1;
	_ =	sdelay $0x3  }
0x26d: {  	[tilespmem:v3+s13+$0x0] =	vst.idx.msk $0xffff, v2  }
0x26e: {  	v3 =	vor.u32 v20, v0;
	v2 =	vld.idx.msk [tilespmem:v4+s10+$0x0], $0xffff  }
0x26f: {  	v4 =	vor.u32 v54, v1;
	_ =	sdelay $0x3  }
0x270: {  	[tilespmem:v3+s13+$0x0] =	vst.idx.msk $0xffff, v2  }
0x271: {  	v3 =	vor.u32 v21, v0;
	v2 =	vld.idx.msk [tilespmem:v4+s10+$0x0], $0xffff  }
0x272: {  	v4 =	vor.u32 v55, v1;
	_ =	sdelay $0x3  }
0x273: {  	[tilespmem:v3+s13+$0x0] =	vst.idx.msk $0xffff, v2  }
0x274: {  	v3 =	vor.u32 v22, v0;
	v2 =	vld.idx.msk [tilespmem:v4+s10+$0x0], $0xffff  }
0x275: {  	v4 =	vor.u32 v56, v1;
	_ =	sdelay $0x3  }
0x276: {  	[tilespmem:v3+s13+$0x0] =	vst.idx.msk $0xffff, v2  }
0x277: {  	v3 =	vor.u32 v23, v0;
	v2 =	vld.idx.msk [tilespmem:v4+s10+$0x0], $0xffff  }
0x278: {  	v4 =	vor.u32 v59, v1;
	_ =	sdelay $0x3  }
0x279: {  	[tilespmem:v3+s13+$0x0] =	vst.idx.msk $0xffff, v2  }
0x27a: {  	v2 =	vld.idx.msk [tilespmem:v4+s10+$0x0], $0xffff  }
0x27b: {  	v4 =	vld [tilespmem:$0x1FE10];
	_ =	sdelay $0x3  }
0x27c: {  	v3 =	vor.u32 v24, v0  }
0x27d: {  	v4 =	vor.u32 v4, v1;
	_ =	sdelay $0x3  }
0x27e: {  	[tilespmem:v3+s13+$0x0] =	vst.idx.msk $0xffff, v2  }
0x27f: {  	v3 =	vor.u32 v25, v0;
	v2 =	vld.idx.msk [tilespmem:v4+s10+$0x0], $0xffff  }
0x280: {  	v4 =	vor.u32 v62, v1;
	_ =	sdelay $0x3  }
0x281: {  	[tilespmem:v3+s13+$0x0] =	vst.idx.msk $0xffff, v2  }
0x282: {  	v3 =	vor.u32 v26, v0;
	v2 =	vld.idx.msk [tilespmem:v4+s10+$0x0], $0xffff  }
0x283: {  	v4 =	vor.u32 v5, v1;
	_ =	sdelay $0x3  }
0x284: {  	[tilespmem:v3+s13+$0x0] =	vst.idx.msk $0xffff, v2  }
0x285: {  	v3 =	vor.u32 v27, v0;
	v2 =	vld.idx.msk [tilespmem:v4+s10+$0x0], $0xffff  }
0x286: {  	v4 =	vor.u32 v7, v1;
	_ =	sdelay $0x3  }
0x287: {  	[tilespmem:v3+s13+$0x0] =	vst.idx.msk $0xffff, v2  }
0x288: {  	v3 =	vor.u32 v28, v0;
	v2 =	vld.idx.msk [tilespmem:v4+s10+$0x0], $0xffff  }
0x289: {  	v4 =	vor.u32 v49, v1;
	_ =	sdelay $0x3  }
0x28a: {  	[tilespmem:v3+s13+$0x0] =	vst.idx.msk $0xffff, v2  }
0x28b: {  	v3 =	vor.u32 v29, v0;
	v2 =	vld.idx.msk [tilespmem:v4+s10+$0x0], $0xffff  }
0x28c: {  	v4 =	vor.u32 v6, v1;
	_ =	sdelay $0x3  }
0x28d: {  	[tilespmem:v3+s13+$0x0] =	vst.idx.msk $0xffff, v2  }
0x28e: {  	v3 =	vor.u32 v30, v0;
	v2 =	vld.idx.msk [tilespmem:v4+s10+$0x0], $0xffff  }
0x28f: {  	v4 =	vor.u32 v60, v1;
	_ =	sdelay $0x3  }
0x290: {  	[tilespmem:v3+s13+$0x0] =	vst.idx.msk $0xffff, v2  }
0x291: {  	v3 =	vor.u32 v31, v0;
	v2 =	vld.idx.msk [tilespmem:v4+s10+$0x0], $0xffff  }
0x292: {  	v4 =	vor.u32 v58, v1;
	_ =	sdelay $0x3  }
0x293: {  	[tilespmem:v3+s13+$0x0] =	vst.idx.msk $0xffff, v2  }
0x294: {  	v3 =	vor.u32 v32, v0;
	v2 =	vld.idx.msk [tilespmem:v4+s10+$0x0], $0xffff  }
0x295: {  	v4 =	vor.u32 v40, v1;
	_ =	sdelay $0x3  }
0x296: {  	[tilespmem:v3+s13+$0x0] =	vst.idx.msk $0xffff, v2  }
0x297: {  	v3 =	vor.u32 v33, v0;
	v2 =	vld.idx.msk [tilespmem:v4+s10+$0x0], $0xffff  }
0x298: {  	v4 =	vor.u32 v57, v1;
	_ =	sdelay $0x3  }
0x299: {  	[tilespmem:v3+s13+$0x0] =	vst.idx.msk $0xffff, v2  }
0x29a: {  	v3 =	vor.u32 v34, v0;
	v2 =	vld.idx.msk [tilespmem:v4+s10+$0x0], $0xffff  }
0x29b: {  	v4 =	vor.u32 v9, v1;
	_ =	sdelay $0x3  }
0x29c: {  	[tilespmem:v3+s13+$0x0] =	vst.idx.msk $0xffff, v2  }
0x29d: {  	v2 =	vld.idx.msk [tilespmem:v4+s10+$0x0], $0xffff  }
0x29e: {  	v4 =	vld [tilespmem:$0x1FDB0];
	_ =	sdelay $0x3  }
0x29f: {  	v3 =	vor.u32 v38, v0  }
0x2a0: {  	v4 =	vor.u32 v4, v1;
	_ =	sdelay $0x3  }
0x2a1: {  	[tilespmem:v3+s13+$0x0] =	vst.idx.msk $0xffff, v2  }
0x2a2: {  	v3 =	vor.u32 v36, v0;
	v2 =	vld.idx.msk [tilespmem:v4+s10+$0x0], $0xffff  }
0x2a3: {  	v4 =	vor.u32 v63, v1;
	_ =	sdelay $0x3  }
0x2a4: {  	[tilespmem:v3+s13+$0x0] =	vst.idx.msk $0xffff, v2  }
0x2a5: {  	v2 =	vld.idx.msk [tilespmem:v4+s10+$0x0], $0xffff  }
0x2a6: {  	v4 =	vld [tilespmem:$0x1FC90];
	_ =	sdelay $0x3  }
0x2a7: {  	v3 =	vor.u32 v37, v0  }
0x2a8: {  	v4 =	vor.u32 v4, v1;
	_ =	sdelay $0x3  }
0x2a9: {  	[tilespmem:v3+s13+$0x0] =	vst.idx.msk $0xffff, v2  }
0x2aa: {  	v3 =	vor.u32 v39, v0;
	v2 =	vld.idx.msk [tilespmem:v4+s10+$0x0], $0xffff  }
0x2ab: {  	v4 =	vor.u32 v61, v1;
	_ =	sdelay $0x3  }
0x2ac: {  	[tilespmem:v3+s13+$0x0] =	vst.idx.msk $0xffff, v2  }
0x2ad: {  	v3 =	vor.u32 v42, v0;
	v2 =	vld.idx.msk [tilespmem:v4+s10+$0x0], $0xffff  }
0x2ae: {  	v4 =	vor.u32 v35, v1;
	_ =	sdelay $0x3  }
0x2af: {  	[tilespmem:v3+s13+$0x0] =	vst.idx.msk $0xffff, v2  }
0x2b0: {  	v3 =	vor.u32 v43, v0;
	v2 =	vld.idx.msk [tilespmem:v4+s10+$0x0], $0xffff  }
0x2b1: {  	v4 =	vor.u32 v10, v1;
	_ =	sdelay $0x3  }
0x2b2: {  	[tilespmem:v3+s13+$0x0] =	vst.idx.msk $0xffff, v2  }
0x2b3: {  	v3 =	vor.u32 v44, v0;
	v2 =	vld.idx.msk [tilespmem:v4+s10+$0x0], $0xffff  }
0x2b4: {  	v4 =	vor.u32 v11, v1;
	_ =	sdelay $0x3  }
0x2b5: {  	[tilespmem:v3+s13+$0x0] =	vst.idx.msk $0xffff, v2  }
0x2b6: {  	s23 =	sadd.s32 $0x2, s23;
	v2 =	vld.idx.msk [tilespmem:v4+s10+$0x0], $0xffff  }
0x2b7: {  	p1 =	slt.u32 s23, $0x1E;
	v4 =	vld [tilespmem:$0x1FFF0]  }
.Ltmp0:
0x2b8: {  	_ = 	snop;
	(pc) =	sbr.rel @p1 .LBB2_3-.Ltmp0, $2  }
0x2b9: {  	_ =	sdelay $0x2  }
0x2ba: {  	s24 =	sadd.s32 $0x20, s24;
	v3 =	vor.u32 v45, v0;
	v1 =	vor.u32 v4, v1  }
0x2bb: {  	v62 =	vld [tilespmem:$0x1FE30]  }
0x2bc: {  	v59 =	vld [tilespmem:$0x1FE10]  }
0x2bd: {  	v57 =	vld [tilespmem:$0x1FE00]  }
0x2be: {  	v55 =	vld [tilespmem:$0x1FEF0]  }
0x2bf: {  	v52 =	vld [tilespmem:$0x1FDE0]  }
0x2c0: {  	v58 =	vld [tilespmem:$0x1FDC0]  }
0x2c1: {  	v60 =	vld [tilespmem:$0x1FDA0]  }
0x2c2: {  	v50 =	vld [tilespmem:$0x1FD80]  }
0x2c3: {  	v63 =	vld [tilespmem:$0x1FD50]  }
0x2c4: {  	v48 =	vld [tilespmem:$0x1FD20]  }
0x2c5: {  	v47 =	vld [tilespmem:$0x1FCF0]  }
0x2c6: {  	v46 =	vld [tilespmem:$0x1FCD0]  }
0x2c7: {  	v6 =	vld [tilespmem:$0x1FCC0]  }
0x2c8: {  	v5 =	vld [tilespmem:$0x1FCB0]  }
0x2c9: {  	v4 =	vld [tilespmem:$0x1FCA0]  }
0x2ca: {  	v37 =	vld [tilespmem:$0x1FFE0]  }
0x2cb: {  	v36 =	vld [tilespmem:$0x1FFD0]  }
0x2cc: {  	v38 =	vld [tilespmem:$0x1FFC0]  }
0x2cd: {  	v34 =	vld [tilespmem:$0x1FFB0]  }
0x2ce: {  	v39 =	vld [tilespmem:$0x1FFA0]  }
0x2cf: {  	v35 =	vld [tilespmem:$0x1FF80]  }
0x2d0: {  	v31 =	vld [tilespmem:$0x1FF60]  }
0x2d1: {  	v30 =	vld [tilespmem:$0x1FF50]  }
0x2d2: {  	v29 =	vld [tilespmem:$0x1FF40]  }
0x2d3: {  	v28 =	vld [tilespmem:$0x1FF30]  }
0x2d4: {  	v54 =	vld [tilespmem:$0x1FF20]  }
0x2d5: {  	v26 =	vld [tilespmem:$0x1FF00]  }
0x2d6: {  	v56 =	vld [tilespmem:$0x1FEE0]  }
0x2d7: {  	v53 =	vld [tilespmem:$0x1FEC0]  }
0x2d8: {  	v23 =	vld [tilespmem:$0x1FEA0]  }
0x2d9: {  	v22 =	vld [tilespmem:$0x1FE90]  }
0x2da: {  	v21 =	vld [tilespmem:$0x1FE80]  }
0x2db: {  	v20 =	vld [tilespmem:$0x1FE70]  }
0x2dc: {  	v19 =	vld [tilespmem:$0x1FE60]  }
0x2dd: {  	[tilespmem:v3+s13+$0x0] =	vst.idx.msk $0xffff, v2;
	v2 =	vld [tilespmem:$0x1FC60]  }
0x2de: {  	v18 =	vld [tilespmem:$0x1FE50]  }
0x2df: {  	v17 =	vld [tilespmem:$0x1FE40]  }
0x2e0: {  	v16 =	vld [tilespmem:$0x1FE20]  }
0x2e1: {  	v51 =	vld [tilespmem:$0x1FDF0]  }
0x2e2: {  	v1 =	vld.idx.msk [tilespmem:v1+s10+$0x0], $0xffff;
	v0 =	vor.u32 v2, v0  }
0x2e3: {  	v14 =	vld [tilespmem:$0x1FDD0]  }
0x2e4: {  	v13 =	vld [tilespmem:$0x1FC50];
	s22 =	sadd.s32 s5, s22  }
0x2e5: {  	v12 =	vld [tilespmem:$0x1FC40];
	s23 =	sshll.u32 s22, $0x6  }
0x2e6: {  	v49 =	vld [tilespmem:$0x1FD60];
	s22 =	sshll.u32 s22, $0xB;
	s23 =	sand.u32 $0x780, s23  }
0x2e7: {  	v10 =	vld [tilespmem:$0x1FD30];
	s22 =	sand.u32 $0xFFF0000, s22;
	s23 =	sadd.s32 s4, s23;
	[tilespmem:v0+s13+$0x0] =	vst.idx.msk $0xffff, v1  }
0x2e8: {  	v42 =	vld [tilespmem:$0x1FD00];
	s22 =	sadd.s32 s22, s23;
	[bflag:$0x0] =	sbarrier.arrive $0xFFFF  }
0x2e9: {  	[hbm4b:s22+s9] =	stream.strided.scatter [tilespmem:s13], [sflag:$0x3], $0x4000, s14, s9, $0x38;
	[tilespmem:$0x16400] =	vst v63  }
0x2ea: {  	s22 =	simm.s32 @!p0 $0x4  }
0x2eb: {  	p1 =	seq.s32 @!p0 s20, $0x18;
	_ =	swait.ge @!p0 [sflag:s22], $0x4000  }
0x2ec: {  	s30 =	simm.s32 $0x0;
	p1 =	por p0, !p1;
	v2 =	vlaneseq.u32;
	[sflag:s22] =	ssyncset.done @!p0 $0x0  }
0x2ed: {  	v0 =	vor.u32 s30, v2;
	[sflag:s22] =	ssyncadd.s32 @!p0 $0xFFFFC000;
	s22 =	sshll.u32 @p1 s20, $0xA  }
0x2ee: {  	v1 =	vshll.u32 v0, $0x5;
	s22 =	sand.u32 @p1 $0x3FFFFC00, s22  }
0x2ef: {  	v2 =	vor.u32 v2, v1;
	s22 =	sadd.s32 @p1 $0x400, s22  }
0x2f0: {  	[tilespmem:s10], [sflag:$0x1] =	stream.indirect.gather @p1 [hbm4b:s3+s9], $0x20, s22, s9, $0xb8;
	[tilespmem:$0x16400] =	vst v63  }
0x2f1: {  	_ =	swait.ge [sflag:s15], $0x4000  }
0x2f2: {  	[sflag:s15] =	ssyncset.done $0x0  }
0x2f3: {  	v0 =	vand.u32 $0x1E8, v0;
	[sflag:s15] =	ssyncadd.s32 $0xFFFFC000  }
0x2f4: {  	v3 =	vor.u32 v42, v0;
	v2 =	vld.idx.msk [tilespmem:v2+s11+$0x0], $0xffff  }
0x2f5: {  	v4 =	vor.u32 v4, v1;
	_ =	sdelay $0x3  }
0x2f6: {  	[tilespmem:v3+s16+$0x0] =	vst.idx.msk $0xffff, v2  }
0x2f7: {  	v3 =	vor.u32 v10, v0;
	v2 =	vld.idx.msk [tilespmem:v4+s11+$0x0], $0xffff  }
0x2f8: {  	v4 =	vor.u32 v5, v1;
	_ =	sdelay $0x3  }
0x2f9: {  	[tilespmem:v3+s16+$0x0] =	vst.idx.msk $0xffff, v2  }
0x2fa: {  	v3 =	vor.u32 v49, v0;
	v2 =	vld.idx.msk [tilespmem:v4+s11+$0x0], $0xffff  }
0x2fb: {  	v4 =	vor.u32 v6, v1;
	_ =	sdelay $0x3  }
0x2fc: {  	[tilespmem:v3+s16+$0x0] =	vst.idx.msk $0xffff, v2  }
0x2fd: {  	v3 =	vor.u32 v12, v0;
	v2 =	vld.idx.msk [tilespmem:v4+s11+$0x0], $0xffff  }
0x2fe: {  	v4 =	vor.u32 v46, v1;
	_ =	sdelay $0x3  }
0x2ff: {  	[tilespmem:v3+s16+$0x0] =	vst.idx.msk $0xffff, v2  }
0x300: {  	v3 =	vor.u32 v13, v0;
	v2 =	vld.idx.msk [tilespmem:v4+s11+$0x0], $0xffff  }
0x301: {  	v4 =	vor.u32 v47, v1;
	_ =	sdelay $0x3  }
0x302: {  	[tilespmem:v3+s16+$0x0] =	vst.idx.msk $0xffff, v2  }
0x303: {  	v3 =	vor.u32 v14, v0;
	v2 =	vld.idx.msk [tilespmem:v4+s11+$0x0], $0xffff  }
0x304: {  	v4 =	vor.u32 v48, v1;
	_ =	sdelay $0x3  }
0x305: {  	[tilespmem:v3+s16+$0x0] =	vst.idx.msk $0xffff, v2  }
0x306: {  	v3 =	vor.u32 v51, v0;
	v2 =	vld.idx.msk [tilespmem:v4+s11+$0x0], $0xffff  }
0x307: {  	v4 =	vor.u32 v63, v1;
	_ =	sdelay $0x3  }
0x308: {  	[tilespmem:v3+s16+$0x0] =	vst.idx.msk $0xffff, v2  }
0x309: {  	v3 =	vor.u32 v16, v0;
	v2 =	vld.idx.msk [tilespmem:v4+s11+$0x0], $0xffff  }
0x30a: {  	v4 =	vor.u32 v50, v1;
	_ =	sdelay $0x3  }
0x30b: {  	[tilespmem:v3+s16+$0x0] =	vst.idx.msk $0xffff, v2  }
0x30c: {  	v3 =	vor.u32 v17, v0;
	v2 =	vld.idx.msk [tilespmem:v4+s11+$0x0], $0xffff  }
0x30d: {  	v4 =	vor.u32 v60, v1;
	_ =	sdelay $0x3  }
0x30e: {  	[tilespmem:v3+s16+$0x0] =	vst.idx.msk $0xffff, v2  }
0x30f: {  	v3 =	vor.u32 v18, v0;
	v2 =	vld.idx.msk [tilespmem:v4+s11+$0x0], $0xffff  }
0x310: {  	v4 =	vor.u32 v58, v1;
	_ =	sdelay $0x3  }
0x311: {  	[tilespmem:v3+s16+$0x0] =	vst.idx.msk $0xffff, v2  }
0x312: {  	v3 =	vor.u32 v19, v0;
	v2 =	vld.idx.msk [tilespmem:v4+s11+$0x0], $0xffff  }
0x313: {  	v4 =	vor.u32 v52, v1;
	_ =	sdelay $0x3  }
0x314: {  	[tilespmem:v3+s16+$0x0] =	vst.idx.msk $0xffff, v2  }
0x315: {  	v3 =	vor.u32 v20, v0;
	v2 =	vld.idx.msk [tilespmem:v4+s11+$0x0], $0xffff  }
0x316: {  	v4 =	vor.u32 v57, v1;
	_ =	sdelay $0x3  }
0x317: {  	[tilespmem:v3+s16+$0x0] =	vst.idx.msk $0xffff, v2  }
0x318: {  	v3 =	vor.u32 v21, v0;
	v2 =	vld.idx.msk [tilespmem:v4+s11+$0x0], $0xffff  }
0x319: {  	v4 =	vor.u32 v59, v1;
	_ =	sdelay $0x3  }
0x31a: {  	[tilespmem:v3+s16+$0x0] =	vst.idx.msk $0xffff, v2  }
0x31b: {  	v3 =	vor.u32 v22, v0;
	v2 =	vld.idx.msk [tilespmem:v4+s11+$0x0], $0xffff  }
0x31c: {  	v4 =	vor.u32 v62, v1  }
0x31d: {  	v15 =	vmov v63;
	v63 =	vmov v19;
	v19 =	vld [tilespmem:$0x1FD90];
	_ =	sdelay $0x2  }
0x31e: {  	[tilespmem:v3+s16+$0x0] =	vst.idx.msk $0xffff, v2  }
0x31f: {  	v3 =	vor.u32 v23, v0;
	v2 =	vld.idx.msk [tilespmem:v4+s11+$0x0], $0xffff  }
0x320: {  	v4 =	vor.u32 v19, v1  }
0x321: {  	v43 =	vmov v21;
	v21 =	vld [tilespmem:$0x1FD70];
	_ =	sdelay $0x2  }
0x322: {  	[tilespmem:v3+s16+$0x0] =	vst.idx.msk $0xffff, v2  }
0x323: {  	v3 =	vor.u32 v53, v0;
	v2 =	vld.idx.msk [tilespmem:v4+s11+$0x0], $0xffff  }
0x324: {  	v4 =	vor.u32 v21, v1  }
0x325: {  	v45 =	vmovc v17;
	v17 =	vmovc v60;
	v60 =	vmov v18;
	v18 =	vmov v58;
	v58 =	vmov v22;
	v22 =	vld [tilespmem:$0x1FD40];
	_ =	sdelay $0x2  }
0x326: {  	[tilespmem:v3+s16+$0x0] =	vst.idx.msk $0xffff, v2  }
0x327: {  	v3 =	vor.u32 v56, v0;
	v2 =	vld.idx.msk [tilespmem:v4+s11+$0x0], $0xffff  }
0x328: {  	v4 =	vor.u32 v22, v1  }
0x329: {  	v24 =	vld [tilespmem:$0x1FD10];
	_ =	sdelay $0x2  }
0x32a: {  	[tilespmem:v3+s16+$0x0] =	vst.idx.msk $0xffff, v2  }
0x32b: {  	v3 =	vor.u32 v26, v0;
	v2 =	vld.idx.msk [tilespmem:v4+s11+$0x0], $0xffff  }
0x32c: {  	v4 =	vor.u32 v24, v1  }
0x32d: {  	v25 =	vld [tilespmem:$0x1FC80];
	_ =	sdelay $0x2  }
0x32e: {  	[tilespmem:v3+s16+$0x0] =	vst.idx.msk $0xffff, v2  }
0x32f: {  	v3 =	vor.u32 v54, v0;
	v2 =	vld.idx.msk [tilespmem:v4+s11+$0x0], $0xffff  }
0x330: {  	v4 =	vor.u32 v25, v1;
	_ =	sdelay $0x3  }
0x331: {  	[tilespmem:v3+s16+$0x0] =	vst.idx.msk $0xffff, v2  }
0x332: {  	v3 =	vor.u32 v28, v0;
	v2 =	vld.idx.msk [tilespmem:v4+s11+$0x0], $0xffff  }
0x333: {  	v4 =	vor.u32 v55, v1  }
0x334: {  	v27 =	vld [tilespmem:$0x1FF10];
	_ =	sdelay $0x2  }
0x335: {  	[tilespmem:v3+s16+$0x0] =	vst.idx.msk $0xffff, v2  }
0x336: {  	v3 =	vor.u32 v29, v0;
	v2 =	vld.idx.msk [tilespmem:v4+s11+$0x0], $0xffff  }
0x337: {  	v4 =	vor.u32 v27, v1  }
0x338: {  	v61 =	vmov v28;
	v28 =	vld [tilespmem:$0x1FED0];
	_ =	sdelay $0x2  }
0x339: {  	[tilespmem:v3+s16+$0x0] =	vst.idx.msk $0xffff, v2  }
0x33a: {  	v3 =	vor.u32 v30, v0;
	v2 =	vld.idx.msk [tilespmem:v4+s11+$0x0], $0xffff  }
0x33b: {  	v4 =	vor.u32 v28, v1  }
0x33c: {  	v41 =	vmov v29;
	v29 =	vld [tilespmem:$0x1FEB0];
	_ =	sdelay $0x2  }
0x33d: {  	[tilespmem:v3+s16+$0x0] =	vst.idx.msk $0xffff, v2  }
0x33e: {  	v3 =	vor.u32 v31, v0;
	v2 =	vld.idx.msk [tilespmem:v4+s11+$0x0], $0xffff  }
0x33f: {  	v4 =	vor.u32 v29, v1  }
0x340: {  	v44 =	vmov v30;
	v30 =	vld [tilespmem:$0x1FDB0];
	_ =	sdelay $0x2  }
0x341: {  	[tilespmem:v3+s16+$0x0] =	vst.idx.msk $0xffff, v2  }
0x342: {  	v3 =	vor.u32 v35, v0;
	v2 =	vld.idx.msk [tilespmem:v4+s11+$0x0], $0xffff  }
0x343: {  	v4 =	vor.u32 v30, v1  }
0x344: {  	v40 =	vmov v31;
	v31 =	vld [tilespmem:$0x1FCE0];
	_ =	sdelay $0x2  }
0x345: {  	[tilespmem:v3+s16+$0x0] =	vst.idx.msk $0xffff, v2  }
0x346: {  	v3 =	vor.u32 v39, v0;
	v2 =	vld.idx.msk [tilespmem:v4+s11+$0x0], $0xffff  }
0x347: {  	v4 =	vor.u32 v31, v1  }
0x348: {  	v32 =	vld [tilespmem:$0x1FC90];
	_ =	sdelay $0x2  }
0x349: {  	[tilespmem:v3+s16+$0x0] =	vst.idx.msk $0xffff, v2  }
0x34a: {  	v3 =	vor.u32 v34, v0;
	v2 =	vld.idx.msk [tilespmem:v4+s11+$0x0], $0xffff  }
0x34b: {  	v4 =	vor.u32 v32, v1  }
0x34c: {  	v33 =	vld [tilespmem:$0x1FC70];
	_ =	sdelay $0x2  }
0x34d: {  	[tilespmem:v3+s16+$0x0] =	vst.idx.msk $0xffff, v2  }
0x34e: {  	v3 =	vor.u32 v38, v0;
	v2 =	vld.idx.msk [tilespmem:v4+s11+$0x0], $0xffff  }
0x34f: {  	v4 =	vor.u32 v33, v1  }
0x350: {  	v7 =	vld [tilespmem:$0x1FBA0];
	_ =	sdelay $0x2  }
0x351: {  	[tilespmem:v3+s16+$0x0] =	vst.idx.msk $0xffff, v2  }
0x352: {  	v3 =	vor.u32 v36, v0;
	v2 =	vld.idx.msk [tilespmem:v4+s11+$0x0], $0xffff  }
0x353: {  	v4 =	vor.u32 v7, v1;
	_ =	sdelay $0x3  }
0x354: {  	v8 =	vld [tilespmem:$0x1FBB0];
	[tilespmem:v3+s16+$0x0] =	vst.idx.msk $0xffff, v2  }
0x355: {  	v3 =	vor.u32 v37, v0;
	v2 =	vld.idx.msk [tilespmem:v4+s11+$0x0], $0xffff;
	_ =	sdelay $0x4  }
0x356: {  	v4 =	vor.u32 v8, v1;
	[tilespmem:v3+s16+$0x0] =	vst.idx.msk $0xffff, v2;
	v3 =	vld [tilespmem:$0x1FF90];
	_ =	sdelay $0x3  }
0x357: {  	v11 =	vmov v6;
	v6 =	vld [tilespmem:$0x1FBC0]  }
0x358: {  	v2 =	vld.idx.msk [tilespmem:v4+s11+$0x0], $0xffff;
	v3 =	vor.u32 v3, v0;
	_ =	sdelay $0x3  }
0x359: {  	v4 =	vor.u32 v6, v1  }
0x35a: {  	[tilespmem:v3+s16+$0x0] =	vst.idx.msk $0xffff, v2;
	v3 =	vld [tilespmem:$0x1FF70];
	_ =	sdelay $0x3  }
0x35b: {  	v2 =	vld.idx.msk [tilespmem:v4+s11+$0x0], $0xffff  }
0x35c: {  	v4 =	vld [tilespmem:$0x1FFF0];
	v3 =	vor.u32 v3, v0;
	_ =	sdelay $0x4  }
0x35d: {  	v1 =	vor.u32 v4, v1;
	[tilespmem:v3+s16+$0x0] =	vst.idx.msk $0xffff, v2;
	v3 =	vld [tilespmem:$0x1FC60];
	_ =	sdelay $0x2  }
0x35e: {  	s31 =	simm.s32 $0x10;
	v9 =	vmov v5;
	v5 =	vlaneseq.u32  }
0x35f: {  	v2 =	vor.u32 s31, v5  }
0x360: {  	v1 =	vld.idx.msk [tilespmem:v1+s11+$0x0], $0xffff;
	v4 =	vshll.u32 v2, $0x5;
	v0 =	vor.u32 v3, v0  }
0x361: {  	v3 =	vor.u32 v5, v4;
	_ =	sdelay $0x3  }
0x362: {  	[tilespmem:v0+s16+$0x0] =	vst.idx.msk $0xffff, v1  }
0x363: {  	v1 =	vld.idx.msk [tilespmem:v3+s11+$0x0], $0xffff  }
0x364: {  	v3 =	vld [tilespmem:$0x1FCA0];
	_ =	sdelay $0x2  }
0x365: {  	v0 =	vand.u32 $0x1F8, v2  }
0x366: {  	v2 =	vor.u32 v42, v0  }
0x367: {  	v3 =	vor.u32 v3, v4;
	_ =	sdelay $0x3  }
0x368: {  	[tilespmem:v2+s16+$0x0] =	vst.idx.msk $0xffff, v1  }
0x369: {  	v2 =	vor.u32 v10, v0;
	v1 =	vld.idx.msk [tilespmem:v3+s11+$0x0], $0xffff  }
0x36a: {  	v3 =	vor.u32 v9, v4;
	_ =	sdelay $0x3  }
0x36b: {  	[tilespmem:v2+s16+$0x0] =	vst.idx.msk $0xffff, v1  }
0x36c: {  	v2 =	vor.u32 v49, v0;
	v1 =	vld.idx.msk [tilespmem:v3+s11+$0x0], $0xffff  }
0x36d: {  	v3 =	vor.u32 v11, v4;
	_ =	sdelay $0x3  }
0x36e: {  	[tilespmem:v2+s16+$0x0] =	vst.idx.msk $0xffff, v1  }
0x36f: {  	v2 =	vor.u32 v12, v0;
	v1 =	vld.idx.msk [tilespmem:v3+s11+$0x0], $0xffff  }
0x370: {  	v3 =	vor.u32 v46, v4;
	_ =	sdelay $0x3  }
0x371: {  	[tilespmem:v2+s16+$0x0] =	vst.idx.msk $0xffff, v1  }
0x372: {  	v2 =	vor.u32 v13, v0;
	v1 =	vld.idx.msk [tilespmem:v3+s11+$0x0], $0xffff  }
0x373: {  	v3 =	vor.u32 v47, v4;
	_ =	sdelay $0x3  }
0x374: {  	[tilespmem:v2+s16+$0x0] =	vst.idx.msk $0xffff, v1  }
0x375: {  	v2 =	vor.u32 v14, v0;
	v1 =	vld.idx.msk [tilespmem:v3+s11+$0x0], $0xffff  }
0x376: {  	v3 =	vor.u32 v48, v4;
	_ =	sdelay $0x3  }
0x377: {  	[tilespmem:v2+s16+$0x0] =	vst.idx.msk $0xffff, v1  }
0x378: {  	v2 =	vor.u32 v51, v0;
	v1 =	vld.idx.msk [tilespmem:v3+s11+$0x0], $0xffff  }
0x379: {  	v3 =	vor.u32 v15, v4;
	_ =	sdelay $0x3  }
0x37a: {  	[tilespmem:v2+s16+$0x0] =	vst.idx.msk $0xffff, v1  }
0x37b: {  	v2 =	vor.u32 v16, v0;
	v1 =	vld.idx.msk [tilespmem:v3+s11+$0x0], $0xffff  }
0x37c: {  	v3 =	vor.u32 v50, v4;
	_ =	sdelay $0x3  }
0x37d: {  	[tilespmem:v2+s16+$0x0] =	vst.idx.msk $0xffff, v1  }
0x37e: {  	v2 =	vor.u32 v45, v0;
	v1 =	vld.idx.msk [tilespmem:v3+s11+$0x0], $0xffff  }
0x37f: {  	v3 =	vor.u32 v17, v4;
	_ =	sdelay $0x3  }
0x380: {  	[tilespmem:v2+s16+$0x0] =	vst.idx.msk $0xffff, v1  }
0x381: {  	v2 =	vor.u32 v60, v0;
	v1 =	vld.idx.msk [tilespmem:v3+s11+$0x0], $0xffff  }
0x382: {  	v3 =	vor.u32 v18, v4;
	_ =	sdelay $0x3  }
0x383: {  	[tilespmem:v2+s16+$0x0] =	vst.idx.msk $0xffff, v1  }
0x384: {  	v2 =	vor.u32 v63, v0;
	v1 =	vld.idx.msk [tilespmem:v3+s11+$0x0], $0xffff  }
0x385: {  	v3 =	vor.u32 v52, v4;
	_ =	sdelay $0x3  }
0x386: {  	[tilespmem:v2+s16+$0x0] =	vst.idx.msk $0xffff, v1  }
0x387: {  	v2 =	vor.u32 v20, v0;
	v1 =	vld.idx.msk [tilespmem:v3+s11+$0x0], $0xffff  }
0x388: {  	v3 =	vor.u32 v57, v4;
	_ =	sdelay $0x3  }
0x389: {  	[tilespmem:v2+s16+$0x0] =	vst.idx.msk $0xffff, v1  }
0x38a: {  	v2 =	vor.u32 v43, v0;
	v1 =	vld.idx.msk [tilespmem:v3+s11+$0x0], $0xffff  }
0x38b: {  	v3 =	vor.u32 v59, v4;
	_ =	sdelay $0x3  }
0x38c: {  	[tilespmem:v2+s16+$0x0] =	vst.idx.msk $0xffff, v1  }
0x38d: {  	v2 =	vor.u32 v58, v0;
	v1 =	vld.idx.msk [tilespmem:v3+s11+$0x0], $0xffff  }
0x38e: {  	v3 =	vor.u32 v62, v4;
	_ =	sdelay $0x3  }
0x38f: {  	[tilespmem:v2+s16+$0x0] =	vst.idx.msk $0xffff, v1  }
0x390: {  	v2 =	vor.u32 v23, v0;
	v1 =	vld.idx.msk [tilespmem:v3+s11+$0x0], $0xffff  }
0x391: {  	v3 =	vor.u32 v19, v4;
	_ =	sdelay $0x3  }
0x392: {  	[tilespmem:v2+s16+$0x0] =	vst.idx.msk $0xffff, v1  }
0x393: {  	v2 =	vor.u32 v53, v0;
	v1 =	vld.idx.msk [tilespmem:v3+s11+$0x0], $0xffff  }
0x394: {  	v3 =	vor.u32 v21, v4;
	_ =	sdelay $0x3  }
0x395: {  	[tilespmem:v2+s16+$0x0] =	vst.idx.msk $0xffff, v1  }
0x396: {  	v2 =	vor.u32 v56, v0;
	v1 =	vld.idx.msk [tilespmem:v3+s11+$0x0], $0xffff  }
0x397: {  	v3 =	vor.u32 v22, v4;
	_ =	sdelay $0x3  }
0x398: {  	[tilespmem:v2+s16+$0x0] =	vst.idx.msk $0xffff, v1  }
0x399: {  	v2 =	vor.u32 v26, v0;
	v1 =	vld.idx.msk [tilespmem:v3+s11+$0x0], $0xffff  }
0x39a: {  	v3 =	vor.u32 v24, v4;
	_ =	sdelay $0x3  }
0x39b: {  	[tilespmem:v2+s16+$0x0] =	vst.idx.msk $0xffff, v1  }
0x39c: {  	v2 =	vor.u32 v54, v0;
	v1 =	vld.idx.msk [tilespmem:v3+s11+$0x0], $0xffff  }
0x39d: {  	v3 =	vor.u32 v25, v4;
	_ =	sdelay $0x3  }
0x39e: {  	[tilespmem:v2+s16+$0x0] =	vst.idx.msk $0xffff, v1  }
0x39f: {  	v2 =	vor.u32 v61, v0;
	v1 =	vld.idx.msk [tilespmem:v3+s11+$0x0], $0xffff  }
0x3a0: {  	v3 =	vor.u32 v55, v4;
	_ =	sdelay $0x3  }
0x3a1: {  	[tilespmem:v2+s16+$0x0] =	vst.idx.msk $0xffff, v1  }
0x3a2: {  	v2 =	vor.u32 v41, v0;
	v1 =	vld.idx.msk [tilespmem:v3+s11+$0x0], $0xffff  }
0x3a3: {  	v3 =	vor.u32 v27, v4;
	_ =	sdelay $0x3  }
0x3a4: {  	[tilespmem:v2+s16+$0x0] =	vst.idx.msk $0xffff, v1  }
0x3a5: {  	v2 =	vor.u32 v44, v0;
	v1 =	vld.idx.msk [tilespmem:v3+s11+$0x0], $0xffff  }
0x3a6: {  	v3 =	vor.u32 v28, v4;
	_ =	sdelay $0x3  }
0x3a7: {  	[tilespmem:v2+s16+$0x0] =	vst.idx.msk $0xffff, v1  }
0x3a8: {  	v2 =	vor.u32 v40, v0;
	v1 =	vld.idx.msk [tilespmem:v3+s11+$0x0], $0xffff  }
0x3a9: {  	v3 =	vor.u32 v29, v4;
	_ =	sdelay $0x3  }
0x3aa: {  	[tilespmem:v2+s16+$0x0] =	vst.idx.msk $0xffff, v1  }
0x3ab: {  	v2 =	vor.u32 v35, v0;
	v1 =	vld.idx.msk [tilespmem:v3+s11+$0x0], $0xffff  }
0x3ac: {  	v3 =	vor.u32 v30, v4;
	_ =	sdelay $0x3  }
0x3ad: {  	[tilespmem:v2+s16+$0x0] =	vst.idx.msk $0xffff, v1  }
0x3ae: {  	v2 =	vor.u32 v39, v0;
	v1 =	vld.idx.msk [tilespmem:v3+s11+$0x0], $0xffff  }
0x3af: {  	v3 =	vor.u32 v31, v4;
	_ =	sdelay $0x3  }
0x3b0: {  	[tilespmem:v2+s16+$0x0] =	vst.idx.msk $0xffff, v1  }
0x3b1: {  	v2 =	vor.u32 v34, v0;
	v1 =	vld.idx.msk [tilespmem:v3+s11+$0x0], $0xffff  }
0x3b2: {  	v3 =	vor.u32 v32, v4;
	_ =	sdelay $0x3  }
0x3b3: {  	[tilespmem:v2+s16+$0x0] =	vst.idx.msk $0xffff, v1  }
0x3b4: {  	v2 =	vor.u32 v38, v0;
	v1 =	vld.idx.msk [tilespmem:v3+s11+$0x0], $0xffff  }
0x3b5: {  	v3 =	vor.u32 v33, v4;
	_ =	sdelay $0x3  }
0x3b6: {  	[tilespmem:v2+s16+$0x0] =	vst.idx.msk $0xffff, v1  }
0x3b7: {  	v2 =	vor.u32 v36, v0;
	v1 =	vld.idx.msk [tilespmem:v3+s11+$0x0], $0xffff  }
0x3b8: {  	v3 =	vor.u32 v7, v4;
	_ =	sdelay $0x3  }
0x3b9: {  	[tilespmem:v2+s16+$0x0] =	vst.idx.msk $0xffff, v1  }
0x3ba: {  	v2 =	vor.u32 v37, v0;
	v1 =	vld.idx.msk [tilespmem:v3+s11+$0x0], $0xffff;
	_ =	sdelay $0x4  }
0x3bb: {  	v3 =	vor.u32 v8, v4;
	[tilespmem:v2+s16+$0x0] =	vst.idx.msk $0xffff, v1;
	v2 =	vld [tilespmem:$0x1FF90];
	_ =	sdelay $0x4  }
0x3bc: {  	v1 =	vld.idx.msk [tilespmem:v3+s11+$0x0], $0xffff;
	v2 =	vor.u32 v2, v0;
	_ =	sdelay $0x3  }
0x3bd: {  	v3 =	vor.u32 v6, v4  }
0x3be: {  	[tilespmem:v2+s16+$0x0] =	vst.idx.msk $0xffff, v1;
	v1 =	vld [tilespmem:$0x1FF70];
	_ =	sdelay $0x3  }
0x3bf: {  	v2 =	vld.idx.msk [tilespmem:v3+s11+$0x0], $0xffff  }
0x3c0: {  	v3 =	vor.u32 v1, v0;
	v1 =	vld [tilespmem:$0x1FFF0];
	_ =	sdelay $0x4  }
0x3c1: {  	s23 =	simm.s32 $0x30;
	s22 =	simm.s32 $0x0;
	v1 =	vor.u32 v1, v4  }
.LBB2_5:
0x3c2: {  	v5 =	vld [tilespmem:$0x1FC60];
	_ =	sdelay $0x2  }
0x3c3: {  	s24 =	sadd.s32 $0xFFFFFFF0, s23;
	v4 =	vlaneseq.u32  }
0x3c4: {  	[tilespmem:v3+s16+$0x0] =	vst.idx.msk $0xffff, v2;
	v2 =	vor.u32 s24, v4  }
0x3c5: {  	v3 =	vld.idx.msk [tilespmem:v1+s11+$0x0], $0xffff;
	v1 =	vshll.u32 v2, $0x5;
	v0 =	vor.u32 v5, v0  }
0x3c6: {  	v11 =	vld [tilespmem:$0x1FD00];
	v4 =	vor.u32 v4, v1  }
0x3c7: {  	v9 =	vld [tilespmem:$0x1FCA0];
	_ =	sdelay $0x2  }
0x3c8: {  	[tilespmem:v0+s16+$0x0] =	vst.idx.msk $0xffff, v3;
	v0 =	vand.u32 $0x1E8, v2  }
0x3c9: {  	v3 =	vld.idx.msk [tilespmem:v4+s11+$0x0], $0xffff;
	v2 =	vor.u32 v11, v0  }
0x3ca: {  	v12 =	vld [tilespmem:$0x1FD30];
	v4 =	vor.u32 v9, v1  }
0x3cb: {  	v42 =	vld [tilespmem:$0x1FCB0];
	_ =	sdelay $0x2  }
0x3cc: {  	[tilespmem:v2+s16+$0x0] =	vst.idx.msk $0xffff, v3  }
0x3cd: {  	v3 =	vor.u32 v12, v0;
	v2 =	vld.idx.msk [tilespmem:v4+s11+$0x0], $0xffff  }
0x3ce: {  	v13 =	vld [tilespmem:$0x1FD60];
	v4 =	vor.u32 v42, v1  }
0x3cf: {  	v46 =	vld [tilespmem:$0x1FCC0];
	_ =	sdelay $0x2  }
0x3d0: {  	[tilespmem:v3+s16+$0x0] =	vst.idx.msk $0xffff, v2  }
0x3d1: {  	v3 =	vor.u32 v13, v0;
	v2 =	vld.idx.msk [tilespmem:v4+s11+$0x0], $0xffff  }
0x3d2: {  	v14 =	vld [tilespmem:$0x1FC40];
	v4 =	vor.u32 v46, v1  }
0x3d3: {  	v10 =	vld [tilespmem:$0x1FCD0];
	_ =	sdelay $0x2  }
0x3d4: {  	[tilespmem:v3+s16+$0x0] =	vst.idx.msk $0xffff, v2  }
0x3d5: {  	v3 =	vor.u32 v14, v0;
	v2 =	vld.idx.msk [tilespmem:v4+s11+$0x0], $0xffff  }
0x3d6: {  	v15 =	vld [tilespmem:$0x1FC50];
	v4 =	vor.u32 v10, v1  }
0x3d7: {  	v47 =	vld [tilespmem:$0x1FCF0];
	_ =	sdelay $0x2  }
0x3d8: {  	[tilespmem:v3+s16+$0x0] =	vst.idx.msk $0xffff, v2  }
0x3d9: {  	v3 =	vor.u32 v15, v0;
	v2 =	vld.idx.msk [tilespmem:v4+s11+$0x0], $0xffff  }
0x3da: {  	v57 =	vld [tilespmem:$0x1FDD0];
	v4 =	vor.u32 v47, v1  }
0x3db: {  	v48 =	vld [tilespmem:$0x1FD20];
	_ =	sdelay $0x2  }
0x3dc: {  	[tilespmem:v3+s16+$0x0] =	vst.idx.msk $0xffff, v2  }
0x3dd: {  	v3 =	vor.u32 v57, v0;
	v2 =	vld.idx.msk [tilespmem:v4+s11+$0x0], $0xffff  }
0x3de: {  	v59 =	vld [tilespmem:$0x1FDF0];
	v4 =	vor.u32 v48, v1  }
0x3df: {  	v49 =	vld [tilespmem:$0x1FD50];
	_ =	sdelay $0x2  }
0x3e0: {  	[tilespmem:v3+s16+$0x0] =	vst.idx.msk $0xffff, v2  }
0x3e1: {  	v3 =	vor.u32 v59, v0;
	v2 =	vld.idx.msk [tilespmem:v4+s11+$0x0], $0xffff  }
0x3e2: {  	v45 =	vld [tilespmem:$0x1FE20];
	v4 =	vor.u32 v49, v1  }
0x3e3: {  	v50 =	vld [tilespmem:$0x1FD80];
	_ =	sdelay $0x2  }
0x3e4: {  	[tilespmem:v3+s16+$0x0] =	vst.idx.msk $0xffff, v2  }
0x3e5: {  	v3 =	vor.u32 v45, v0;
	v2 =	vld.idx.msk [tilespmem:v4+s11+$0x0], $0xffff  }
0x3e6: {  	v60 =	vld [tilespmem:$0x1FE40];
	v4 =	vor.u32 v50, v1  }
0x3e7: {  	v51 =	vld [tilespmem:$0x1FDA0];
	_ =	sdelay $0x2  }
0x3e8: {  	[tilespmem:v3+s16+$0x0] =	vst.idx.msk $0xffff, v2  }
0x3e9: {  	v3 =	vor.u32 v60, v0;
	v2 =	vld.idx.msk [tilespmem:v4+s11+$0x0], $0xffff  }
0x3ea: {  	v21 =	vld [tilespmem:$0x1FE50];
	v4 =	vor.u32 v51, v1  }
0x3eb: {  	v16 =	vld [tilespmem:$0x1FDC0];
	_ =	sdelay $0x2  }
0x3ec: {  	[tilespmem:v3+s16+$0x0] =	vst.idx.msk $0xffff, v2  }
0x3ed: {  	v3 =	vor.u32 v21, v0;
	v2 =	vld.idx.msk [tilespmem:v4+s11+$0x0], $0xffff  }
0x3ee: {  	v22 =	vld [tilespmem:$0x1FE60];
	v4 =	vor.u32 v16, v1  }
0x3ef: {  	v17 =	vld [tilespmem:$0x1FDE0];
	_ =	sdelay $0x2  }
0x3f0: {  	[tilespmem:v3+s16+$0x0] =	vst.idx.msk $0xffff, v2  }
0x3f1: {  	v3 =	vor.u32 v22, v0;
	v2 =	vld.idx.msk [tilespmem:v4+s11+$0x0], $0xffff  }
0x3f2: {  	v43 =	vld [tilespmem:$0x1FE70];
	v4 =	vor.u32 v17, v1  }
0x3f3: {  	v18 =	vld [tilespmem:$0x1FE00];
	_ =	sdelay $0x2  }
0x3f4: {  	[tilespmem:v3+s16+$0x0] =	vst.idx.msk $0xffff, v2  }
0x3f5: {  	v3 =	vor.u32 v43, v0;
	v2 =	vld.idx.msk [tilespmem:v4+s11+$0x0], $0xffff  }
0x3f6: {  	v23 =	vld [tilespmem:$0x1FE80];
	v4 =	vor.u32 v18, v1  }
0x3f7: {  	v62 =	vld [tilespmem:$0x1FE10];
	_ =	sdelay $0x2  }
0x3f8: {  	[tilespmem:v3+s16+$0x0] =	vst.idx.msk $0xffff, v2  }
0x3f9: {  	v3 =	vor.u32 v23, v0;
	v2 =	vld.idx.msk [tilespmem:v4+s11+$0x0], $0xffff  }
0x3fa: {  	v24 =	vld [tilespmem:$0x1FE90];
	v4 =	vor.u32 v62, v1  }
0x3fb: {  	v19 =	vld [tilespmem:$0x1FE30];
	_ =	sdelay $0x2  }
0x3fc: {  	[tilespmem:v3+s16+$0x0] =	vst.idx.msk $0xffff, v2  }
0x3fd: {  	v3 =	vor.u32 v24, v0;
	v2 =	vld.idx.msk [tilespmem:v4+s11+$0x0], $0xffff  }
0x3fe: {  	v53 =	vld [tilespmem:$0x1FEA0];
	v4 =	vor.u32 v19, v1  }
0x3ff: {  	v20 =	vld [tilespmem:$0x1FD90];
	_ =	sdelay $0x2  }
0x400: {  	[tilespmem:v3+s16+$0x0] =	vst.idx.msk $0xffff, v2  }
0x401: {  	v3 =	vor.u32 v53, v0;
	v2 =	vld.idx.msk [tilespmem:v4+s11+$0x0], $0xffff  }
0x402: {  	v56 =	vld [tilespmem:$0x1FEC0];
	v4 =	vor.u32 v20, v1  }
0x403: {  	v63 =	vld [tilespmem:$0x1FD70];
	_ =	sdelay $0x2  }
0x404: {  	[tilespmem:v3+s16+$0x0] =	vst.idx.msk $0xffff, v2  }
0x405: {  	v3 =	vor.u32 v56, v0;
	v2 =	vld.idx.msk [tilespmem:v4+s11+$0x0], $0xffff  }
0x406: {  	v55 =	vld [tilespmem:$0x1FEE0];
	v4 =	vor.u32 v63, v1  }
0x407: {  	v58 =	vld [tilespmem:$0x1FD40];
	_ =	sdelay $0x2  }
0x408: {  	[tilespmem:v3+s16+$0x0] =	vst.idx.msk $0xffff, v2  }
0x409: {  	v3 =	vor.u32 v55, v0;
	v2 =	vld.idx.msk [tilespmem:v4+s11+$0x0], $0xffff  }
0x40a: {  	v28 =	vld [tilespmem:$0x1FF00];
	v4 =	vor.u32 v58, v1  }
0x40b: {  	v25 =	vld [tilespmem:$0x1FD10];
	_ =	sdelay $0x2  }
0x40c: {  	[tilespmem:v3+s16+$0x0] =	vst.idx.msk $0xffff, v2  }
0x40d: {  	v3 =	vor.u32 v28, v0;
	v2 =	vld.idx.msk [tilespmem:v4+s11+$0x0], $0xffff  }
0x40e: {  	v29 =	vld [tilespmem:$0x1FF20];
	v4 =	vor.u32 v25, v1  }
0x40f: {  	v26 =	vld [tilespmem:$0x1FC80];
	_ =	sdelay $0x2  }
0x410: {  	[tilespmem:v3+s16+$0x0] =	vst.idx.msk $0xffff, v2  }
0x411: {  	v3 =	vor.u32 v29, v0;
	v2 =	vld.idx.msk [tilespmem:v4+s11+$0x0], $0xffff  }
0x412: {  	v30 =	vld [tilespmem:$0x1FF30];
	v4 =	vor.u32 v26, v1  }
0x413: {  	v27 =	vld [tilespmem:$0x1FEF0];
	_ =	sdelay $0x2  }
0x414: {  	[tilespmem:v3+s16+$0x0] =	vst.idx.msk $0xffff, v2  }
0x415: {  	v3 =	vor.u32 v30, v0;
	v2 =	vld.idx.msk [tilespmem:v4+s11+$0x0], $0xffff  }
0x416: {  	v31 =	vld [tilespmem:$0x1FF40];
	v4 =	vor.u32 v27, v1  }
0x417: {  	v54 =	vld [tilespmem:$0x1FF10];
	_ =	sdelay $0x2  }
0x418: {  	[tilespmem:v3+s16+$0x0] =	vst.idx.msk $0xffff, v2  }
0x419: {  	v3 =	vor.u32 v31, v0;
	v2 =	vld.idx.msk [tilespmem:v4+s11+$0x0], $0xffff  }
0x41a: {  	v40 =	vld [tilespmem:$0x1FF50];
	v4 =	vor.u32 v54, v1  }
0x41b: {  	v61 =	vld [tilespmem:$0x1FED0];
	_ =	sdelay $0x2  }
0x41c: {  	[tilespmem:v3+s16+$0x0] =	vst.idx.msk $0xffff, v2  }
0x41d: {  	v3 =	vor.u32 v40, v0;
	v2 =	vld.idx.msk [tilespmem:v4+s11+$0x0], $0xffff  }
0x41e: {  	v33 =	vld [tilespmem:$0x1FF60];
	v4 =	vor.u32 v61, v1  }
0x41f: {  	v41 =	vld [tilespmem:$0x1FEB0];
	_ =	sdelay $0x2  }
0x420: {  	[tilespmem:v3+s16+$0x0] =	vst.idx.msk $0xffff, v2  }
0x421: {  	v3 =	vor.u32 v33, v0;
	v2 =	vld.idx.msk [tilespmem:v4+s11+$0x0], $0xffff  }
0x422: {  	v39 =	vld [tilespmem:$0x1FF80];
	v4 =	vor.u32 v41, v1  }
0x423: {  	v44 =	vld [tilespmem:$0x1FDB0];
	_ =	sdelay $0x2  }
0x424: {  	[tilespmem:v3+s16+$0x0] =	vst.idx.msk $0xffff, v2  }
0x425: {  	v3 =	vor.u32 v39, v0;
	v2 =	vld.idx.msk [tilespmem:v4+s11+$0x0], $0xffff  }
0x426: {  	v38 =	vld [tilespmem:$0x1FFA0];
	v4 =	vor.u32 v44, v1  }
0x427: {  	v32 =	vld [tilespmem:$0x1FCE0];
	_ =	sdelay $0x2  }
0x428: {  	[tilespmem:v3+s16+$0x0] =	vst.idx.msk $0xffff, v2  }
0x429: {  	v3 =	vor.u32 v38, v0;
	v2 =	vld.idx.msk [tilespmem:v4+s11+$0x0], $0xffff  }
0x42a: {  	v37 =	vld [tilespmem:$0x1FFB0];
	v4 =	vor.u32 v32, v1  }
0x42b: {  	v34 =	vld [tilespmem:$0x1FC90];
	_ =	sdelay $0x2  }
0x42c: {  	[tilespmem:v3+s16+$0x0] =	vst.idx.msk $0xffff, v2  }
0x42d: {  	v3 =	vor.u32 v37, v0;
	v2 =	vld.idx.msk [tilespmem:v4+s11+$0x0], $0xffff  }
0x42e: {  	v36 =	vld [tilespmem:$0x1FFC0];
	v4 =	vor.u32 v34, v1  }
0x42f: {  	v35 =	vld [tilespmem:$0x1FC70];
	_ =	sdelay $0x2  }
0x430: {  	[tilespmem:v3+s16+$0x0] =	vst.idx.msk $0xffff, v2  }
0x431: {  	v3 =	vor.u32 v36, v0;
	v2 =	vld.idx.msk [tilespmem:v4+s11+$0x0], $0xffff  }
0x432: {  	v4 =	vor.u32 v35, v1;
	_ =	sdelay $0x3  }
0x433: {  	v52 =	vld [tilespmem:$0x1FFD0];
	[tilespmem:v3+s16+$0x0] =	vst.idx.msk $0xffff, v2  }
0x434: {  	v2 =	vld.idx.msk [tilespmem:v4+s11+$0x0], $0xffff  }
0x435: {  	v4 =	vld [tilespmem:$0x1FBA0];
	_ =	sdelay $0x3  }
0x436: {  	v3 =	vor.u32 v52, v0  }
0x437: {  	v4 =	vor.u32 v4, v1;
	_ =	sdelay $0x3  }
0x438: {  	v6 =	vld [tilespmem:$0x1FFE0];
	[tilespmem:v3+s16+$0x0] =	vst.idx.msk $0xffff, v2  }
0x439: {  	v2 =	vld.idx.msk [tilespmem:v4+s11+$0x0], $0xffff  }
0x43a: {  	v4 =	vld [tilespmem:$0x1FBB0];
	_ =	sdelay $0x3  }
0x43b: {  	v3 =	vor.u32 v6, v0  }
0x43c: {  	v4 =	vor.u32 v4, v1;
	_ =	sdelay $0x3  }
0x43d: {  	v7 =	vld [tilespmem:$0x1FF90];
	[tilespmem:v3+s16+$0x0] =	vst.idx.msk $0xffff, v2  }
0x43e: {  	v2 =	vld.idx.msk [tilespmem:v4+s11+$0x0], $0xffff  }
0x43f: {  	v4 =	vld [tilespmem:$0x1FBC0];
	_ =	sdelay $0x3  }
0x440: {  	v3 =	vor.u32 v7, v0  }
0x441: {  	v4 =	vor.u32 v4, v1;
	_ =	sdelay $0x3  }
0x442: {  	v8 =	vld [tilespmem:$0x1FF70];
	[tilespmem:v3+s16+$0x0] =	vst.idx.msk $0xffff, v2  }
0x443: {  	v2 =	vld.idx.msk [tilespmem:v4+s11+$0x0], $0xffff  }
0x444: {  	v4 =	vld [tilespmem:$0x1FFF0];
	_ =	sdelay $0x3  }
0x445: {  	v3 =	vor.u32 v8, v0  }
0x446: {  	v1 =	vor.u32 v4, v1;
	_ =	sdelay $0x2  }
0x447: {  	v4 =	vlaneseq.u32  }
0x448: {  	[tilespmem:v3+s16+$0x0] =	vst.idx.msk $0xffff, v2;
	v3 =	vor.u32 s23, v4  }
0x449: {  	v0 =	vor.u32 v5, v0;
	v2 =	vld.idx.msk [tilespmem:v1+s11+$0x0], $0xffff;
	v1 =	vshll.u32 v3, $0x5  }
0x44a: {  	v4 =	vor.u32 v4, v1;
	_ =	sdelay $0x3  }
0x44b: {  	[tilespmem:v0+s16+$0x0] =	vst.idx.msk $0xffff, v2;
	v0 =	vand.u32 $0x1F8, v3  }
0x44c: {  	v2 =	vld.idx.msk [tilespmem:v4+s11+$0x0], $0xffff;
	v3 =	vor.u32 v11, v0  }
0x44d: {  	v4 =	vor.u32 v9, v1;
	_ =	sdelay $0x3  }
0x44e: {  	[tilespmem:v3+s16+$0x0] =	vst.idx.msk $0xffff, v2  }
0x44f: {  	v3 =	vor.u32 v12, v0;
	v2 =	vld.idx.msk [tilespmem:v4+s11+$0x0], $0xffff  }
0x450: {  	v4 =	vor.u32 v42, v1;
	_ =	sdelay $0x3  }
0x451: {  	[tilespmem:v3+s16+$0x0] =	vst.idx.msk $0xffff, v2  }
0x452: {  	v3 =	vor.u32 v13, v0;
	v2 =	vld.idx.msk [tilespmem:v4+s11+$0x0], $0xffff  }
0x453: {  	v4 =	vor.u32 v46, v1;
	_ =	sdelay $0x3  }
0x454: {  	[tilespmem:v3+s16+$0x0] =	vst.idx.msk $0xffff, v2  }
0x455: {  	v3 =	vor.u32 v14, v0;
	v2 =	vld.idx.msk [tilespmem:v4+s11+$0x0], $0xffff  }
0x456: {  	v4 =	vor.u32 v10, v1;
	_ =	sdelay $0x3  }
0x457: {  	[tilespmem:v3+s16+$0x0] =	vst.idx.msk $0xffff, v2  }
0x458: {  	v3 =	vor.u32 v15, v0;
	v2 =	vld.idx.msk [tilespmem:v4+s11+$0x0], $0xffff  }
0x459: {  	v4 =	vor.u32 v47, v1;
	_ =	sdelay $0x3  }
0x45a: {  	[tilespmem:v3+s16+$0x0] =	vst.idx.msk $0xffff, v2  }
0x45b: {  	v3 =	vor.u32 v57, v0;
	v2 =	vld.idx.msk [tilespmem:v4+s11+$0x0], $0xffff  }
0x45c: {  	v4 =	vor.u32 v48, v1;
	_ =	sdelay $0x3  }
0x45d: {  	[tilespmem:v3+s16+$0x0] =	vst.idx.msk $0xffff, v2  }
0x45e: {  	v3 =	vor.u32 v59, v0;
	v2 =	vld.idx.msk [tilespmem:v4+s11+$0x0], $0xffff  }
0x45f: {  	v4 =	vor.u32 v49, v1;
	_ =	sdelay $0x3  }
0x460: {  	[tilespmem:v3+s16+$0x0] =	vst.idx.msk $0xffff, v2  }
0x461: {  	v3 =	vor.u32 v45, v0;
	v2 =	vld.idx.msk [tilespmem:v4+s11+$0x0], $0xffff  }
0x462: {  	v4 =	vor.u32 v50, v1;
	_ =	sdelay $0x3  }
0x463: {  	[tilespmem:v3+s16+$0x0] =	vst.idx.msk $0xffff, v2  }
0x464: {  	v3 =	vor.u32 v60, v0;
	v2 =	vld.idx.msk [tilespmem:v4+s11+$0x0], $0xffff  }
0x465: {  	v4 =	vor.u32 v51, v1;
	_ =	sdelay $0x3  }
0x466: {  	[tilespmem:v3+s16+$0x0] =	vst.idx.msk $0xffff, v2  }
0x467: {  	v3 =	vor.u32 v21, v0;
	v2 =	vld.idx.msk [tilespmem:v4+s11+$0x0], $0xffff  }
0x468: {  	v4 =	vor.u32 v16, v1;
	_ =	sdelay $0x3  }
0x469: {  	[tilespmem:v3+s16+$0x0] =	vst.idx.msk $0xffff, v2  }
0x46a: {  	v3 =	vor.u32 v22, v0;
	v2 =	vld.idx.msk [tilespmem:v4+s11+$0x0], $0xffff  }
0x46b: {  	v4 =	vor.u32 v17, v1;
	_ =	sdelay $0x3  }
0x46c: {  	[tilespmem:v3+s16+$0x0] =	vst.idx.msk $0xffff, v2  }
0x46d: {  	v3 =	vor.u32 v43, v0;
	v2 =	vld.idx.msk [tilespmem:v4+s11+$0x0], $0xffff  }
0x46e: {  	v4 =	vor.u32 v18, v1;
	_ =	sdelay $0x3  }
0x46f: {  	[tilespmem:v3+s16+$0x0] =	vst.idx.msk $0xffff, v2  }
0x470: {  	v3 =	vor.u32 v23, v0;
	v2 =	vld.idx.msk [tilespmem:v4+s11+$0x0], $0xffff  }
0x471: {  	v4 =	vor.u32 v62, v1;
	_ =	sdelay $0x3  }
0x472: {  	[tilespmem:v3+s16+$0x0] =	vst.idx.msk $0xffff, v2  }
0x473: {  	v3 =	vor.u32 v24, v0;
	v2 =	vld.idx.msk [tilespmem:v4+s11+$0x0], $0xffff  }
0x474: {  	v4 =	vor.u32 v19, v1;
	_ =	sdelay $0x3  }
0x475: {  	[tilespmem:v3+s16+$0x0] =	vst.idx.msk $0xffff, v2  }
0x476: {  	v3 =	vor.u32 v53, v0;
	v2 =	vld.idx.msk [tilespmem:v4+s11+$0x0], $0xffff  }
0x477: {  	v4 =	vor.u32 v20, v1;
	_ =	sdelay $0x3  }
0x478: {  	[tilespmem:v3+s16+$0x0] =	vst.idx.msk $0xffff, v2  }
0x479: {  	v3 =	vor.u32 v56, v0;
	v2 =	vld.idx.msk [tilespmem:v4+s11+$0x0], $0xffff  }
0x47a: {  	v4 =	vor.u32 v63, v1;
	_ =	sdelay $0x3  }
0x47b: {  	[tilespmem:v3+s16+$0x0] =	vst.idx.msk $0xffff, v2  }
0x47c: {  	v3 =	vor.u32 v55, v0;
	v2 =	vld.idx.msk [tilespmem:v4+s11+$0x0], $0xffff  }
0x47d: {  	v4 =	vor.u32 v58, v1;
	_ =	sdelay $0x3  }
0x47e: {  	[tilespmem:v3+s16+$0x0] =	vst.idx.msk $0xffff, v2  }
0x47f: {  	v3 =	vor.u32 v28, v0;
	v2 =	vld.idx.msk [tilespmem:v4+s11+$0x0], $0xffff  }
0x480: {  	v4 =	vor.u32 v25, v1;
	_ =	sdelay $0x3  }
0x481: {  	[tilespmem:v3+s16+$0x0] =	vst.idx.msk $0xffff, v2  }
0x482: {  	v3 =	vor.u32 v29, v0;
	v2 =	vld.idx.msk [tilespmem:v4+s11+$0x0], $0xffff  }
0x483: {  	v4 =	vor.u32 v26, v1;
	_ =	sdelay $0x3  }
0x484: {  	[tilespmem:v3+s16+$0x0] =	vst.idx.msk $0xffff, v2  }
0x485: {  	v3 =	vor.u32 v30, v0;
	v2 =	vld.idx.msk [tilespmem:v4+s11+$0x0], $0xffff  }
0x486: {  	v4 =	vor.u32 v27, v1;
	_ =	sdelay $0x3  }
0x487: {  	[tilespmem:v3+s16+$0x0] =	vst.idx.msk $0xffff, v2  }
0x488: {  	v3 =	vor.u32 v31, v0;
	v2 =	vld.idx.msk [tilespmem:v4+s11+$0x0], $0xffff  }
0x489: {  	v4 =	vor.u32 v54, v1;
	_ =	sdelay $0x3  }
0x48a: {  	[tilespmem:v3+s16+$0x0] =	vst.idx.msk $0xffff, v2  }
0x48b: {  	v3 =	vor.u32 v40, v0;
	v2 =	vld.idx.msk [tilespmem:v4+s11+$0x0], $0xffff  }
0x48c: {  	v4 =	vor.u32 v61, v1;
	_ =	sdelay $0x3  }
0x48d: {  	[tilespmem:v3+s16+$0x0] =	vst.idx.msk $0xffff, v2  }
0x48e: {  	v3 =	vor.u32 v33, v0;
	v2 =	vld.idx.msk [tilespmem:v4+s11+$0x0], $0xffff  }
0x48f: {  	v4 =	vor.u32 v41, v1;
	_ =	sdelay $0x3  }
0x490: {  	[tilespmem:v3+s16+$0x0] =	vst.idx.msk $0xffff, v2  }
0x491: {  	v3 =	vor.u32 v39, v0;
	v2 =	vld.idx.msk [tilespmem:v4+s11+$0x0], $0xffff  }
0x492: {  	v4 =	vor.u32 v44, v1;
	_ =	sdelay $0x3  }
0x493: {  	[tilespmem:v3+s16+$0x0] =	vst.idx.msk $0xffff, v2  }
0x494: {  	v3 =	vor.u32 v38, v0;
	v2 =	vld.idx.msk [tilespmem:v4+s11+$0x0], $0xffff  }
0x495: {  	v4 =	vor.u32 v32, v1;
	_ =	sdelay $0x3  }
0x496: {  	[tilespmem:v3+s16+$0x0] =	vst.idx.msk $0xffff, v2  }
0x497: {  	v3 =	vor.u32 v37, v0;
	v2 =	vld.idx.msk [tilespmem:v4+s11+$0x0], $0xffff  }
0x498: {  	v4 =	vor.u32 v34, v1;
	_ =	sdelay $0x3  }
0x499: {  	[tilespmem:v3+s16+$0x0] =	vst.idx.msk $0xffff, v2  }
0x49a: {  	v3 =	vor.u32 v36, v0;
	v2 =	vld.idx.msk [tilespmem:v4+s11+$0x0], $0xffff  }
0x49b: {  	v4 =	vor.u32 v35, v1;
	_ =	sdelay $0x3  }
0x49c: {  	[tilespmem:v3+s16+$0x0] =	vst.idx.msk $0xffff, v2  }
0x49d: {  	v2 =	vld.idx.msk [tilespmem:v4+s11+$0x0], $0xffff  }
0x49e: {  	v4 =	vld [tilespmem:$0x1FBA0];
	_ =	sdelay $0x3  }
0x49f: {  	v3 =	vor.u32 v52, v0  }
0x4a0: {  	v4 =	vor.u32 v4, v1;
	_ =	sdelay $0x3  }
0x4a1: {  	[tilespmem:v3+s16+$0x0] =	vst.idx.msk $0xffff, v2  }
0x4a2: {  	v2 =	vld.idx.msk [tilespmem:v4+s11+$0x0], $0xffff  }
0x4a3: {  	v4 =	vld [tilespmem:$0x1FBB0];
	_ =	sdelay $0x3  }
0x4a4: {  	v3 =	vor.u32 v6, v0  }
0x4a5: {  	v4 =	vor.u32 v4, v1;
	_ =	sdelay $0x3  }
0x4a6: {  	[tilespmem:v3+s16+$0x0] =	vst.idx.msk $0xffff, v2  }
0x4a7: {  	v2 =	vld.idx.msk [tilespmem:v4+s11+$0x0], $0xffff  }
0x4a8: {  	v4 =	vld [tilespmem:$0x1FBC0];
	_ =	sdelay $0x3  }
0x4a9: {  	v3 =	vor.u32 v7, v0  }
0x4aa: {  	v4 =	vor.u32 v4, v1;
	_ =	sdelay $0x3  }
0x4ab: {  	[tilespmem:v3+s16+$0x0] =	vst.idx.msk $0xffff, v2  }
0x4ac: {  	s22 =	sadd.s32 $0x2, s22;
	v2 =	vld.idx.msk [tilespmem:v4+s11+$0x0], $0xffff  }
0x4ad: {  	p0 =	slt.u32 s22, $0x1E;
	v4 =	vld [tilespmem:$0x1FFF0]  }
.Ltmp1:
0x4ae: {  	_ = 	snop;
	(pc) =	sbr.rel @p0 .LBB2_5-.Ltmp1, $2  }
0x4af: {  	_ =	sdelay $0x2  }
0x4b0: {  	s23 =	sadd.s32 $0x20, s23;
	v3 =	vor.u32 v8, v0;
	v1 =	vor.u32 v4, v1  }
0x4b1: {  	v9 =	vld [tilespmem:$0x1FC60];
	_ =	sdelay $0x3  }
0x4b2: {  	[tilespmem:v3+s16+$0x0] =	vst.idx.msk $0xffff, v2  }
0x4b3: {  	v1 =	vld.idx.msk [tilespmem:v1+s11+$0x0], $0xffff;
	v0 =	vor.u32 v9, v0;
	_ =	sdelay $0x4  }
0x4b4: {  	[tilespmem:v0+s16+$0x0] =	vst.idx.msk $0xffff, v1  }
0x4b5: {  	[bflag:$0x0] =	sbarrier.arrive $0xFFFF  }
0x4b6: {  	v53 =	vld [tilespmem:$0x1FD00]  }
0x4b7: {  	v3 =	vld [tilespmem:$0x1FD30]  }
0x4b8: {  	v2 =	vld [tilespmem:$0x1FD60]  }
0x4b9: {  	v33 =	vld [tilespmem:$0x1FC40]  }
0x4ba: {  	v17 =	vld [tilespmem:$0x1FC50]  }
0x4bb: {  	v18 =	vld [tilespmem:$0x1FDD0]  }
0x4bc: {  	v19 =	vld [tilespmem:$0x1FDF0]  }
0x4bd: {  	v20 =	vld [tilespmem:$0x1FE20]  }
0x4be: {  	v22 =	vld [tilespmem:$0x1FE40]  }
0x4bf: {  	v23 =	vld [tilespmem:$0x1FE50]  }
0x4c0: {  	v24 =	vld [tilespmem:$0x1FE60]  }
0x4c1: {  	v26 =	vld [tilespmem:$0x1FE70]  }
0x4c2: {  	v27 =	vld [tilespmem:$0x1FE80]  }
0x4c3: {  	v28 =	vld [tilespmem:$0x1FE90]  }
0x4c4: {  	v29 =	vld [tilespmem:$0x1FEA0]  }
0x4c5: {  	v30 =	vld [tilespmem:$0x1FEC0]  }
0x4c6: {  	v31 =	vld [tilespmem:$0x1FEE0]  }
0x4c7: {  	v32 =	vld [tilespmem:$0x1FF00]  }
0x4c8: {  	v0 =	vld [tilespmem:$0x1FF20]  }
0x4c9: {  	v1 =	vld [tilespmem:$0x1FF30]  }
0x4ca: {  	v34 =	vld [tilespmem:$0x1FF40]  }
0x4cb: {  	v35 =	vld [tilespmem:$0x1FF50]  }
0x4cc: {  	v36 =	vld [tilespmem:$0x1FF60]  }
0x4cd: {  	v37 =	vld [tilespmem:$0x1FF80]  }
0x4ce: {  	v48 =	vld [tilespmem:$0x1FFA0]  }
0x4cf: {  	v49 =	vld [tilespmem:$0x1FFB0]  }
0x4d0: {  	v21 =	vld [tilespmem:$0x1FFC0]  }
0x4d1: {  	v25 =	vld [tilespmem:$0x1FFD0]  }
0x4d2: {  	v46 =	vld [tilespmem:$0x1FFE0]  }
0x4d3: {  	v38 =	vld [tilespmem:$0x1FF90]  }
0x4d4: {  	v12 =	vld [tilespmem:$0x1FF70]  }
0x4d5: {  	v55 =	vld [tilespmem:$0x1FCA0]  }
0x4d6: {  	v56 =	vld [tilespmem:$0x1FCB0]  }
0x4d7: {  	v58 =	vld [tilespmem:$0x1FCC0]  }
0x4d8: {  	v54 =	vld [tilespmem:$0x1FCD0]  }
0x4d9: {  	v57 =	vld [tilespmem:$0x1FCF0]  }
0x4da: {  	v59 =	vld [tilespmem:$0x1FD20]  }
0x4db: {  	v60 =	vld [tilespmem:$0x1FD50]  }
0x4dc: {  	v62 =	vld [tilespmem:$0x1FD80]  }
0x4dd: {  	v13 =	vld [tilespmem:$0x1FDA0]  }
0x4de: {  	v14 =	vld [tilespmem:$0x1FDC0]  }
0x4df: {  	v15 =	vld [tilespmem:$0x1FDE0]  }
0x4e0: {  	v41 =	vld [tilespmem:$0x1FEF0]  }
0x4e1: {  	v47 =	vld [tilespmem:$0x1FF10]  }
0x4e2: {  	v50 =	vld [tilespmem:$0x1FED0]  }
0x4e3: {  	v51 =	vld [tilespmem:$0x1FEB0]  }
0x4e4: {  	v16 =	vld [tilespmem:$0x1FE00]  }
0x4e5: {  	v52 =	vld [tilespmem:$0x1FDB0]  }
0x4e6: {  	v8 =	vld [tilespmem:$0x1FE10]  }
0x4e7: {  	v6 =	vld [tilespmem:$0x1FD40]  }
0x4e8: {  	v61 =	vld [tilespmem:$0x1FCE0]  }
0x4e9: {  	s20 =	sadd.s32 $0x1, s20;
	v7 =	vld [tilespmem:$0x1FE30]  }
0x4ea: {  	s21 =	sadd.s32 s5, s21;
	p0 =	sne.s32 s20, $0x19;
	v63 =	vld [tilespmem:$0x1FD10]  }
.Ltmp2:
0x4eb: {  	s22 =	sshll.u32 s21, $0x6;
	v40 =	vld [tilespmem:$0x1FC90];
	(pc) =	sbr.rel @p0 .LBB2_2-.Ltmp2, $4  }
0x4ec: {  	s21 =	sshll.u32 s21, $0xB;
	s22 =	sand.u32 $0x7C0, s22;
	v42 =	vld [tilespmem:$0x1FD90]  }
0x4ed: {  	s21 =	sand.u32 $0xFFF0000, s21;
	s22 =	sadd.s32 s4, s22;
	v43 =	vld [tilespmem:$0x1FC80]  }
0x4ee: {  	s21 =	sadd.s32 s21, s22;
	v44 =	vld [tilespmem:$0x1FC70]  }
0x4ef: {  	v5 =	vlaneseq.u32;
	[hbm4b:s21+s9] =	stream.strided.scatter [tilespmem:s16], [sflag:$0x4], $0x4000, s14, s9, $0x38;
	v45 =	vld [tilespmem:$0x1FD70]  }
0x4f0: {  	s19 =	sadd.s32 $0x1, s19  }
0x4f1: {  	_ =	swait.ge [sflag:s17], $0x4000;
	p0 =	sne.s32 s19, s7  }
.Ltmp3:
0x4f2: {  	[sflag:s17] =	ssyncset.done $0x0;
	(pc) =	sbr.rel @p0 .LBB2_1-.Ltmp3, $4  }
0x4f3: {  	[sflag:s17] =	ssyncadd.s32 $0xFFFFC000  }
0x4f4: {  	_ =	swait.ge [sflag:s18], $0x4000  }
0x4f5: {  	[sflag:s18] =	ssyncset.done $0x0  }
0x4f6: {  	[sflag:s18] =	ssyncadd.s32 $0xFFFFC000  }
0x4f7: {  	_ =	sfence.sel $0x180000  }
0x4f8: {  	[bflag:$0x0] =	sbarrier.arrive $0xFFFF  }
0x4f9: {  	p0 =	sne.s32 s1, $0x0;
	_ =	strace $0x90000047  }
0x4fa: {  	s0 =	sadd.s32 @!p0 $0x100000, s0;
	[bflag:$0x2] =	sbarrier.arrive $0xFFFF  }
0x4fb: {  	[sflag:s0] =	ssyncadd.tile.s32 @!p0 $0x1;
	_ =	shalt  }
.Lfunc_end2:
_tile_overlayer_lowered:
.L_overlay_start_2:
0x4fc: {  	(tag) =	ssettag $0x2  }
0x4fd: {  	s0 =	rddreg [dreg:$0x0];
	s2 =	stileid.u32  }
0x4fe: {  	s1 =	rddreg [dreg:$0x1];
	p0 =	sne.s32 s2, $0x0  }
0x4ff: {  	s3 =	rddreg [dreg:$0x2];
	[bflag:$0x3] =	sbarrier.arrive $0xFFFF;
	s2 =	simm.s32 @!p0 $0x1C05  }
0x500: {  	[timem:s3], [sflag:s2] =	dma.local @!p0 [hbm:s0], s1  }
0x501: {  	s0 =	simm.s32 @!p0 $0x5  }
0x502: {  	_ =	swait.ge @!p0 [sflag:s0], s1  }
0x503: {  	s1 =	ssub.s32 @!p0 $0x0, s1;
	[sflag:s0] =	ssyncset.done @!p0 $0x0  }
0x504: {  	[sflag:s0] =	ssyncadd.s32 @!p0 s1  }
0x505: {  	[bflag:$0x3] =	sbarrier.arrive $0xFFFF  }
0x506: {  	_ =	shalt  }

</sc_bundles>
